<compile_context>
chip_gen: v7x
topology: tpu7x:2x2x1
jax: 0.10.2.dev20260603
libtpu: 0.0.44.dev20260713+nightly
codegen_flags: <defaults>
</compile_context>

<pallas_src>
import functools

import jax
import jax.numpy as jnp
from jax import lax
from jax.experimental import pallas as pl
from jax.experimental.pallas import tpu as pltpu
from jax.experimental.pallas import tpu_sc as plsc

DIM = 128
LANES = 16
NUM_CORES = 2
NUM_SUBCORES = 16
NUM_WORKERS = NUM_CORES * NUM_SUBCORES
NLG = DIM // LANES

COFF = (0, 104)
CLEN = (104, 96)


def _build_kernel(B, N, S, V):
    assert S == 2 and DIM == 128
    assert B % NUM_WORKERS == 0
    assert COFF[1] + CLEN[1] == N and all(c % 8 == 0 for c in COFF)
    b_per_w = B // NUM_WORKERS

    mesh = plsc.VectorSubcoreMesh(core_axis_name="c", subcore_axis_name="s")

    ob_shapes = [pltpu.VMEM((2 * CLEN[s % 2], DIM), jnp.float32)
                 for s in range(4)]
    ix_shapes = [pltpu.VMEM((CLEN[s % 2],), jnp.int32) for s in range(4)]

    @functools.partial(
        pl.kernel,
        mesh=mesh,
        out_type=jax.ShapeDtypeStruct((B * S * N, DIM), jnp.float32),
        scratch_types=ob_shapes + ix_shapes + [
            pltpu.VMEM((N, DIM), jnp.float32),
            pltpu.VMEM((S, DIM), jnp.float32),
        ] + [pltpu.SemaphoreType.DMA] * 13,
    )
    def k(x_hbm, table_hbm, pos_hbm, stream_hbm, out_hbm,
          ob0, ob1, ob2, ob3, ix0, ix1, ix2, ix3, pos_v, stream_v,
          gsem0, gsem1, gsem2, gsem3, wsem0, wsem1, wsem2, wsem3,
          isem0, isem1, isem2, isem3, psem):
        ob = (ob0, ob1, ob2, ob3)
        ix = (ix0, ix1, ix2, ix3)
        gsem = (gsem0, gsem1, gsem2, gsem3)
        wsem = (wsem0, wsem1, wsem2, wsem3)
        isem = (isem0, isem1, isem2, isem3)

        wid = lax.axis_index("s") * NUM_CORES + lax.axis_index("c")

        def b_of(q):
            return q * NUM_WORKERS + wid

        pltpu.async_copy(pos_hbm.at[pl.ds(0, N)], pos_v, psem)
        pltpu.async_copy(stream_hbm, stream_v, psem)

        def idx_fetch(q, h, s):
            boff = jnp.minimum(b_of(q), B - 1) * N + COFF[h]
            pltpu.async_copy(
                x_hbm.at[pl.ds(boff, CLEN[h])], ix[s], isem[s])

        def idx_wait(s):
            pltpu.make_async_copy(
                x_hbm.at[pl.ds(0, CLEN[s % 2])], ix[s], isem[s]).wait()

        def drain_w(s):
            h = s % 2
            pltpu.make_async_copy(
                ob[s].at[pl.ds(0, CLEN[h])],
                out_hbm.at[pl.ds(0, CLEN[h])], wsem[s]).wait()
            pltpu.make_async_copy(
                ob[s].at[pl.ds(CLEN[h], CLEN[h])],
                out_hbm.at[pl.ds(0, CLEN[h])], wsem[s]).wait()

        def a_stage(q, h, s, first):
            if not first:
                drain_w(s)
            idx_wait(s)
            pltpu.async_copy(
                table_hbm.at[ix[s]], ob[s].at[pl.ds(0, CLEN[h])], gsem[s])

        def b_stage(q, h, s):
            clen = CLEN[h]
            pltpu.make_async_copy(
                table_hbm.at[ix[s]], ob[s].at[pl.ds(0, clen)], gsem[s]).wait()
            idx_fetch(q + 2, h, s)

            def body_n(n, carry_n):
                for l in range(NLG):
                    sl = pl.ds(l * LANES, LANES)
                    t0 = ob[s][n, sl] + pos_v[COFF[h] + n, sl] + s0[l]
                    ob[s][n, sl] = t0
                    ob[s][clen + n, sl] = t0 + d[l]
                return carry_n

            lax.fori_loop(0, clen, body_n, 0)

            wrow = b_of(q) * (S * N) + COFF[h]
            pltpu.async_copy(
                ob[s].at[pl.ds(0, clen)],
                out_hbm.at[pl.ds(pl.multiple_of(wrow, 8), clen)], wsem[s])
            pltpu.async_copy(
                ob[s].at[pl.ds(clen, clen)],
                out_hbm.at[pl.ds(pl.multiple_of(wrow + N, 8), clen)], wsem[s])

        for s in range(4):
            idx_fetch(s // 2, s % 2, s)

        pltpu.make_async_copy(pos_hbm.at[pl.ds(0, N)], pos_v, psem).wait()
        pltpu.make_async_copy(stream_hbm, stream_v, psem).wait()
        s0 = [stream_v[0, pl.ds(l * LANES, LANES)] for l in range(NLG)]
        d = [stream_v[1, pl.ds(l * LANES, LANES)] - s0[l] for l in range(NLG)]

        def body_i(i, carry):
            for p in range(4):
                q = 2 * i + p // 2
                h = p % 2

                @pl.when(i > 0)
                def _():
                    a_stage(q, h, p, first=False)

                @pl.when(i == 0)
                def _():
                    a_stage(q, h, p, first=True)

                pq = 2 * i + (p - 1) // 2 if p > 0 else 2 * i - 1
                ph = (p - 1) % 2
                ps = (p - 1) % 4
                if p > 0:
                    b_stage(pq, ph, ps)
                else:
                    @pl.when(i > 0)
                    def _():
                        b_stage(pq, ph, ps)
            return carry

        lax.fori_loop(0, b_per_w // 2, body_i, 0)

        b_stage(b_per_w - 1, 1, 3)
        for s in range(4):
            drain_w(s)
            idx_wait(s)

    return k


def kernel(x, token_table, pos_table, stream_emb):
    B, N = x.shape
    S, D = stream_emb.shape
    V = token_table.shape[0]
    xflat = x.reshape(B * N).astype(jnp.int32)
    k = _build_kernel(B, N, S, V)
    out = k(xflat, token_table, pos_table, stream_emb)
    return out.reshape(B * S, N, D)

# --- scband reference (transcript-rebuilt; emitter-appended) ---
"""Pipeline reference for scband-token-and-pos-emb-19481971655343 (READ-ONLY COPY).

The authoritative reference and input builder live on the scoring server;
editing this copy changes nothing except your own understanding.
"""

import jax, jax.numpy as jnp
import numpy as np

DIM = 128
NUM_TOKENS = 100000
MAX_SEQ_LEN = 2048
NUM_STREAMS = 2
BATCH = 1024
SEQ = 200


def setup_inputs(seed: int = 0) -> dict:
    key = jax.random.key(seed)
    k1, k2, k3, k4 = jax.random.split(key, 4)
    x = jax.random.randint(k1, (BATCH, SEQ), 0, NUM_TOKENS, dtype=jnp.int64 if jax.config.jax_enable_x64 else jnp.int32)
    token_table = jax.random.normal(k2, (NUM_TOKENS, DIM), dtype=jnp.float32)
    pos_table = jax.random.normal(k3, (MAX_SEQ_LEN, DIM), dtype=jnp.float32)
    stream_emb = jax.random.normal(k4, (NUM_STREAMS, DIM), dtype=jnp.float32) * 0.02
    return {"x": x, "token_table": token_table, "pos_table": pos_table, "stream_emb": stream_emb}


def reference(x, token_table, pos_table, stream_emb):
    b, n = x.shape
    s, d = stream_emb.shape
    seq_idx = jnp.arange(n)
    token_emb = jnp.take(token_table, x, axis=0)            # [b, n, d]
    pos_emb = jnp.take(pos_table, seq_idx, axis=0)          # [n, d]
    # einx.add('b n d, n d, s d -> (b s) n d', ...)
    out = token_emb[:, None, :, :] + pos_emb[None, None, :, :] + stream_emb[None, :, None, :]  # [b, s, n, d]
    return out.reshape(b * s, n, d)

if __name__ == "__main__":
    import jax
    _d = setup_inputs()
    print(jax.jit(kernel)(*tuple(_d.values())))

</pallas_src>

<mosaic_0001>
#map = affine_map<(d0, d1) -> (0)>
#map1 = affine_map<(d0, d1) -> (0, 0)>
module attributes {stable_mosaic.version = 14 : i64} {
  func.func @k(%arg0: i32, %arg1: i32, %arg2: memref<204800xi32, #tpu.memory_space<hbm>>, %arg3: memref<100000x128xf32, #tpu.memory_space<hbm>>, %arg4: memref<2048x128xf32, #tpu.memory_space<hbm>>, %arg5: memref<2x128xf32, #tpu.memory_space<hbm>>, %arg6: memref<409600x128xf32, #tpu.memory_space<hbm>>, %arg7: memref<208x128xf32, #tpu.memory_space<vmem>>, %arg8: memref<192x128xf32, #tpu.memory_space<vmem>>, %arg9: memref<208x128xf32, #tpu.memory_space<vmem>>, %arg10: memref<192x128xf32, #tpu.memory_space<vmem>>, %arg11: memref<104xi32, #tpu.memory_space<vmem>>, %arg12: memref<96xi32, #tpu.memory_space<vmem>>, %arg13: memref<104xi32, #tpu.memory_space<vmem>>, %arg14: memref<96xi32, #tpu.memory_space<vmem>>, %arg15: memref<200x128xf32, #tpu.memory_space<vmem>>, %arg16: memref<2x128xf32, #tpu.memory_space<vmem>>, %arg17: memref<!tpu.dma_semaphore, #tpu.memory_space<semaphore_mem>>, %arg18: memref<!tpu.dma_semaphore, #tpu.memory_space<semaphore_mem>>, %arg19: memref<!tpu.dma_semaphore, #tpu.memory_space<semaphore_mem>>, %arg20: memref<!tpu.dma_semaphore, #tpu.memory_space<semaphore_mem>>, %arg21: memref<!tpu.dma_semaphore, #tpu.memory_space<semaphore_mem>>, %arg22: memref<!tpu.dma_semaphore, #tpu.memory_space<semaphore_mem>>, %arg23: memref<!tpu.dma_semaphore, #tpu.memory_space<semaphore_mem>>, %arg24: memref<!tpu.dma_semaphore, #tpu.memory_space<semaphore_mem>>, %arg25: memref<!tpu.dma_semaphore, #tpu.memory_space<semaphore_mem>>, %arg26: memref<!tpu.dma_semaphore, #tpu.memory_space<semaphore_mem>>, %arg27: memref<!tpu.dma_semaphore, #tpu.memory_space<semaphore_mem>>, %arg28: memref<!tpu.dma_semaphore, #tpu.memory_space<semaphore_mem>>, %arg29: memref<!tpu.dma_semaphore, #tpu.memory_space<semaphore_mem>>) attributes {dimension_semantics = [#tpu.dimension_semantics<core_parallel>, #tpu.dimension_semantics<subcore_parallel>], iteration_bounds = array<i64: 2, 16>, scalar_prefetch = 0 : i64, scratch_operands = 23 : i64, tpu.core_type = #tpu.core_type<sc_vector_subcore>, window_params = [{transform_indices = #map}, {transform_indices = #map1}, {transform_indices = #map1}, {transform_indices = #map1}, {transform_indices = #map1}]} {
    %mul3A = arith.constant 2 : i32
    %mul3A_0 = arith.muli %arg1, %mul3A : i32
    %add3A = arith.addi %mul3A_0, %arg0 : i32
    %dma_start3A = arith.constant 0 : i32
    %dma_start3A_1 = arith.constant 0 : i32
    %dma_start3A_2 = tpu.memref_slice %arg4[%dma_start3A, %dma_start3A_1] : memref<2048x128xf32, #tpu.memory_space<hbm>> -> memref<200x128xf32, #tpu.memory_space<hbm>>
    %dma_start3A_3 = arith.constant 0 : i32
    %dma_start3A_4 = arith.constant 0 : i32
    %dma_start3A_5 = tpu.memref_slice %arg4[%dma_start3A_3, %dma_start3A_4] : memref<2048x128xf32, #tpu.memory_space<hbm>> -> memref<200x128xf32, #tpu.memory_space<hbm>>
    tpu.enqueue_dma source(%dma_start3A_5 : memref<200x128xf32, #tpu.memory_space<hbm>>) target(%arg15 : memref<200x128xf32, #tpu.memory_space<vmem>>) target_semaphore(%arg29 : memref<!tpu.dma_semaphore, #tpu.memory_space<semaphore_mem>>)
    tpu.enqueue_dma source(%arg5 : memref<2x128xf32, #tpu.memory_space<hbm>>) target(%arg16 : memref<2x128xf32, #tpu.memory_space<vmem>>) target_semaphore(%arg29 : memref<!tpu.dma_semaphore, #tpu.memory_space<semaphore_mem>>)
    %add3A_6 = arith.constant 0 : i32
    %add3A_7 = arith.addi %add3A_6, %add3A : i32
    %min3A = arith.constant 1023 : i32
    %min3A_8 = arith.minsi %add3A_7, %min3A : i32
    %mul3A_9 = arith.constant 200 : i32
    %mul3A_10 = arith.muli %min3A_8, %mul3A_9 : i32
    %add3A_11 = arith.constant 0 : i32
    %add3A_12 = arith.addi %mul3A_10, %add3A_11 : i32
    %dma_start3A_13 = tpu.memref_slice %arg2[%add3A_12] : memref<204800xi32, #tpu.memory_space<hbm>> -> memref<104xi32, #tpu.memory_space<hbm>>
    %dma_start3A_14 = tpu.memref_slice %arg2[%add3A_12] : memref<204800xi32, #tpu.memory_space<hbm>> -> memref<104xi32, #tpu.memory_space<hbm>>
    tpu.enqueue_dma source(%dma_start3A_14 : memref<104xi32, #tpu.memory_space<hbm>>) target(%arg11 : memref<104xi32, #tpu.memory_space<vmem>>) target_semaphore(%arg25 : memref<!tpu.dma_semaphore, #tpu.memory_space<semaphore_mem>>)
    %add3A_15 = arith.constant 0 : i32
    %add3A_16 = arith.addi %add3A_15, %add3A : i32
    %min3A_17 = arith.constant 1023 : i32
    %min3A_18 = arith.minsi %add3A_16, %min3A_17 : i32
    %mul3A_19 = arith.constant 200 : i32
    %mul3A_20 = arith.muli %min3A_18, %mul3A_19 : i32
    %add3A_21 = arith.constant 104 : i32
    %add3A_22 = arith.addi %mul3A_20, %add3A_21 : i32
    %dma_start3A_23 = tpu.memref_slice %arg2[%add3A_22] : memref<204800xi32, #tpu.memory_space<hbm>> -> memref<96xi32, #tpu.memory_space<hbm>>
    %dma_start3A_24 = tpu.memref_slice %arg2[%add3A_22] : memref<204800xi32, #tpu.memory_space<hbm>> -> memref<96xi32, #tpu.memory_space<hbm>>
    tpu.enqueue_dma source(%dma_start3A_24 : memref<96xi32, #tpu.memory_space<hbm>>) target(%arg12 : memref<96xi32, #tpu.memory_space<vmem>>) target_semaphore(%arg26 : memref<!tpu.dma_semaphore, #tpu.memory_space<semaphore_mem>>)
    %add3A_25 = arith.constant 32 : i32
    %add3A_26 = arith.addi %add3A_25, %add3A : i32
    %min3A_27 = arith.constant 1023 : i32
    %min3A_28 = arith.minsi %add3A_26, %min3A_27 : i32
    %mul3A_29 = arith.constant 200 : i32
    %mul3A_30 = arith.muli %min3A_28, %mul3A_29 : i32
    %add3A_31 = arith.constant 0 : i32
    %add3A_32 = arith.addi %mul3A_30, %add3A_31 : i32
    %dma_start3A_33 = tpu.memref_slice %arg2[%add3A_32] : memref<204800xi32, #tpu.memory_space<hbm>> -> memref<104xi32, #tpu.memory_space<hbm>>
    %dma_start3A_34 = tpu.memref_slice %arg2[%add3A_32] : memref<204800xi32, #tpu.memory_space<hbm>> -> memref<104xi32, #tpu.memory_space<hbm>>
    tpu.enqueue_dma source(%dma_start3A_34 : memref<104xi32, #tpu.memory_space<hbm>>) target(%arg13 : memref<104xi32, #tpu.memory_space<vmem>>) target_semaphore(%arg27 : memref<!tpu.dma_semaphore, #tpu.memory_space<semaphore_mem>>)
    %add3A_35 = arith.constant 32 : i32
    %add3A_36 = arith.addi %add3A_35, %add3A : i32
    %min3A_37 = arith.constant 1023 : i32
    %min3A_38 = arith.minsi %add3A_36, %min3A_37 : i32
    %mul3A_39 = arith.constant 200 : i32
    %mul3A_40 = arith.muli %min3A_38, %mul3A_39 : i32
    %add3A_41 = arith.constant 104 : i32
    %add3A_42 = arith.addi %mul3A_40, %add3A_41 : i32
    %dma_start3A_43 = tpu.memref_slice %arg2[%add3A_42] : memref<204800xi32, #tpu.memory_space<hbm>> -> memref<96xi32, #tpu.memory_space<hbm>>
    %dma_start3A_44 = tpu.memref_slice %arg2[%add3A_42] : memref<204800xi32, #tpu.memory_space<hbm>> -> memref<96xi32, #tpu.memory_space<hbm>>
    tpu.enqueue_dma source(%dma_start3A_44 : memref<96xi32, #tpu.memory_space<hbm>>) target(%arg14 : memref<96xi32, #tpu.memory_space<vmem>>) target_semaphore(%arg28 : memref<!tpu.dma_semaphore, #tpu.memory_space<semaphore_mem>>)
    %dma_wait3A = arith.constant 0 : i32
    %dma_wait3A_45 = arith.constant 0 : i32
    %dma_wait3A_46 = tpu.memref_slice %arg4[%dma_wait3A, %dma_wait3A_45] : memref<2048x128xf32, #tpu.memory_space<hbm>> -> memref<200x128xf32, #tpu.memory_space<hbm>>
    %dma_wait3A_47 = arith.constant 0 : i32
    %dma_wait3A_48 = arith.constant 0 : i32
    %dma_wait3A_49 = tpu.memref_slice %arg4[%dma_wait3A_47, %dma_wait3A_48] : memref<2048x128xf32, #tpu.memory_space<hbm>> -> memref<200x128xf32, #tpu.memory_space<hbm>>
    tpu.wait_dma2 semaphore(%arg29 : memref<!tpu.dma_semaphore, #tpu.memory_space<semaphore_mem>>) src(%dma_wait3A_49 : memref<200x128xf32, #tpu.memory_space<hbm>>) dst(%arg15 : memref<200x128xf32, #tpu.memory_space<vmem>>)
    tpu.wait_dma2 semaphore(%arg29 : memref<!tpu.dma_semaphore, #tpu.memory_space<semaphore_mem>>) src(%arg5 : memref<2x128xf32, #tpu.memory_space<hbm>>) dst(%arg16 : memref<2x128xf32, #tpu.memory_space<vmem>>)
    %get3A = arith.constant 0 : i32
    %get3A_50 = arith.index_cast %get3A : i32 to index
    %get3A_51 = arith.constant 0 : index
    %get3A_52 = tpu.vector_load %arg16[%get3A_50, %get3A_51] {strides = array<i32>} : memref<2x128xf32, #tpu.memory_space<vmem>>, vector<1x16xf32>,
    %get3A_53 = vector.shape_cast %get3A_52 : vector<1x16xf32> to vector<16xf32>
    %get3A_54 = arith.constant 0 : i32
    %get3A_55 = arith.index_cast %get3A_54 : i32 to index
    %get3A_56 = arith.constant 16 : index
    %get3A_57 = tpu.vector_load %arg16[%get3A_55, %get3A_56] {strides = array<i32>} : memref<2x128xf32, #tpu.memory_space<vmem>>, vector<1x16xf32>,
    %get3A_58 = vector.shape_cast %get3A_57 : vector<1x16xf32> to vector<16xf32>
    %get3A_59 = arith.constant 0 : i32
    %get3A_60 = arith.index_cast %get3A_59 : i32 to index
    %get3A_61 = arith.constant 32 : index
    %get3A_62 = tpu.vector_load %arg16[%get3A_60, %get3A_61] {strides = array<i32>} : memref<2x128xf32, #tpu.memory_space<vmem>>, vector<1x16xf32>,
    %get3A_63 = vector.shape_cast %get3A_62 : vector<1x16xf32> to vector<16xf32>
    %get3A_64 = arith.constant 0 : i32
    %get3A_65 = arith.index_cast %get3A_64 : i32 to index
    %get3A_66 = arith.constant 48 : index
    %get3A_67 = tpu.vector_load %arg16[%get3A_65, %get3A_66] {strides = array<i32>} : memref<2x128xf32, #tpu.memory_space<vmem>>, vector<1x16xf32>,
    %get3A_68 = vector.shape_cast %get3A_67 : vector<1x16xf32> to vector<16xf32>
    %get3A_69 = arith.constant 0 : i32
    %get3A_70 = arith.index_cast %get3A_69 : i32 to index
    %get3A_71 = arith.constant 64 : index
    %get3A_72 = tpu.vector_load %arg16[%get3A_70, %get3A_71] {strides = array<i32>} : memref<2x128xf32, #tpu.memory_space<vmem>>, vector<1x16xf32>,
    %get3A_73 = vector.shape_cast %get3A_72 : vector<1x16xf32> to vector<16xf32>
    %get3A_74 = arith.constant 0 : i32
    %get3A_75 = arith.index_cast %get3A_74 : i32 to index
    %get3A_76 = arith.constant 80 : index
    %get3A_77 = tpu.vector_load %arg16[%get3A_75, %get3A_76] {strides = array<i32>} : memref<2x128xf32, #tpu.memory_space<vmem>>, vector<1x16xf32>,
    %get3A_78 = vector.shape_cast %get3A_77 : vector<1x16xf32> to vector<16xf32>
    %get3A_79 = arith.constant 0 : i32
    %get3A_80 = arith.index_cast %get3A_79 : i32 to index
    %get3A_81 = arith.constant 96 : index
    %get3A_82 = tpu.vector_load %arg16[%get3A_80, %get3A_81] {strides = array<i32>} : memref<2x128xf32, #tpu.memory_space<vmem>>, vector<1x16xf32>,
    %get3A_83 = vector.shape_cast %get3A_82 : vector<1x16xf32> to vector<16xf32>
    %get3A_84 = arith.constant 0 : i32
    %get3A_85 = arith.index_cast %get3A_84 : i32 to index
    %get3A_86 = arith.constant 112 : index
    %get3A_87 = tpu.vector_load %arg16[%get3A_85, %get3A_86] {strides = array<i32>} : memref<2x128xf32, #tpu.memory_space<vmem>>, vector<1x16xf32>,
    %get3A_88 = vector.shape_cast %get3A_87 : vector<1x16xf32> to vector<16xf32>
    %get3A_89 = arith.constant 1 : i32
    %get3A_90 = arith.index_cast %get3A_89 : i32 to index
    %get3A_91 = arith.constant 0 : index
    %get3A_92 = tpu.vector_load %arg16[%get3A_90, %get3A_91] {strides = array<i32>} : memref<2x128xf32, #tpu.memory_space<vmem>>, vector<1x16xf32>,
    %get3A_93 = vector.shape_cast %get3A_92 : vector<1x16xf32> to vector<16xf32>
    %sub3A = arith.subf %get3A_93, %get3A_53 : vector<16xf32>
    %get3A_94 = arith.constant 1 : i32
    %get3A_95 = arith.index_cast %get3A_94 : i32 to index
    %get3A_96 = arith.constant 16 : index
    %get3A_97 = tpu.vector_load %arg16[%get3A_95, %get3A_96] {strides = array<i32>} : memref<2x128xf32, #tpu.memory_space<vmem>>, vector<1x16xf32>,
    %get3A_98 = vector.shape_cast %get3A_97 : vector<1x16xf32> to vector<16xf32>
    %sub3A_99 = arith.subf %get3A_98, %get3A_58 : vector<16xf32>
    %get3A_100 = arith.constant 1 : i32
    %get3A_101 = arith.index_cast %get3A_100 : i32 to index
    %get3A_102 = arith.constant 32 : index
    %get3A_103 = tpu.vector_load %arg16[%get3A_101, %get3A_102] {strides = array<i32>} : memref<2x128xf32, #tpu.memory_space<vmem>>, vector<1x16xf32>,
    %get3A_104 = vector.shape_cast %get3A_103 : vector<1x16xf32> to vector<16xf32>
    %sub3A_105 = arith.subf %get3A_104, %get3A_63 : vector<16xf32>
    %get3A_106 = arith.constant 1 : i32
    %get3A_107 = arith.index_cast %get3A_106 : i32 to index
    %get3A_108 = arith.constant 48 : index
    %get3A_109 = tpu.vector_load %arg16[%get3A_107, %get3A_108] {strides = array<i32>} : memref<2x128xf32, #tpu.memory_space<vmem>>, vector<1x16xf32>,
    %get3A_110 = vector.shape_cast %get3A_109 : vector<1x16xf32> to vector<16xf32>
    %sub3A_111 = arith.subf %get3A_110, %get3A_68 : vector<16xf32>
    %get3A_112 = arith.constant 1 : i32
    %get3A_113 = arith.index_cast %get3A_112 : i32 to index
    %get3A_114 = arith.constant 64 : index
    %get3A_115 = tpu.vector_load %arg16[%get3A_113, %get3A_114] {strides = array<i32>} : memref<2x128xf32, #tpu.memory_space<vmem>>, vector<1x16xf32>,
    %get3A_116 = vector.shape_cast %get3A_115 : vector<1x16xf32> to vector<16xf32>
    %sub3A_117 = arith.subf %get3A_116, %get3A_73 : vector<16xf32>
    %get3A_118 = arith.constant 1 : i32
    %get3A_119 = arith.index_cast %get3A_118 : i32 to index
    %get3A_120 = arith.constant 80 : index
    %get3A_121 = tpu.vector_load %arg16[%get3A_119, %get3A_120] {strides = array<i32>} : memref<2x128xf32, #tpu.memory_space<vmem>>, vector<1x16xf32>,
    %get3A_122 = vector.shape_cast %get3A_121 : vector<1x16xf32> to vector<16xf32>
    %sub3A_123 = arith.subf %get3A_122, %get3A_78 : vector<16xf32>
    %get3A_124 = arith.constant 1 : i32
    %get3A_125 = arith.index_cast %get3A_124 : i32 to index
    %get3A_126 = arith.constant 96 : index
    %get3A_127 = tpu.vector_load %arg16[%get3A_125, %get3A_126] {strides = array<i32>} : memref<2x128xf32, #tpu.memory_space<vmem>>, vector<1x16xf32>,
    %get3A_128 = vector.shape_cast %get3A_127 : vector<1x16xf32> to vector<16xf32>
    %sub3A_129 = arith.subf %get3A_128, %get3A_83 : vector<16xf32>
    %get3A_130 = arith.constant 1 : i32
    %get3A_131 = arith.index_cast %get3A_130 : i32 to index
    %get3A_132 = arith.constant 112 : index
    %get3A_133 = tpu.vector_load %arg16[%get3A_131, %get3A_132] {strides = array<i32>} : memref<2x128xf32, #tpu.memory_space<vmem>>, vector<1x16xf32>,
    %get3A_134 = vector.shape_cast %get3A_133 : vector<1x16xf32> to vector<16xf32>
    %sub3A_135 = arith.subf %get3A_134, %get3A_88 : vector<16xf32>
    %scan3A = arith.constant 0 : i32
    %scan3A_136 = arith.constant 0 : i32
    %scan3A_137 = arith.constant 16 : i32
    %scan3A_138 = arith.addi %scan3A_136, %scan3A_137 : i32
    %scan3A_139 = arith.constant 1 : i32
    scf.for %scan3A_304 = %scan3A_136 to %scan3A_138 step %scan3A_139  : i32 {
      %mul3A_305 = arith.constant 2 : i32
      %mul3A_306 = arith.muli %mul3A_305, %scan3A_304 : i32
      %add3A_307 = arith.constant 0 : i32
      %add3A_308 = arith.addi %mul3A_306, %add3A_307 : i32
      %gt3A = arith.constant 0 : i32
      %gt3A_309 = arith.cmpi sgt, %scan3A_304, %gt3A : i32
      %convert_element_type3A = arith.extui %gt3A_309 : i1 to i32
      %cond3A = arith.constant 0 : i32
      %cond3A_310 = arith.cmpi ne, %convert_element_type3A, %cond3A : i32
      scf.if %cond3A_310 {
        %dma_wait3A_546 = arith.constant 0 : i32
        %dma_wait3A_547 = arith.constant 0 : i32
        %dma_wait3A_548 = tpu.memref_slice %arg7[%dma_wait3A_546, %dma_wait3A_547] : memref<208x128xf32, #tpu.memory_space<vmem>> -> memref<104x128xf32, #tpu.memory_space<vmem>>
        %dma_wait3A_549 = arith.constant 0 : i32
        %dma_wait3A_550 = arith.constant 0 : i32
        %dma_wait3A_551 = tpu.memref_slice %arg6[%dma_wait3A_549, %dma_wait3A_550] : memref<409600x128xf32, #tpu.memory_space<hbm>> -> memref<104x128xf32, #tpu.memory_space<hbm>>
        %dma_wait3A_552 = arith.constant 0 : i32
        %dma_wait3A_553 = arith.constant 0 : i32
        %dma_wait3A_554 = tpu.memref_slice %arg6[%dma_wait3A_552, %dma_wait3A_553] : memref<409600x128xf32, #tpu.memory_space<hbm>> -> memref<104x128xf32, #tpu.memory_space<hbm>>
        %dma_wait3A_555 = arith.constant 0 : i32
        %dma_wait3A_556 = arith.constant 0 : i32
        %dma_wait3A_557 = tpu.memref_slice %arg7[%dma_wait3A_555, %dma_wait3A_556] : memref<208x128xf32, #tpu.memory_space<vmem>> -> memref<104x128xf32, #tpu.memory_space<vmem>>
        tpu.wait_dma2 semaphore(%arg21 : memref<!tpu.dma_semaphore, #tpu.memory_space<semaphore_mem>>) src(%dma_wait3A_557 : memref<104x128xf32, #tpu.memory_space<vmem>>) dst(%dma_wait3A_554 : memref<104x128xf32, #tpu.memory_space<hbm>>)
        %dma_wait3A_558 = arith.constant 104 : i32
        %dma_wait3A_559 = arith.constant 0 : i32
        %dma_wait3A_560 = tpu.memref_slice %arg7[%dma_wait3A_558, %dma_wait3A_559] : memref<208x128xf32, #tpu.memory_space<vmem>> -> memref<104x128xf32, #tpu.memory_space<vmem>>
        %dma_wait3A_561 = arith.constant 0 : i32
        %dma_wait3A_562 = arith.constant 0 : i32
        %dma_wait3A_563 = tpu.memref_slice %arg6[%dma_wait3A_561, %dma_wait3A_562] : memref<409600x128xf32, #tpu.memory_space<hbm>> -> memref<104x128xf32, #tpu.memory_space<hbm>>
        %dma_wait3A_564 = arith.constant 0 : i32
        %dma_wait3A_565 = arith.constant 0 : i32
        %dma_wait3A_566 = tpu.memref_slice %arg6[%dma_wait3A_564, %dma_wait3A_565] : memref<409600x128xf32, #tpu.memory_space<hbm>> -> memref<104x128xf32, #tpu.memory_space<hbm>>
        %dma_wait3A_567 = arith.constant 104 : i32
        %dma_wait3A_568 = arith.constant 0 : i32
        %dma_wait3A_569 = tpu.memref_slice %arg7[%dma_wait3A_567, %dma_wait3A_568] : memref<208x128xf32, #tpu.memory_space<vmem>> -> memref<104x128xf32, #tpu.memory_space<vmem>>
        tpu.wait_dma2 semaphore(%arg21 : memref<!tpu.dma_semaphore, #tpu.memory_space<semaphore_mem>>) src(%dma_wait3A_569 : memref<104x128xf32, #tpu.memory_space<vmem>>) dst(%dma_wait3A_566 : memref<104x128xf32, #tpu.memory_space<hbm>>)
        %dma_wait3A_570 = arith.constant 0 : i32
        %dma_wait3A_571 = tpu.memref_slice %arg2[%dma_wait3A_570] : memref<204800xi32, #tpu.memory_space<hbm>> -> memref<104xi32, #tpu.memory_space<hbm>>
        %dma_wait3A_572 = arith.constant 0 : i32
        %dma_wait3A_573 = tpu.memref_slice %arg2[%dma_wait3A_572] : memref<204800xi32, #tpu.memory_space<hbm>> -> memref<104xi32, #tpu.memory_space<hbm>>
        tpu.wait_dma2 semaphore(%arg25 : memref<!tpu.dma_semaphore, #tpu.memory_space<semaphore_mem>>) src(%dma_wait3A_573 : memref<104xi32, #tpu.memory_space<hbm>>) dst(%arg11 : memref<104xi32, #tpu.memory_space<vmem>>)
        %dma_start3A_574 = arith.constant 0 : i32
        %dma_start3A_575 = arith.constant 0 : i32
        %dma_start3A_576 = tpu.memref_slice %arg7[%dma_start3A_574, %dma_start3A_575] : memref<208x128xf32, #tpu.memory_space<vmem>> -> memref<104x128xf32, #tpu.memory_space<vmem>>
        %dma_start3A_577 = arith.constant 0 : i32
        %dma_start3A_578 = arith.constant 0 : i32
        %dma_start3A_579 = tpu.memref_slice %arg3[%dma_start3A_577, %dma_start3A_578] : memref<100000x128xf32, #tpu.memory_space<hbm>> -> memref<100000x128xf32, #tpu.memory_space<hbm>>
        tpu.enqueue_indirect_dma source(%dma_start3A_579 : memref<100000x128xf32, #tpu.memory_space<hbm>>) target(%dma_start3A_576 : memref<104x128xf32, #tpu.memory_space<vmem>>) offsets(%arg11 : memref<104xi32, #tpu.memory_space<vmem>>) semaphore(%arg17 : memref<!tpu.dma_semaphore, #tpu.memory_space<semaphore_mem>>)
      } else {
      }
      %eq3A = arith.constant 0 : i32
      %eq3A_311 = arith.cmpi eq, %scan3A_304, %eq3A : i32
      %convert_element_type3A_312 = arith.extui %eq3A_311 : i1 to i32
      %cond3A_313 = arith.constant 0 : i32
      %cond3A_314 = arith.cmpi ne, %convert_element_type3A_312, %cond3A_313 : i32
      scf.if %cond3A_314 {
        %dma_wait3A_546 = arith.constant 0 : i32
        %dma_wait3A_547 = tpu.memref_slice %arg2[%dma_wait3A_546] : memref<204800xi32, #tpu.memory_space<hbm>> -> memref<104xi32, #tpu.memory_space<hbm>>
        %dma_wait3A_548 = arith.constant 0 : i32
        %dma_wait3A_549 = tpu.memref_slice %arg2[%dma_wait3A_548] : memref<204800xi32, #tpu.memory_space<hbm>> -> memref<104xi32, #tpu.memory_space<hbm>>
        tpu.wait_dma2 semaphore(%arg25 : memref<!tpu.dma_semaphore, #tpu.memory_space<semaphore_mem>>) src(%dma_wait3A_549 : memref<104xi32, #tpu.memory_space<hbm>>) dst(%arg11 : memref<104xi32, #tpu.memory_space<vmem>>)
        %dma_start3A_550 = arith.constant 0 : i32
        %dma_start3A_551 = arith.constant 0 : i32
        %dma_start3A_552 = tpu.memref_slice %arg7[%dma_start3A_550, %dma_start3A_551] : memref<208x128xf32, #tpu.memory_space<vmem>> -> memref<104x128xf32, #tpu.memory_space<vmem>>
        %dma_start3A_553 = arith.constant 0 : i32
        %dma_start3A_554 = arith.constant 0 : i32
        %dma_start3A_555 = tpu.memref_slice %arg3[%dma_start3A_553, %dma_start3A_554] : memref<100000x128xf32, #tpu.memory_space<hbm>> -> memref<100000x128xf32, #tpu.memory_space<hbm>>
        tpu.enqueue_indirect_dma source(%dma_start3A_555 : memref<100000x128xf32, #tpu.memory_space<hbm>>) target(%dma_start3A_552 : memref<104x128xf32, #tpu.memory_space<vmem>>) offsets(%arg11 : memref<104xi32, #tpu.memory_space<vmem>>) semaphore(%arg17 : memref<!tpu.dma_semaphore, #tpu.memory_space<semaphore_mem>>)
      } else {
      }
      %mul3A_315 = arith.constant 2 : i32
      %mul3A_316 = arith.muli %mul3A_315, %scan3A_304 : i32
      %sub3A_317 = arith.constant 1 : i32
      %sub3A_318 = arith.subi %mul3A_316, %sub3A_317 : i32
      %gt3A_319 = arith.constant 0 : i32
      %gt3A_320 = arith.cmpi sgt, %scan3A_304, %gt3A_319 : i32
      %convert_element_type3A_321 = arith.extui %gt3A_320 : i1 to i32
      %cond3A_322 = arith.constant 0 : i32
      %cond3A_323 = arith.cmpi ne, %convert_element_type3A_321, %cond3A_322 : i32
      scf.if %cond3A_323 {
        %dma_wait3A_546 = arith.constant 0 : i32
        %dma_wait3A_547 = arith.constant 0 : i32
        %dma_wait3A_548 = tpu.memref_slice %arg10[%dma_wait3A_546, %dma_wait3A_547] : memref<192x128xf32, #tpu.memory_space<vmem>> -> memref<96x128xf32, #tpu.memory_space<vmem>>
        %dma_wait3A_549 = arith.constant 0 : i32
        %dma_wait3A_550 = arith.constant 0 : i32
        %dma_wait3A_551 = tpu.memref_slice %arg3[%dma_wait3A_549, %dma_wait3A_550] : memref<100000x128xf32, #tpu.memory_space<hbm>> -> memref<100000x128xf32, #tpu.memory_space<hbm>>
        tpu.wait_indirect_dma semaphore(%arg20 : memref<!tpu.dma_semaphore, #tpu.memory_space<semaphore_mem>>) src(%dma_wait3A_551 : memref<100000x128xf32, #tpu.memory_space<hbm>>) dst(%dma_wait3A_548 : memref<96x128xf32, #tpu.memory_space<vmem>>)
        %add3A_552 = arith.constant 2 : i32
        %add3A_553 = arith.addi %sub3A_318, %add3A_552 : i32
        %mul3A_554 = arith.constant 32 : i32
        %mul3A_555 = arith.muli %add3A_553, %mul3A_554 : i32
        %add3A_556 = arith.addi %mul3A_555, %add3A : i32
        %min3A_557 = arith.constant 1023 : i32
        %min3A_558 = arith.minsi %add3A_556, %min3A_557 : i32
        %mul3A_559 = arith.constant 200 : i32
        %mul3A_560 = arith.muli %min3A_558, %mul3A_559 : i32
        %add3A_561 = arith.constant 104 : i32
        %add3A_562 = arith.addi %mul3A_560, %add3A_561 : i32
        %dma_start3A_563 = tpu.memref_slice %arg2[%add3A_562] : memref<204800xi32, #tpu.memory_space<hbm>> -> memref<96xi32, #tpu.memory_space<hbm>>
        %dma_start3A_564 = tpu.memref_slice %arg2[%add3A_562] : memref<204800xi32, #tpu.memory_space<hbm>> -> memref<96xi32, #tpu.memory_space<hbm>>
        tpu.enqueue_dma source(%dma_start3A_564 : memref<96xi32, #tpu.memory_space<hbm>>) target(%arg14 : memref<96xi32, #tpu.memory_space<vmem>>) target_semaphore(%arg28 : memref<!tpu.dma_semaphore, #tpu.memory_space<semaphore_mem>>)
        %scan3A_565 = arith.constant 0 : i32
        %scan3A_566 = arith.constant 0 : i32
        %scan3A_567 = arith.constant 96 : i32
        %scan3A_568 = arith.addi %scan3A_566, %scan3A_567 : i32
        %scan3A_569 = arith.constant 1 : i32
        scf.for %scan3A_602 = %scan3A_566 to %scan3A_568 step %scan3A_569  : i32 {
          %get3A_603 = arith.index_cast %scan3A_602 : i32 to index
          %get3A_604 = arith.constant 0 : index
          %get3A_605 = tpu.vector_load %arg10[%get3A_603, %get3A_604] {strides = array<i32>} : memref<192x128xf32, #tpu.memory_space<vmem>>, vector<1x16xf32>,
          %get3A_606 = vector.shape_cast %get3A_605 : vector<1x16xf32> to vector<16xf32>
          %add3A_607 = arith.constant 104 : i32
          %add3A_608 = arith.addi %add3A_607, %scan3A_602 : i32
          %get3A_609 = arith.index_cast %add3A_608 : i32 to index
          %get3A_610 = arith.constant 0 : index
          %get3A_611 = tpu.vector_load %arg15[%get3A_609, %get3A_610] {strides = array<i32>} : memref<200x128xf32, #tpu.memory_space<vmem>>, vector<1x16xf32>,
          %get3A_612 = vector.shape_cast %get3A_611 : vector<1x16xf32> to vector<16xf32>
          %add3A_613 = arith.addf %get3A_606, %get3A_612 : vector<16xf32>
          %add3A_614 = arith.addf %add3A_613, %get3A_53 : vector<16xf32>
          %swap3A = arith.index_cast %scan3A_602 : i32 to index
          %swap3A_615 = arith.constant 0 : index
          %swap3A_616 = tpu.vector_load %arg10[%swap3A, %swap3A_615] {strides = array<i32>} : memref<192x128xf32, #tpu.memory_space<vmem>>, vector<1x16xf32>,
          %swap3A_617 = vector.shape_cast %swap3A_616 : vector<1x16xf32> to vector<16xf32>
          %swap3A_618 = vector.shape_cast %add3A_614 : vector<16xf32> to vector<1x16xf32>
          tpu.vector_store %arg10[%swap3A, %swap3A_615], %swap3A_618 {strides = array<i32>} : memref<192x128xf32, #tpu.memory_space<vmem>>, vector<1x16xf32>,
          %add3A_619 = arith.addf %add3A_614, %sub3A : vector<16xf32>
          %add3A_620 = arith.constant 96 : i32
          %add3A_621 = arith.addi %add3A_620, %scan3A_602 : i32
          %swap3A_622 = arith.index_cast %add3A_621 : i32 to index
          %swap3A_623 = arith.constant 0 : index
          %swap3A_624 = tpu.vector_load %arg10[%swap3A_622, %swap3A_623] {strides = array<i32>} : memref<192x128xf32, #tpu.memory_space<vmem>>, vector<1x16xf32>,
          %swap3A_625 = vector.shape_cast %swap3A_624 : vector<1x16xf32> to vector<16xf32>
          %swap3A_626 = vector.shape_cast %add3A_619 : vector<16xf32> to vector<1x16xf32>
          tpu.vector_store %arg10[%swap3A_622, %swap3A_623], %swap3A_626 {strides = array<i32>} : memref<192x128xf32, #tpu.memory_space<vmem>>, vector<1x16xf32>,
          %get3A_627 = arith.index_cast %scan3A_602 : i32 to index
          %get3A_628 = arith.constant 16 : index
          %get3A_629 = tpu.vector_load %arg10[%get3A_627, %get3A_628] {strides = array<i32>} : memref<192x128xf32, #tpu.memory_space<vmem>>, vector<1x16xf32>,
          %get3A_630 = vector.shape_cast %get3A_629 : vector<1x16xf32> to vector<16xf32>
          %add3A_631 = arith.constant 104 : i32
          %add3A_632 = arith.addi %add3A_631, %scan3A_602 : i32
          %get3A_633 = arith.index_cast %add3A_632 : i32 to index
          %get3A_634 = arith.constant 16 : index
          %get3A_635 = tpu.vector_load %arg15[%get3A_633, %get3A_634] {strides = array<i32>} : memref<200x128xf32, #tpu.memory_space<vmem>>, vector<1x16xf32>,
          %get3A_636 = vector.shape_cast %get3A_635 : vector<1x16xf32> to vector<16xf32>
          %add3A_637 = arith.addf %get3A_630, %get3A_636 : vector<16xf32>
          %add3A_638 = arith.addf %add3A_637, %get3A_58 : vector<16xf32>
          %swap3A_639 = arith.index_cast %scan3A_602 : i32 to index
          %swap3A_640 = arith.constant 16 : index
          %swap3A_641 = tpu.vector_load %arg10[%swap3A_639, %swap3A_640] {strides = array<i32>} : memref<192x128xf32, #tpu.memory_space<vmem>>, vector<1x16xf32>,
          %swap3A_642 = vector.shape_cast %swap3A_641 : vector<1x16xf32> to vector<16xf32>
          %swap3A_643 = vector.shape_cast %add3A_638 : vector<16xf32> to vector<1x16xf32>
          tpu.vector_store %arg10[%swap3A_639, %swap3A_640], %swap3A_643 {strides = array<i32>} : memref<192x128xf32, #tpu.memory_space<vmem>>, vector<1x16xf32>,
          %add3A_644 = arith.addf %add3A_638, %sub3A_99 : vector<16xf32>
          %add3A_645 = arith.constant 96 : i32
          %add3A_646 = arith.addi %add3A_645, %scan3A_602 : i32
          %swap3A_647 = arith.index_cast %add3A_646 : i32 to index
          %swap3A_648 = arith.constant 16 : index
          %swap3A_649 = tpu.vector_load %arg10[%swap3A_647, %swap3A_648] {strides = array<i32>} : memref<192x128xf32, #tpu.memory_space<vmem>>, vector<1x16xf32>,
          %swap3A_650 = vector.shape_cast %swap3A_649 : vector<1x16xf32> to vector<16xf32>
          %swap3A_651 = vector.shape_cast %add3A_644 : vector<16xf32> to vector<1x16xf32>
          tpu.vector_store %arg10[%swap3A_647, %swap3A_648], %swap3A_651 {strides = array<i32>} : memref<192x128xf32, #tpu.memory_space<vmem>>, vector<1x16xf32>,
          %get3A_652 = arith.index_cast %scan3A_602 : i32 to index
          %get3A_653 = arith.constant 32 : index
          %get3A_654 = tpu.vector_load %arg10[%get3A_652, %get3A_653] {strides = array<i32>} : memref<192x128xf32, #tpu.memory_space<vmem>>, vector<1x16xf32>,
          %get3A_655 = vector.shape_cast %get3A_654 : vector<1x16xf32> to vector<16xf32>
          %add3A_656 = arith.constant 104 : i32
          %add3A_657 = arith.addi %add3A_656, %scan3A_602 : i32
          %get3A_658 = arith.index_cast %add3A_657 : i32 to index
          %get3A_659 = arith.constant 32 : index
          %get3A_660 = tpu.vector_load %arg15[%get3A_658, %get3A_659] {strides = array<i32>} : memref<200x128xf32, #tpu.memory_space<vmem>>, vector<1x16xf32>,
          %get3A_661 = vector.shape_cast %get3A_660 : vector<1x16xf32> to vector<16xf32>
          %add3A_662 = arith.addf %get3A_655, %get3A_661 : vector<16xf32>
          %add3A_663 = arith.addf %add3A_662, %get3A_63 : vector<16xf32>
          %swap3A_664 = arith.index_cast %scan3A_602 : i32 to index
          %swap3A_665 = arith.constant 32 : index
          %swap3A_666 = tpu.vector_load %arg10[%swap3A_664, %swap3A_665] {strides = array<i32>} : memref<192x128xf32, #tpu.memory_space<vmem>>, vector<1x16xf32>,
          %swap3A_667 = vector.shape_cast %swap3A_666 : vector<1x16xf32> to vector<16xf32>
          %swap3A_668 = vector.shape_cast %add3A_663 : vector<16xf32> to vector<1x16xf32>
          tpu.vector_store %arg10[%swap3A_664, %swap3A_665], %swap3A_668 {strides = array<i32>} : memref<192x128xf32, #tpu.memory_space<vmem>>, vector<1x16xf32>,
          %add3A_669 = arith.addf %add3A_663, %sub3A_105 : vector<16xf32>
          %add3A_670 = arith.constant 96 : i32
          %add3A_671 = arith.addi %add3A_670, %scan3A_602 : i32
          %swap3A_672 = arith.index_cast %add3A_671 : i32 to index
          %swap3A_673 = arith.constant 32 : index
          %swap3A_674 = tpu.vector_load %arg10[%swap3A_672, %swap3A_673] {strides = array<i32>} : memref<192x128xf32, #tpu.memory_space<vmem>>, vector<1x16xf32>,
          %swap3A_675 = vector.shape_cast %swap3A_674 : vector<1x16xf32> to vector<16xf32>
          %swap3A_676 = vector.shape_cast %add3A_669 : vector<16xf32> to vector<1x16xf32>
          tpu.vector_store %arg10[%swap3A_672, %swap3A_673], %swap3A_676 {strides = array<i32>} : memref<192x128xf32, #tpu.memory_space<vmem>>, vector<1x16xf32>,
          %get3A_677 = arith.index_cast %scan3A_602 : i32 to index
          %get3A_678 = arith.constant 48 : index
          %get3A_679 = tpu.vector_load %arg10[%get3A_677, %get3A_678] {strides = array<i32>} : memref<192x128xf32, #tpu.memory_space<vmem>>, vector<1x16xf32>,
          %get3A_680 = vector.shape_cast %get3A_679 : vector<1x16xf32> to vector<16xf32>
          %add3A_681 = arith.constant 104 : i32
          %add3A_682 = arith.addi %add3A_681, %scan3A_602 : i32
          %get3A_683 = arith.index_cast %add3A_682 : i32 to index
          %get3A_684 = arith.constant 48 : index
          %get3A_685 = tpu.vector_load %arg15[%get3A_683, %get3A_684] {strides = array<i32>} : memref<200x128xf32, #tpu.memory_space<vmem>>, vector<1x16xf32>,
          %get3A_686 = vector.shape_cast %get3A_685 : vector<1x16xf32> to vector<16xf32>
          %add3A_687 = arith.addf %get3A_680, %get3A_686 : vector<16xf32>
          %add3A_688 = arith.addf %add3A_687, %get3A_68 : vector<16xf32>
          %swap3A_689 = arith.index_cast %scan3A_602 : i32 to index
          %swap3A_690 = arith.constant 48 : index
          %swap3A_691 = tpu.vector_load %arg10[%swap3A_689, %swap3A_690] {strides = array<i32>} : memref<192x128xf32, #tpu.memory_space<vmem>>, vector<1x16xf32>,
          %swap3A_692 = vector.shape_cast %swap3A_691 : vector<1x16xf32> to vector<16xf32>
          %swap3A_693 = vector.shape_cast %add3A_688 : vector<16xf32> to vector<1x16xf32>
          tpu.vector_store %arg10[%swap3A_689, %swap3A_690], %swap3A_693 {strides = array<i32>} : memref<192x128xf32, #tpu.memory_space<vmem>>, vector<1x16xf32>,
          %add3A_694 = arith.addf %add3A_688, %sub3A_111 : vector<16xf32>
          %add3A_695 = arith.constant 96 : i32
          %add3A_696 = arith.addi %add3A_695, %scan3A_602 : i32
          %swap3A_697 = arith.index_cast %add3A_696 : i32 to index
          %swap3A_698 = arith.constant 48 : index
          %swap3A_699 = tpu.vector_load %arg10[%swap3A_697, %swap3A_698] {strides = array<i32>} : memref<192x128xf32, #tpu.memory_space<vmem>>, vector<1x16xf32>,
          %swap3A_700 = vector.shape_cast %swap3A_699 : vector<1x16xf32> to vector<16xf32>
          %swap3A_701 = vector.shape_cast %add3A_694 : vector<16xf32> to vector<1x16xf32>
          tpu.vector_store %arg10[%swap3A_697, %swap3A_698], %swap3A_701 {strides = array<i32>} : memref<192x128xf32, #tpu.memory_space<vmem>>, vector<1x16xf32>,
          %get3A_702 = arith.index_cast %scan3A_602 : i32 to index
          %get3A_703 = arith.constant 64 : index
          %get3A_704 = tpu.vector_load %arg10[%get3A_702, %get3A_703] {strides = array<i32>} : memref<192x128xf32, #tpu.memory_space<vmem>>, vector<1x16xf32>,
          %get3A_705 = vector.shape_cast %get3A_704 : vector<1x16xf32> to vector<16xf32>
          %add3A_706 = arith.constant 104 : i32
          %add3A_707 = arith.addi %add3A_706, %scan3A_602 : i32
          %get3A_708 = arith.index_cast %add3A_707 : i32 to index
          %get3A_709 = arith.constant 64 : index
          %get3A_710 = tpu.vector_load %arg15[%get3A_708, %get3A_709] {strides = array<i32>} : memref<200x128xf32, #tpu.memory_space<vmem>>, vector<1x16xf32>,
          %get3A_711 = vector.shape_cast %get3A_710 : vector<1x16xf32> to vector<16xf32>
          %add3A_712 = arith.addf %get3A_705, %get3A_711 : vector<16xf32>
          %add3A_713 = arith.addf %add3A_712, %get3A_73 : vector<16xf32>
          %swap3A_714 = arith.index_cast %scan3A_602 : i32 to index
          %swap3A_715 = arith.constant 64 : index
          %swap3A_716 = tpu.vector_load %arg10[%swap3A_714, %swap3A_715] {strides = array<i32>} : memref<192x128xf32, #tpu.memory_space<vmem>>, vector<1x16xf32>,
          %swap3A_717 = vector.shape_cast %swap3A_716 : vector<1x16xf32> to vector<16xf32>
          %swap3A_718 = vector.shape_cast %add3A_713 : vector<16xf32> to vector<1x16xf32>
          tpu.vector_store %arg10[%swap3A_714, %swap3A_715], %swap3A_718 {strides = array<i32>} : memref<192x128xf32, #tpu.memory_space<vmem>>, vector<1x16xf32>,
          %add3A_719 = arith.addf %add3A_713, %sub3A_117 : vector<16xf32>
          %add3A_720 = arith.constant 96 : i32
          %add3A_721 = arith.addi %add3A_720, %scan3A_602 : i32
          %swap3A_722 = arith.index_cast %add3A_721 : i32 to index
          %swap3A_723 = arith.constant 64 : index
          %swap3A_724 = tpu.vector_load %arg10[%swap3A_722, %swap3A_723] {strides = array<i32>} : memref<192x128xf32, #tpu.memory_space<vmem>>, vector<1x16xf32>,
          %swap3A_725 = vector.shape_cast %swap3A_724 : vector<1x16xf32> to vector<16xf32>
          %swap3A_726 = vector.shape_cast %add3A_719 : vector<16xf32> to vector<1x16xf32>
          tpu.vector_store %arg10[%swap3A_722, %swap3A_723], %swap3A_726 {strides = array<i32>} : memref<192x128xf32, #tpu.memory_space<vmem>>, vector<1x16xf32>,
          %get3A_727 = arith.index_cast %scan3A_602 : i32 to index
          %get3A_728 = arith.constant 80 : index
          %get3A_729 = tpu.vector_load %arg10[%get3A_727, %get3A_728] {strides = array<i32>} : memref<192x128xf32, #tpu.memory_space<vmem>>, vector<1x16xf32>,
          %get3A_730 = vector.shape_cast %get3A_729 : vector<1x16xf32> to vector<16xf32>
          %add3A_731 = arith.constant 104 : i32
          %add3A_732 = arith.addi %add3A_731, %scan3A_602 : i32
          %get3A_733 = arith.index_cast %add3A_732 : i32 to index
          %get3A_734 = arith.constant 80 : index
          %get3A_735 = tpu.vector_load %arg15[%get3A_733, %get3A_734] {strides = array<i32>} : memref<200x128xf32, #tpu.memory_space<vmem>>, vector<1x16xf32>,
          %get3A_736 = vector.shape_cast %get3A_735 : vector<1x16xf32> to vector<16xf32>
          %add3A_737 = arith.addf %get3A_730, %get3A_736 : vector<16xf32>
          %add3A_738 = arith.addf %add3A_737, %get3A_78 : vector<16xf32>
          %swap3A_739 = arith.index_cast %scan3A_602 : i32 to index
          %swap3A_740 = arith.constant 80 : index
          %swap3A_741 = tpu.vector_load %arg10[%swap3A_739, %swap3A_740] {strides = array<i32>} : memref<192x128xf32, #tpu.memory_space<vmem>>, vector<1x16xf32>,
          %swap3A_742 = vector.shape_cast %swap3A_741 : vector<1x16xf32> to vector<16xf32>
          %swap3A_743 = vector.shape_cast %add3A_738 : vector<16xf32> to vector<1x16xf32>
          tpu.vector_store %arg10[%swap3A_739, %swap3A_740], %swap3A_743 {strides = array<i32>} : memref<192x128xf32, #tpu.memory_space<vmem>>, vector<1x16xf32>,
          %add3A_744 = arith.addf %add3A_738, %sub3A_123 : vector<16xf32>
          %add3A_745 = arith.constant 96 : i32
          %add3A_746 = arith.addi %add3A_745, %scan3A_602 : i32
          %swap3A_747 = arith.index_cast %add3A_746 : i32 to index
          %swap3A_748 = arith.constant 80 : index
          %swap3A_749 = tpu.vector_load %arg10[%swap3A_747, %swap3A_748] {strides = array<i32>} : memref<192x128xf32, #tpu.memory_space<vmem>>, vector<1x16xf32>,
          %swap3A_750 = vector.shape_cast %swap3A_749 : vector<1x16xf32> to vector<16xf32>
          %swap3A_751 = vector.shape_cast %add3A_744 : vector<16xf32> to vector<1x16xf32>
          tpu.vector_store %arg10[%swap3A_747, %swap3A_748], %swap3A_751 {strides = array<i32>} : memref<192x128xf32, #tpu.memory_space<vmem>>, vector<1x16xf32>,
          %get3A_752 = arith.index_cast %scan3A_602 : i32 to index
          %get3A_753 = arith.constant 96 : index
          %get3A_754 = tpu.vector_load %arg10[%get3A_752, %get3A_753] {strides = array<i32>} : memref<192x128xf32, #tpu.memory_space<vmem>>, vector<1x16xf32>,
          %get3A_755 = vector.shape_cast %get3A_754 : vector<1x16xf32> to vector<16xf32>
          %add3A_756 = arith.constant 104 : i32
          %add3A_757 = arith.addi %add3A_756, %scan3A_602 : i32
          %get3A_758 = arith.index_cast %add3A_757 : i32 to index
          %get3A_759 = arith.constant 96 : index
          %get3A_760 = tpu.vector_load %arg15[%get3A_758, %get3A_759] {strides = array<i32>} : memref<200x128xf32, #tpu.memory_space<vmem>>, vector<1x16xf32>,
          %get3A_761 = vector.shape_cast %get3A_760 : vector<1x16xf32> to vector<16xf32>
          %add3A_762 = arith.addf %get3A_755, %get3A_761 : vector<16xf32>
          %add3A_763 = arith.addf %add3A_762, %get3A_83 : vector<16xf32>
          %swap3A_764 = arith.index_cast %scan3A_602 : i32 to index
          %swap3A_765 = arith.constant 96 : index
          %swap3A_766 = tpu.vector_load %arg10[%swap3A_764, %swap3A_765] {strides = array<i32>} : memref<192x128xf32, #tpu.memory_space<vmem>>, vector<1x16xf32>,
          %swap3A_767 = vector.shape_cast %swap3A_766 : vector<1x16xf32> to vector<16xf32>
          %swap3A_768 = vector.shape_cast %add3A_763 : vector<16xf32> to vector<1x16xf32>
          tpu.vector_store %arg10[%swap3A_764, %swap3A_765], %swap3A_768 {strides = array<i32>} : memref<192x128xf32, #tpu.memory_space<vmem>>, vector<1x16xf32>,
          %add3A_769 = arith.addf %add3A_763, %sub3A_129 : vector<16xf32>
          %add3A_770 = arith.constant 96 : i32
          %add3A_771 = arith.addi %add3A_770, %scan3A_602 : i32
          %swap3A_772 = arith.index_cast %add3A_771 : i32 to index
          %swap3A_773 = arith.constant 96 : index
          %swap3A_774 = tpu.vector_load %arg10[%swap3A_772, %swap3A_773] {strides = array<i32>} : memref<192x128xf32, #tpu.memory_space<vmem>>, vector<1x16xf32>,
          %swap3A_775 = vector.shape_cast %swap3A_774 : vector<1x16xf32> to vector<16xf32>
          %swap3A_776 = vector.shape_cast %add3A_769 : vector<16xf32> to vector<1x16xf32>
          tpu.vector_store %arg10[%swap3A_772, %swap3A_773], %swap3A_776 {strides = array<i32>} : memref<192x128xf32, #tpu.memory_space<vmem>>, vector<1x16xf32>,
          %get3A_777 = arith.index_cast %scan3A_602 : i32 to index
          %get3A_778 = arith.constant 112 : index
          %get3A_779 = tpu.vector_load %arg10[%get3A_777, %get3A_778] {strides = array<i32>} : memref<192x128xf32, #tpu.memory_space<vmem>>, vector<1x16xf32>,
          %get3A_780 = vector.shape_cast %get3A_779 : vector<1x16xf32> to vector<16xf32>
          %add3A_781 = arith.constant 104 : i32
          %add3A_782 = arith.addi %add3A_781, %scan3A_602 : i32
          %get3A_783 = arith.index_cast %add3A_782 : i32 to index
          %get3A_784 = arith.constant 112 : index
          %get3A_785 = tpu.vector_load %arg15[%get3A_783, %get3A_784] {strides = array<i32>} : memref<200x128xf32, #tpu.memory_space<vmem>>, vector<1x16xf32>,
          %get3A_786 = vector.shape_cast %get3A_785 : vector<1x16xf32> to vector<16xf32>
          %add3A_787 = arith.addf %get3A_780, %get3A_786 : vector<16xf32>
          %add3A_788 = arith.addf %add3A_787, %get3A_88 : vector<16xf32>
          %swap3A_789 = arith.index_cast %scan3A_602 : i32 to index
          %swap3A_790 = arith.constant 112 : index
          %swap3A_791 = tpu.vector_load %arg10[%swap3A_789, %swap3A_790] {strides = array<i32>} : memref<192x128xf32, #tpu.memory_space<vmem>>, vector<1x16xf32>,
          %swap3A_792 = vector.shape_cast %swap3A_791 : vector<1x16xf32> to vector<16xf32>
          %swap3A_793 = vector.shape_cast %add3A_788 : vector<16xf32> to vector<1x16xf32>
          tpu.vector_store %arg10[%swap3A_789, %swap3A_790], %swap3A_793 {strides = array<i32>} : memref<192x128xf32, #tpu.memory_space<vmem>>, vector<1x16xf32>,
          %add3A_794 = arith.addf %add3A_788, %sub3A_135 : vector<16xf32>
          %add3A_795 = arith.constant 96 : i32
          %add3A_796 = arith.addi %add3A_795, %scan3A_602 : i32
          %swap3A_797 = arith.index_cast %add3A_796 : i32 to index
          %swap3A_798 = arith.constant 112 : index
          %swap3A_799 = tpu.vector_load %arg10[%swap3A_797, %swap3A_798] {strides = array<i32>} : memref<192x128xf32, #tpu.memory_space<vmem>>, vector<1x16xf32>,
          %swap3A_800 = vector.shape_cast %swap3A_799 : vector<1x16xf32> to vector<16xf32>
          %swap3A_801 = vector.shape_cast %add3A_794 : vector<16xf32> to vector<1x16xf32>
          tpu.vector_store %arg10[%swap3A_797, %swap3A_798], %swap3A_801 {strides = array<i32>} : memref<192x128xf32, #tpu.memory_space<vmem>>, vector<1x16xf32>,
        }
        %scan3A_570 = arith.constant 96 : i32
        %mul3A_571 = arith.constant 32 : i32
        %mul3A_572 = arith.muli %sub3A_318, %mul3A_571 : i32
        %add3A_573 = arith.addi %mul3A_572, %add3A : i32
        %mul3A_574 = arith.constant 400 : i32
        %mul3A_575 = arith.muli %add3A_573, %mul3A_574 : i32
        %add3A_576 = arith.constant 104 : i32
        %add3A_577 = arith.addi %mul3A_575, %add3A_576 : i32
        %multiple_of3A_578 = tpu.assume_multiple %add3A_577, 8 : i32
        %dma_start3A_579 = arith.constant 0 : i32
        %dma_start3A_580 = arith.constant 0 : i32
        %dma_start3A_581 = tpu.memref_slice %arg10[%dma_start3A_579, %dma_start3A_580] : memref<192x128xf32, #tpu.memory_space<vmem>> -> memref<96x128xf32, #tpu.memory_space<vmem>>
        %dma_start3A_582 = arith.constant 0 : i32
        %dma_start3A_583 = tpu.memref_slice %arg6[%multiple_of3A_578, %dma_start3A_582] : memref<409600x128xf32, #tpu.memory_space<hbm>> -> memref<96x128xf32, #tpu.memory_space<hbm>>
        %dma_start3A_584 = arith.constant 0 : i32
        %dma_start3A_585 = tpu.memref_slice %arg6[%multiple_of3A_578, %dma_start3A_584] : memref<409600x128xf32, #tpu.memory_space<hbm>> -> memref<96x128xf32, #tpu.memory_space<hbm>>
        %dma_start3A_586 = arith.constant 0 : i32
        %dma_start3A_587 = arith.constant 0 : i32
        %dma_start3A_588 = tpu.memref_slice %arg10[%dma_start3A_586, %dma_start3A_587] : memref<192x128xf32, #tpu.memory_space<vmem>> -> memref<96x128xf32, #tpu.memory_space<vmem>>
        tpu.enqueue_dma source(%dma_start3A_588 : memref<96x128xf32, #tpu.memory_space<vmem>>) target(%dma_start3A_585 : memref<96x128xf32, #tpu.memory_space<hbm>>) target_semaphore(%arg24 : memref<!tpu.dma_semaphore, #tpu.memory_space<semaphore_mem>>)
        %add3A_589 = arith.constant 200 : i32
        %add3A_590 = arith.addi %add3A_577, %add3A_589 : i32
        %multiple_of3A_591 = tpu.assume_multiple %add3A_590, 8 : i32
        %dma_start3A_592 = arith.constant 96 : i32
        %dma_start3A_593 = arith.constant 0 : i32
        %dma_start3A_594 = tpu.memref_slice %arg10[%dma_start3A_592, %dma_start3A_593] : memref<192x128xf32, #tpu.memory_space<vmem>> -> memref<96x128xf32, #tpu.memory_space<vmem>>
        %dma_start3A_595 = arith.constant 0 : i32
        %dma_start3A_596 = tpu.memref_slice %arg6[%multiple_of3A_591, %dma_start3A_595] : memref<409600x128xf32, #tpu.memory_space<hbm>> -> memref<96x128xf32, #tpu.memory_space<hbm>>
        %dma_start3A_597 = arith.constant 0 : i32
        %dma_start3A_598 = tpu.memref_slice %arg6[%multiple_of3A_591, %dma_start3A_597] : memref<409600x128xf32, #tpu.memory_space<hbm>> -> memref<96x128xf32, #tpu.memory_space<hbm>>
        %dma_start3A_599 = arith.constant 96 : i32
        %dma_start3A_600 = arith.constant 0 : i32
        %dma_start3A_601 = tpu.memref_slice %arg10[%dma_start3A_599, %dma_start3A_600] : memref<192x128xf32, #tpu.memory_space<vmem>> -> memref<96x128xf32, #tpu.memory_space<vmem>>
        tpu.enqueue_dma source(%dma_start3A_601 : memref<96x128xf32, #tpu.memory_space<vmem>>) target(%dma_start3A_598 : memref<96x128xf32, #tpu.memory_space<hbm>>) target_semaphore(%arg24 : memref<!tpu.dma_semaphore, #tpu.memory_space<semaphore_mem>>)
      } else {
      }
      %mul3A_324 = arith.constant 2 : i32
      %mul3A_325 = arith.muli %mul3A_324, %scan3A_304 : i32
      %add3A_326 = arith.constant 0 : i32
      %add3A_327 = arith.addi %mul3A_325, %add3A_326 : i32
      %gt3A_328 = arith.constant 0 : i32
      %gt3A_329 = arith.cmpi sgt, %scan3A_304, %gt3A_328 : i32
      %convert_element_type3A_330 = arith.extui %gt3A_329 : i1 to i32
      %cond3A_331 = arith.constant 0 : i32
      %cond3A_332 = arith.cmpi ne, %convert_element_type3A_330, %cond3A_331 : i32
      scf.if %cond3A_332 {
        %dma_wait3A_546 = arith.constant 0 : i32
        %dma_wait3A_547 = arith.constant 0 : i32
        %dma_wait3A_548 = tpu.memref_slice %arg8[%dma_wait3A_546, %dma_wait3A_547] : memref<192x128xf32, #tpu.memory_space<vmem>> -> memref<96x128xf32, #tpu.memory_space<vmem>>
        %dma_wait3A_549 = arith.constant 0 : i32
        %dma_wait3A_550 = arith.constant 0 : i32
        %dma_wait3A_551 = tpu.memref_slice %arg6[%dma_wait3A_549, %dma_wait3A_550] : memref<409600x128xf32, #tpu.memory_space<hbm>> -> memref<96x128xf32, #tpu.memory_space<hbm>>
        %dma_wait3A_552 = arith.constant 0 : i32
        %dma_wait3A_553 = arith.constant 0 : i32
        %dma_wait3A_554 = tpu.memref_slice %arg6[%dma_wait3A_552, %dma_wait3A_553] : memref<409600x128xf32, #tpu.memory_space<hbm>> -> memref<96x128xf32, #tpu.memory_space<hbm>>
        %dma_wait3A_555 = arith.constant 0 : i32
        %dma_wait3A_556 = arith.constant 0 : i32
        %dma_wait3A_557 = tpu.memref_slice %arg8[%dma_wait3A_555, %dma_wait3A_556] : memref<192x128xf32, #tpu.memory_space<vmem>> -> memref<96x128xf32, #tpu.memory_space<vmem>>
        tpu.wait_dma2 semaphore(%arg22 : memref<!tpu.dma_semaphore, #tpu.memory_space<semaphore_mem>>) src(%dma_wait3A_557 : memref<96x128xf32, #tpu.memory_space<vmem>>) dst(%dma_wait3A_554 : memref<96x128xf32, #tpu.memory_space<hbm>>)
        %dma_wait3A_558 = arith.constant 96 : i32
        %dma_wait3A_559 = arith.constant 0 : i32
        %dma_wait3A_560 = tpu.memref_slice %arg8[%dma_wait3A_558, %dma_wait3A_559] : memref<192x128xf32, #tpu.memory_space<vmem>> -> memref<96x128xf32, #tpu.memory_space<vmem>>
        %dma_wait3A_561 = arith.constant 0 : i32
        %dma_wait3A_562 = arith.constant 0 : i32
        %dma_wait3A_563 = tpu.memref_slice %arg6[%dma_wait3A_561, %dma_wait3A_562] : memref<409600x128xf32, #tpu.memory_space<hbm>> -> memref<96x128xf32, #tpu.memory_space<hbm>>
        %dma_wait3A_564 = arith.constant 0 : i32
        %dma_wait3A_565 = arith.constant 0 : i32
        %dma_wait3A_566 = tpu.memref_slice %arg6[%dma_wait3A_564, %dma_wait3A_565] : memref<409600x128xf32, #tpu.memory_space<hbm>> -> memref<96x128xf32, #tpu.memory_space<hbm>>
        %dma_wait3A_567 = arith.constant 96 : i32
        %dma_wait3A_568 = arith.constant 0 : i32
        %dma_wait3A_569 = tpu.memref_slice %arg8[%dma_wait3A_567, %dma_wait3A_568] : memref<192x128xf32, #tpu.memory_space<vmem>> -> memref<96x128xf32, #tpu.memory_space<vmem>>
        tpu.wait_dma2 semaphore(%arg22 : memref<!tpu.dma_semaphore, #tpu.memory_space<semaphore_mem>>) src(%dma_wait3A_569 : memref<96x128xf32, #tpu.memory_space<vmem>>) dst(%dma_wait3A_566 : memref<96x128xf32, #tpu.memory_space<hbm>>)
        %dma_wait3A_570 = arith.constant 0 : i32
        %dma_wait3A_571 = tpu.memref_slice %arg2[%dma_wait3A_570] : memref<204800xi32, #tpu.memory_space<hbm>> -> memref<96xi32, #tpu.memory_space<hbm>>
        %dma_wait3A_572 = arith.constant 0 : i32
        %dma_wait3A_573 = tpu.memref_slice %arg2[%dma_wait3A_572] : memref<204800xi32, #tpu.memory_space<hbm>> -> memref<96xi32, #tpu.memory_space<hbm>>
        tpu.wait_dma2 semaphore(%arg26 : memref<!tpu.dma_semaphore, #tpu.memory_space<semaphore_mem>>) src(%dma_wait3A_573 : memref<96xi32, #tpu.memory_space<hbm>>) dst(%arg12 : memref<96xi32, #tpu.memory_space<vmem>>)
        %dma_start3A_574 = arith.constant 0 : i32
        %dma_start3A_575 = arith.constant 0 : i32
        %dma_start3A_576 = tpu.memref_slice %arg8[%dma_start3A_574, %dma_start3A_575] : memref<192x128xf32, #tpu.memory_space<vmem>> -> memref<96x128xf32, #tpu.memory_space<vmem>>
        %dma_start3A_577 = arith.constant 0 : i32
        %dma_start3A_578 = arith.constant 0 : i32
        %dma_start3A_579 = tpu.memref_slice %arg3[%dma_start3A_577, %dma_start3A_578] : memref<100000x128xf32, #tpu.memory_space<hbm>> -> memref<100000x128xf32, #tpu.memory_space<hbm>>
        tpu.enqueue_indirect_dma source(%dma_start3A_579 : memref<100000x128xf32, #tpu.memory_space<hbm>>) target(%dma_start3A_576 : memref<96x128xf32, #tpu.memory_space<vmem>>) offsets(%arg12 : memref<96xi32, #tpu.memory_space<vmem>>) semaphore(%arg18 : memref<!tpu.dma_semaphore, #tpu.memory_space<semaphore_mem>>)
      } else {
      }
      %eq3A_333 = arith.constant 0 : i32
      %eq3A_334 = arith.cmpi eq, %scan3A_304, %eq3A_333 : i32
      %convert_element_type3A_335 = arith.extui %eq3A_334 : i1 to i32
      %cond3A_336 = arith.constant 0 : i32
      %cond3A_337 = arith.cmpi ne, %convert_element_type3A_335, %cond3A_336 : i32
      scf.if %cond3A_337 {
        %dma_wait3A_546 = arith.constant 0 : i32
        %dma_wait3A_547 = tpu.memref_slice %arg2[%dma_wait3A_546] : memref<204800xi32, #tpu.memory_space<hbm>> -> memref<96xi32, #tpu.memory_space<hbm>>
        %dma_wait3A_548 = arith.constant 0 : i32
        %dma_wait3A_549 = tpu.memref_slice %arg2[%dma_wait3A_548] : memref<204800xi32, #tpu.memory_space<hbm>> -> memref<96xi32, #tpu.memory_space<hbm>>
        tpu.wait_dma2 semaphore(%arg26 : memref<!tpu.dma_semaphore, #tpu.memory_space<semaphore_mem>>) src(%dma_wait3A_549 : memref<96xi32, #tpu.memory_space<hbm>>) dst(%arg12 : memref<96xi32, #tpu.memory_space<vmem>>)
        %dma_start3A_550 = arith.constant 0 : i32
        %dma_start3A_551 = arith.constant 0 : i32
        %dma_start3A_552 = tpu.memref_slice %arg8[%dma_start3A_550, %dma_start3A_551] : memref<192x128xf32, #tpu.memory_space<vmem>> -> memref<96x128xf32, #tpu.memory_space<vmem>>
        %dma_start3A_553 = arith.constant 0 : i32
        %dma_start3A_554 = arith.constant 0 : i32
        %dma_start3A_555 = tpu.memref_slice %arg3[%dma_start3A_553, %dma_start3A_554] : memref<100000x128xf32, #tpu.memory_space<hbm>> -> memref<100000x128xf32, #tpu.memory_space<hbm>>
        tpu.enqueue_indirect_dma source(%dma_start3A_555 : memref<100000x128xf32, #tpu.memory_space<hbm>>) target(%dma_start3A_552 : memref<96x128xf32, #tpu.memory_space<vmem>>) offsets(%arg12 : memref<96xi32, #tpu.memory_space<vmem>>) semaphore(%arg18 : memref<!tpu.dma_semaphore, #tpu.memory_space<semaphore_mem>>)
      } else {
      }
      %mul3A_338 = arith.constant 2 : i32
      %mul3A_339 = arith.muli %mul3A_338, %scan3A_304 : i32
      %add3A_340 = arith.constant 0 : i32
      %add3A_341 = arith.addi %mul3A_339, %add3A_340 : i32
      %dma_wait3A_342 = arith.constant 0 : i32
      %dma_wait3A_343 = arith.constant 0 : i32
      %dma_wait3A_344 = tpu.memref_slice %arg7[%dma_wait3A_342, %dma_wait3A_343] : memref<208x128xf32, #tpu.memory_space<vmem>> -> memref<104x128xf32, #tpu.memory_space<vmem>>
      %dma_wait3A_345 = arith.constant 0 : i32
      %dma_wait3A_346 = arith.constant 0 : i32
      %dma_wait3A_347 = tpu.memref_slice %arg3[%dma_wait3A_345, %dma_wait3A_346] : memref<100000x128xf32, #tpu.memory_space<hbm>> -> memref<100000x128xf32, #tpu.memory_space<hbm>>
      tpu.wait_indirect_dma semaphore(%arg17 : memref<!tpu.dma_semaphore, #tpu.memory_space<semaphore_mem>>) src(%dma_wait3A_347 : memref<100000x128xf32, #tpu.memory_space<hbm>>) dst(%dma_wait3A_344 : memref<104x128xf32, #tpu.memory_space<vmem>>)
      %add3A_348 = arith.constant 2 : i32
      %add3A_349 = arith.addi %add3A_341, %add3A_348 : i32
      %mul3A_350 = arith.constant 32 : i32
      %mul3A_351 = arith.muli %add3A_349, %mul3A_350 : i32
      %add3A_352 = arith.addi %mul3A_351, %add3A : i32
      %min3A_353 = arith.constant 1023 : i32
      %min3A_354 = arith.minsi %add3A_352, %min3A_353 : i32
      %mul3A_355 = arith.constant 200 : i32
      %mul3A_356 = arith.muli %min3A_354, %mul3A_355 : i32
      %add3A_357 = arith.constant 0 : i32
      %add3A_358 = arith.addi %mul3A_356, %add3A_357 : i32
      %dma_start3A_359 = tpu.memref_slice %arg2[%add3A_358] : memref<204800xi32, #tpu.memory_space<hbm>> -> memref<104xi32, #tpu.memory_space<hbm>>
      %dma_start3A_360 = tpu.memref_slice %arg2[%add3A_358] : memref<204800xi32, #tpu.memory_space<hbm>> -> memref<104xi32, #tpu.memory_space<hbm>>
      tpu.enqueue_dma source(%dma_start3A_360 : memref<104xi32, #tpu.memory_space<hbm>>) target(%arg11 : memref<104xi32, #tpu.memory_space<vmem>>) target_semaphore(%arg25 : memref<!tpu.dma_semaphore, #tpu.memory_space<semaphore_mem>>)
      %scan3A_361 = arith.constant 0 : i32
      %scan3A_362 = arith.constant 0 : i32
      %scan3A_363 = arith.constant 104 : i32
      %scan3A_364 = arith.addi %scan3A_362, %scan3A_363 : i32
      %scan3A_365 = arith.constant 1 : i32
      scf.for %scan3A_546 = %scan3A_362 to %scan3A_364 step %scan3A_365  : i32 {
        %get3A_547 = arith.index_cast %scan3A_546 : i32 to index
        %get3A_548 = arith.constant 0 : index
        %get3A_549 = tpu.vector_load %arg7[%get3A_547, %get3A_548] {strides = array<i32>} : memref<208x128xf32, #tpu.memory_space<vmem>>, vector<1x16xf32>,
        %get3A_550 = vector.shape_cast %get3A_549 : vector<1x16xf32> to vector<16xf32>
        %add3A_551 = arith.constant 0 : i32
        %add3A_552 = arith.addi %add3A_551, %scan3A_546 : i32
        %get3A_553 = arith.index_cast %add3A_552 : i32 to index
        %get3A_554 = arith.constant 0 : index
        %get3A_555 = tpu.vector_load %arg15[%get3A_553, %get3A_554] {strides = array<i32>} : memref<200x128xf32, #tpu.memory_space<vmem>>, vector<1x16xf32>,
        %get3A_556 = vector.shape_cast %get3A_555 : vector<1x16xf32> to vector<16xf32>
        %add3A_557 = arith.addf %get3A_550, %get3A_556 : vector<16xf32>
        %add3A_558 = arith.addf %add3A_557, %get3A_53 : vector<16xf32>
        %swap3A = arith.index_cast %scan3A_546 : i32 to index
        %swap3A_559 = arith.constant 0 : index
        %swap3A_560 = tpu.vector_load %arg7[%swap3A, %swap3A_559] {strides = array<i32>} : memref<208x128xf32, #tpu.memory_space<vmem>>, vector<1x16xf32>,
        %swap3A_561 = vector.shape_cast %swap3A_560 : vector<1x16xf32> to vector<16xf32>
        %swap3A_562 = vector.shape_cast %add3A_558 : vector<16xf32> to vector<1x16xf32>
        tpu.vector_store %arg7[%swap3A, %swap3A_559], %swap3A_562 {strides = array<i32>} : memref<208x128xf32, #tpu.memory_space<vmem>>, vector<1x16xf32>,
        %add3A_563 = arith.addf %add3A_558, %sub3A : vector<16xf32>
        %add3A_564 = arith.constant 104 : i32
        %add3A_565 = arith.addi %add3A_564, %scan3A_546 : i32
        %swap3A_566 = arith.index_cast %add3A_565 : i32 to index
        %swap3A_567 = arith.constant 0 : index
        %swap3A_568 = tpu.vector_load %arg7[%swap3A_566, %swap3A_567] {strides = array<i32>} : memref<208x128xf32, #tpu.memory_space<vmem>>, vector<1x16xf32>,
        %swap3A_569 = vector.shape_cast %swap3A_568 : vector<1x16xf32> to vector<16xf32>
        %swap3A_570 = vector.shape_cast %add3A_563 : vector<16xf32> to vector<1x16xf32>
        tpu.vector_store %arg7[%swap3A_566, %swap3A_567], %swap3A_570 {strides = array<i32>} : memref<208x128xf32, #tpu.memory_space<vmem>>, vector<1x16xf32>,
        %get3A_571 = arith.index_cast %scan3A_546 : i32 to index
        %get3A_572 = arith.constant 16 : index
        %get3A_573 = tpu.vector_load %arg7[%get3A_571, %get3A_572] {strides = array<i32>} : memref<208x128xf32, #tpu.memory_space<vmem>>, vector<1x16xf32>,
        %get3A_574 = vector.shape_cast %get3A_573 : vector<1x16xf32> to vector<16xf32>
        %add3A_575 = arith.constant 0 : i32
        %add3A_576 = arith.addi %add3A_575, %scan3A_546 : i32
        %get3A_577 = arith.index_cast %add3A_576 : i32 to index
        %get3A_578 = arith.constant 16 : index
        %get3A_579 = tpu.vector_load %arg15[%get3A_577, %get3A_578] {strides = array<i32>} : memref<200x128xf32, #tpu.memory_space<vmem>>, vector<1x16xf32>,
        %get3A_580 = vector.shape_cast %get3A_579 : vector<1x16xf32> to vector<16xf32>
        %add3A_581 = arith.addf %get3A_574, %get3A_580 : vector<16xf32>
        %add3A_582 = arith.addf %add3A_581, %get3A_58 : vector<16xf32>
        %swap3A_583 = arith.index_cast %scan3A_546 : i32 to index
        %swap3A_584 = arith.constant 16 : index
        %swap3A_585 = tpu.vector_load %arg7[%swap3A_583, %swap3A_584] {strides = array<i32>} : memref<208x128xf32, #tpu.memory_space<vmem>>, vector<1x16xf32>,
        %swap3A_586 = vector.shape_cast %swap3A_585 : vector<1x16xf32> to vector<16xf32>
        %swap3A_587 = vector.shape_cast %add3A_582 : vector<16xf32> to vector<1x16xf32>
        tpu.vector_store %arg7[%swap3A_583, %swap3A_584], %swap3A_587 {strides = array<i32>} : memref<208x128xf32, #tpu.memory_space<vmem>>, vector<1x16xf32>,
        %add3A_588 = arith.addf %add3A_582, %sub3A_99 : vector<16xf32>
        %add3A_589 = arith.constant 104 : i32
        %add3A_590 = arith.addi %add3A_589, %scan3A_546 : i32
        %swap3A_591 = arith.index_cast %add3A_590 : i32 to index
        %swap3A_592 = arith.constant 16 : index
        %swap3A_593 = tpu.vector_load %arg7[%swap3A_591, %swap3A_592] {strides = array<i32>} : memref<208x128xf32, #tpu.memory_space<vmem>>, vector<1x16xf32>,
        %swap3A_594 = vector.shape_cast %swap3A_593 : vector<1x16xf32> to vector<16xf32>
        %swap3A_595 = vector.shape_cast %add3A_588 : vector<16xf32> to vector<1x16xf32>
        tpu.vector_store %arg7[%swap3A_591, %swap3A_592], %swap3A_595 {strides = array<i32>} : memref<208x128xf32, #tpu.memory_space<vmem>>, vector<1x16xf32>,
        %get3A_596 = arith.index_cast %scan3A_546 : i32 to index
        %get3A_597 = arith.constant 32 : index
        %get3A_598 = tpu.vector_load %arg7[%get3A_596, %get3A_597] {strides = array<i32>} : memref<208x128xf32, #tpu.memory_space<vmem>>, vector<1x16xf32>,
        %get3A_599 = vector.shape_cast %get3A_598 : vector<1x16xf32> to vector<16xf32>
        %add3A_600 = arith.constant 0 : i32
        %add3A_601 = arith.addi %add3A_600, %scan3A_546 : i32
        %get3A_602 = arith.index_cast %add3A_601 : i32 to index
        %get3A_603 = arith.constant 32 : index
        %get3A_604 = tpu.vector_load %arg15[%get3A_602, %get3A_603] {strides = array<i32>} : memref<200x128xf32, #tpu.memory_space<vmem>>, vector<1x16xf32>,
        %get3A_605 = vector.shape_cast %get3A_604 : vector<1x16xf32> to vector<16xf32>
        %add3A_606 = arith.addf %get3A_599, %get3A_605 : vector<16xf32>
        %add3A_607 = arith.addf %add3A_606, %get3A_63 : vector<16xf32>
        %swap3A_608 = arith.index_cast %scan3A_546 : i32 to index
        %swap3A_609 = arith.constant 32 : index
        %swap3A_610 = tpu.vector_load %arg7[%swap3A_608, %swap3A_609] {strides = array<i32>} : memref<208x128xf32, #tpu.memory_space<vmem>>, vector<1x16xf32>,
        %swap3A_611 = vector.shape_cast %swap3A_610 : vector<1x16xf32> to vector<16xf32>
        %swap3A_612 = vector.shape_cast %add3A_607 : vector<16xf32> to vector<1x16xf32>
        tpu.vector_store %arg7[%swap3A_608, %swap3A_609], %swap3A_612 {strides = array<i32>} : memref<208x128xf32, #tpu.memory_space<vmem>>, vector<1x16xf32>,
        %add3A_613 = arith.addf %add3A_607, %sub3A_105 : vector<16xf32>
        %add3A_614 = arith.constant 104 : i32
        %add3A_615 = arith.addi %add3A_614, %scan3A_546 : i32
        %swap3A_616 = arith.index_cast %add3A_615 : i32 to index
        %swap3A_617 = arith.constant 32 : index
        %swap3A_618 = tpu.vector_load %arg7[%swap3A_616, %swap3A_617] {strides = array<i32>} : memref<208x128xf32, #tpu.memory_space<vmem>>, vector<1x16xf32>,
        %swap3A_619 = vector.shape_cast %swap3A_618 : vector<1x16xf32> to vector<16xf32>
        %swap3A_620 = vector.shape_cast %add3A_613 : vector<16xf32> to vector<1x16xf32>
        tpu.vector_store %arg7[%swap3A_616, %swap3A_617], %swap3A_620 {strides = array<i32>} : memref<208x128xf32, #tpu.memory_space<vmem>>, vector<1x16xf32>,
        %get3A_621 = arith.index_cast %scan3A_546 : i32 to index
        %get3A_622 = arith.constant 48 : index
        %get3A_623 = tpu.vector_load %arg7[%get3A_621, %get3A_622] {strides = array<i32>} : memref<208x128xf32, #tpu.memory_space<vmem>>, vector<1x16xf32>,
        %get3A_624 = vector.shape_cast %get3A_623 : vector<1x16xf32> to vector<16xf32>
        %add3A_625 = arith.constant 0 : i32
        %add3A_626 = arith.addi %add3A_625, %scan3A_546 : i32
        %get3A_627 = arith.index_cast %add3A_626 : i32 to index
        %get3A_628 = arith.constant 48 : index
        %get3A_629 = tpu.vector_load %arg15[%get3A_627, %get3A_628] {strides = array<i32>} : memref<200x128xf32, #tpu.memory_space<vmem>>, vector<1x16xf32>,
        %get3A_630 = vector.shape_cast %get3A_629 : vector<1x16xf32> to vector<16xf32>
        %add3A_631 = arith.addf %get3A_624, %get3A_630 : vector<16xf32>
        %add3A_632 = arith.addf %add3A_631, %get3A_68 : vector<16xf32>
        %swap3A_633 = arith.index_cast %scan3A_546 : i32 to index
        %swap3A_634 = arith.constant 48 : index
        %swap3A_635 = tpu.vector_load %arg7[%swap3A_633, %swap3A_634] {strides = array<i32>} : memref<208x128xf32, #tpu.memory_space<vmem>>, vector<1x16xf32>,
        %swap3A_636 = vector.shape_cast %swap3A_635 : vector<1x16xf32> to vector<16xf32>
        %swap3A_637 = vector.shape_cast %add3A_632 : vector<16xf32> to vector<1x16xf32>
        tpu.vector_store %arg7[%swap3A_633, %swap3A_634], %swap3A_637 {strides = array<i32>} : memref<208x128xf32, #tpu.memory_space<vmem>>, vector<1x16xf32>,
        %add3A_638 = arith.addf %add3A_632, %sub3A_111 : vector<16xf32>
        %add3A_639 = arith.constant 104 : i32
        %add3A_640 = arith.addi %add3A_639, %scan3A_546 : i32
        %swap3A_641 = arith.index_cast %add3A_640 : i32 to index
        %swap3A_642 = arith.constant 48 : index
        %swap3A_643 = tpu.vector_load %arg7[%swap3A_641, %swap3A_642] {strides = array<i32>} : memref<208x128xf32, #tpu.memory_space<vmem>>, vector<1x16xf32>,
        %swap3A_644 = vector.shape_cast %swap3A_643 : vector<1x16xf32> to vector<16xf32>
        %swap3A_645 = vector.shape_cast %add3A_638 : vector<16xf32> to vector<1x16xf32>
        tpu.vector_store %arg7[%swap3A_641, %swap3A_642], %swap3A_645 {strides = array<i32>} : memref<208x128xf32, #tpu.memory_space<vmem>>, vector<1x16xf32>,
        %get3A_646 = arith.index_cast %scan3A_546 : i32 to index
        %get3A_647 = arith.constant 64 : index
        %get3A_648 = tpu.vector_load %arg7[%get3A_646, %get3A_647] {strides = array<i32>} : memref<208x128xf32, #tpu.memory_space<vmem>>, vector<1x16xf32>,
        %get3A_649 = vector.shape_cast %get3A_648 : vector<1x16xf32> to vector<16xf32>
        %add3A_650 = arith.constant 0 : i32
        %add3A_651 = arith.addi %add3A_650, %scan3A_546 : i32
        %get3A_652 = arith.index_cast %add3A_651 : i32 to index
        %get3A_653 = arith.constant 64 : index
        %get3A_654 = tpu.vector_load %arg15[%get3A_652, %get3A_653] {strides = array<i32>} : memref<200x128xf32, #tpu.memory_space<vmem>>, vector<1x16xf32>,
        %get3A_655 = vector.shape_cast %get3A_654 : vector<1x16xf32> to vector<16xf32>
        %add3A_656 = arith.addf %get3A_649, %get3A_655 : vector<16xf32>
        %add3A_657 = arith.addf %add3A_656, %get3A_73 : vector<16xf32>
        %swap3A_658 = arith.index_cast %scan3A_546 : i32 to index
        %swap3A_659 = arith.constant 64 : index
        %swap3A_660 = tpu.vector_load %arg7[%swap3A_658, %swap3A_659] {strides = array<i32>} : memref<208x128xf32, #tpu.memory_space<vmem>>, vector<1x16xf32>,
        %swap3A_661 = vector.shape_cast %swap3A_660 : vector<1x16xf32> to vector<16xf32>
        %swap3A_662 = vector.shape_cast %add3A_657 : vector<16xf32> to vector<1x16xf32>
        tpu.vector_store %arg7[%swap3A_658, %swap3A_659], %swap3A_662 {strides = array<i32>} : memref<208x128xf32, #tpu.memory_space<vmem>>, vector<1x16xf32>,
        %add3A_663 = arith.addf %add3A_657, %sub3A_117 : vector<16xf32>
        %add3A_664 = arith.constant 104 : i32
        %add3A_665 = arith.addi %add3A_664, %scan3A_546 : i32
        %swap3A_666 = arith.index_cast %add3A_665 : i32 to index
        %swap3A_667 = arith.constant 64 : index
        %swap3A_668 = tpu.vector_load %arg7[%swap3A_666, %swap3A_667] {strides = array<i32>} : memref<208x128xf32, #tpu.memory_space<vmem>>, vector<1x16xf32>,
        %swap3A_669 = vector.shape_cast %swap3A_668 : vector<1x16xf32> to vector<16xf32>
        %swap3A_670 = vector.shape_cast %add3A_663 : vector<16xf32> to vector<1x16xf32>
        tpu.vector_store %arg7[%swap3A_666, %swap3A_667], %swap3A_670 {strides = array<i32>} : memref<208x128xf32, #tpu.memory_space<vmem>>, vector<1x16xf32>,
        %get3A_671 = arith.index_cast %scan3A_546 : i32 to index
        %get3A_672 = arith.constant 80 : index
        %get3A_673 = tpu.vector_load %arg7[%get3A_671, %get3A_672] {strides = array<i32>} : memref<208x128xf32, #tpu.memory_space<vmem>>, vector<1x16xf32>,
        %get3A_674 = vector.shape_cast %get3A_673 : vector<1x16xf32> to vector<16xf32>
        %add3A_675 = arith.constant 0 : i32
        %add3A_676 = arith.addi %add3A_675, %scan3A_546 : i32
        %get3A_677 = arith.index_cast %add3A_676 : i32 to index
        %get3A_678 = arith.constant 80 : index
        %get3A_679 = tpu.vector_load %arg15[%get3A_677, %get3A_678] {strides = array<i32>} : memref<200x128xf32, #tpu.memory_space<vmem>>, vector<1x16xf32>,
        %get3A_680 = vector.shape_cast %get3A_679 : vector<1x16xf32> to vector<16xf32>
        %add3A_681 = arith.addf %get3A_674, %get3A_680 : vector<16xf32>
        %add3A_682 = arith.addf %add3A_681, %get3A_78 : vector<16xf32>
        %swap3A_683 = arith.index_cast %scan3A_546 : i32 to index
        %swap3A_684 = arith.constant 80 : index
        %swap3A_685 = tpu.vector_load %arg7[%swap3A_683, %swap3A_684] {strides = array<i32>} : memref<208x128xf32, #tpu.memory_space<vmem>>, vector<1x16xf32>,
        %swap3A_686 = vector.shape_cast %swap3A_685 : vector<1x16xf32> to vector<16xf32>
        %swap3A_687 = vector.shape_cast %add3A_682 : vector<16xf32> to vector<1x16xf32>
        tpu.vector_store %arg7[%swap3A_683, %swap3A_684], %swap3A_687 {strides = array<i32>} : memref<208x128xf32, #tpu.memory_space<vmem>>, vector<1x16xf32>,
        %add3A_688 = arith.addf %add3A_682, %sub3A_123 : vector<16xf32>
        %add3A_689 = arith.constant 104 : i32
        %add3A_690 = arith.addi %add3A_689, %scan3A_546 : i32
        %swap3A_691 = arith.index_cast %add3A_690 : i32 to index
        %swap3A_692 = arith.constant 80 : index
        %swap3A_693 = tpu.vector_load %arg7[%swap3A_691, %swap3A_692] {strides = array<i32>} : memref<208x128xf32, #tpu.memory_space<vmem>>, vector<1x16xf32>,
        %swap3A_694 = vector.shape_cast %swap3A_693 : vector<1x16xf32> to vector<16xf32>
        %swap3A_695 = vector.shape_cast %add3A_688 : vector<16xf32> to vector<1x16xf32>
        tpu.vector_store %arg7[%swap3A_691, %swap3A_692], %swap3A_695 {strides = array<i32>} : memref<208x128xf32, #tpu.memory_space<vmem>>, vector<1x16xf32>,
        %get3A_696 = arith.index_cast %scan3A_546 : i32 to index
        %get3A_697 = arith.constant 96 : index
        %get3A_698 = tpu.vector_load %arg7[%get3A_696, %get3A_697] {strides = array<i32>} : memref<208x128xf32, #tpu.memory_space<vmem>>, vector<1x16xf32>,
        %get3A_699 = vector.shape_cast %get3A_698 : vector<1x16xf32> to vector<16xf32>
        %add3A_700 = arith.constant 0 : i32
        %add3A_701 = arith.addi %add3A_700, %scan3A_546 : i32
        %get3A_702 = arith.index_cast %add3A_701 : i32 to index
        %get3A_703 = arith.constant 96 : index
        %get3A_704 = tpu.vector_load %arg15[%get3A_702, %get3A_703] {strides = array<i32>} : memref<200x128xf32, #tpu.memory_space<vmem>>, vector<1x16xf32>,
        %get3A_705 = vector.shape_cast %get3A_704 : vector<1x16xf32> to vector<16xf32>
        %add3A_706 = arith.addf %get3A_699, %get3A_705 : vector<16xf32>
        %add3A_707 = arith.addf %add3A_706, %get3A_83 : vector<16xf32>
        %swap3A_708 = arith.index_cast %scan3A_546 : i32 to index
        %swap3A_709 = arith.constant 96 : index
        %swap3A_710 = tpu.vector_load %arg7[%swap3A_708, %swap3A_709] {strides = array<i32>} : memref<208x128xf32, #tpu.memory_space<vmem>>, vector<1x16xf32>,
        %swap3A_711 = vector.shape_cast %swap3A_710 : vector<1x16xf32> to vector<16xf32>
        %swap3A_712 = vector.shape_cast %add3A_707 : vector<16xf32> to vector<1x16xf32>
        tpu.vector_store %arg7[%swap3A_708, %swap3A_709], %swap3A_712 {strides = array<i32>} : memref<208x128xf32, #tpu.memory_space<vmem>>, vector<1x16xf32>,
        %add3A_713 = arith.addf %add3A_707, %sub3A_129 : vector<16xf32>
        %add3A_714 = arith.constant 104 : i32
        %add3A_715 = arith.addi %add3A_714, %scan3A_546 : i32
        %swap3A_716 = arith.index_cast %add3A_715 : i32 to index
        %swap3A_717 = arith.constant 96 : index
        %swap3A_718 = tpu.vector_load %arg7[%swap3A_716, %swap3A_717] {strides = array<i32>} : memref<208x128xf32, #tpu.memory_space<vmem>>, vector<1x16xf32>,
        %swap3A_719 = vector.shape_cast %swap3A_718 : vector<1x16xf32> to vector<16xf32>
        %swap3A_720 = vector.shape_cast %add3A_713 : vector<16xf32> to vector<1x16xf32>
        tpu.vector_store %arg7[%swap3A_716, %swap3A_717], %swap3A_720 {strides = array<i32>} : memref<208x128xf32, #tpu.memory_space<vmem>>, vector<1x16xf32>,
        %get3A_721 = arith.index_cast %scan3A_546 : i32 to index
        %get3A_722 = arith.constant 112 : index
        %get3A_723 = tpu.vector_load %arg7[%get3A_721, %get3A_722] {strides = array<i32>} : memref<208x128xf32, #tpu.memory_space<vmem>>, vector<1x16xf32>,
        %get3A_724 = vector.shape_cast %get3A_723 : vector<1x16xf32> to vector<16xf32>
        %add3A_725 = arith.constant 0 : i32
        %add3A_726 = arith.addi %add3A_725, %scan3A_546 : i32
        %get3A_727 = arith.index_cast %add3A_726 : i32 to index
        %get3A_728 = arith.constant 112 : index
        %get3A_729 = tpu.vector_load %arg15[%get3A_727, %get3A_728] {strides = array<i32>} : memref<200x128xf32, #tpu.memory_space<vmem>>, vector<1x16xf32>,
        %get3A_730 = vector.shape_cast %get3A_729 : vector<1x16xf32> to vector<16xf32>
        %add3A_731 = arith.addf %get3A_724, %get3A_730 : vector<16xf32>
        %add3A_732 = arith.addf %add3A_731, %get3A_88 : vector<16xf32>
        %swap3A_733 = arith.index_cast %scan3A_546 : i32 to index
        %swap3A_734 = arith.constant 112 : index
        %swap3A_735 = tpu.vector_load %arg7[%swap3A_733, %swap3A_734] {strides = array<i32>} : memref<208x128xf32, #tpu.memory_space<vmem>>, vector<1x16xf32>,
        %swap3A_736 = vector.shape_cast %swap3A_735 : vector<1x16xf32> to vector<16xf32>
        %swap3A_737 = vector.shape_cast %add3A_732 : vector<16xf32> to vector<1x16xf32>
        tpu.vector_store %arg7[%swap3A_733, %swap3A_734], %swap3A_737 {strides = array<i32>} : memref<208x128xf32, #tpu.memory_space<vmem>>, vector<1x16xf32>,
        %add3A_738 = arith.addf %add3A_732, %sub3A_135 : vector<16xf32>
        %add3A_739 = arith.constant 104 : i32
        %add3A_740 = arith.addi %add3A_739, %scan3A_546 : i32
        %swap3A_741 = arith.index_cast %add3A_740 : i32 to index
        %swap3A_742 = arith.constant 112 : index
        %swap3A_743 = tpu.vector_load %arg7[%swap3A_741, %swap3A_742] {strides = array<i32>} : memref<208x128xf32, #tpu.memory_space<vmem>>, vector<1x16xf32>,
        %swap3A_744 = vector.shape_cast %swap3A_743 : vector<1x16xf32> to vector<16xf32>
        %swap3A_745 = vector.shape_cast %add3A_738 : vector<16xf32> to vector<1x16xf32>
        tpu.vector_store %arg7[%swap3A_741, %swap3A_742], %swap3A_745 {strides = array<i32>} : memref<208x128xf32, #tpu.memory_space<vmem>>, vector<1x16xf32>,
      }
      %scan3A_366 = arith.constant 104 : i32
      %mul3A_367 = arith.constant 32 : i32
      %mul3A_368 = arith.muli %add3A_341, %mul3A_367 : i32
      %add3A_369 = arith.addi %mul3A_368, %add3A : i32
      %mul3A_370 = arith.constant 400 : i32
      %mul3A_371 = arith.muli %add3A_369, %mul3A_370 : i32
      %add3A_372 = arith.constant 0 : i32
      %add3A_373 = arith.addi %mul3A_371, %add3A_372 : i32
      %multiple_of3A_374 = tpu.assume_multiple %add3A_373, 8 : i32
      %dma_start3A_375 = arith.constant 0 : i32
      %dma_start3A_376 = arith.constant 0 : i32
      %dma_start3A_377 = tpu.memref_slice %arg7[%dma_start3A_375, %dma_start3A_376] : memref<208x128xf32, #tpu.memory_space<vmem>> -> memref<104x128xf32, #tpu.memory_space<vmem>>
      %dma_start3A_378 = arith.constant 0 : i32
      %dma_start3A_379 = tpu.memref_slice %arg6[%multiple_of3A_374, %dma_start3A_378] : memref<409600x128xf32, #tpu.memory_space<hbm>> -> memref<104x128xf32, #tpu.memory_space<hbm>>
      %dma_start3A_380 = arith.constant 0 : i32
      %dma_start3A_381 = tpu.memref_slice %arg6[%multiple_of3A_374, %dma_start3A_380] : memref<409600x128xf32, #tpu.memory_space<hbm>> -> memref<104x128xf32, #tpu.memory_space<hbm>>
      %dma_start3A_382 = arith.constant 0 : i32
      %dma_start3A_383 = arith.constant 0 : i32
      %dma_start3A_384 = tpu.memref_slice %arg7[%dma_start3A_382, %dma_start3A_383] : memref<208x128xf32, #tpu.memory_space<vmem>> -> memref<104x128xf32, #tpu.memory_space<vmem>>
      tpu.enqueue_dma source(%dma_start3A_384 : memref<104x128xf32, #tpu.memory_space<vmem>>) target(%dma_start3A_381 : memref<104x128xf32, #tpu.memory_space<hbm>>) target_semaphore(%arg21 : memref<!tpu.dma_semaphore, #tpu.memory_space<semaphore_mem>>)
      %add3A_385 = arith.constant 200 : i32
      %add3A_386 = arith.addi %add3A_373, %add3A_385 : i32
      %multiple_of3A_387 = tpu.assume_multiple %add3A_386, 8 : i32
      %dma_start3A_388 = arith.constant 104 : i32
      %dma_start3A_389 = arith.constant 0 : i32
      %dma_start3A_390 = tpu.memref_slice %arg7[%dma_start3A_388, %dma_start3A_389] : memref<208x128xf32, #tpu.memory_space<vmem>> -> memref<104x128xf32, #tpu.memory_space<vmem>>
      %dma_start3A_391 = arith.constant 0 : i32
      %dma_start3A_392 = tpu.memref_slice %arg6[%multiple_of3A_387, %dma_start3A_391] : memref<409600x128xf32, #tpu.memory_space<hbm>> -> memref<104x128xf32, #tpu.memory_space<hbm>>
      %dma_start3A_393 = arith.constant 0 : i32
      %dma_start3A_394 = tpu.memref_slice %arg6[%multiple_of3A_387, %dma_start3A_393] : memref<409600x128xf32, #tpu.memory_space<hbm>> -> memref<104x128xf32, #tpu.memory_space<hbm>>
      %dma_start3A_395 = arith.constant 104 : i32
      %dma_start3A_396 = arith.constant 0 : i32
      %dma_start3A_397 = tpu.memref_slice %arg7[%dma_start3A_395, %dma_start3A_396] : memref<208x128xf32, #tpu.memory_space<vmem>> -> memref<104x128xf32, #tpu.memory_space<vmem>>
      tpu.enqueue_dma source(%dma_start3A_397 : memref<104x128xf32, #tpu.memory_space<vmem>>) target(%dma_start3A_394 : memref<104x128xf32, #tpu.memory_space<hbm>>) target_semaphore(%arg21 : memref<!tpu.dma_semaphore, #tpu.memory_space<semaphore_mem>>)
      %mul3A_398 = arith.constant 2 : i32
      %mul3A_399 = arith.muli %mul3A_398, %scan3A_304 : i32
      %add3A_400 = arith.constant 1 : i32
      %add3A_401 = arith.addi %mul3A_399, %add3A_400 : i32
      %gt3A_402 = arith.constant 0 : i32
      %gt3A_403 = arith.cmpi sgt, %scan3A_304, %gt3A_402 : i32
      %convert_element_type3A_404 = arith.extui %gt3A_403 : i1 to i32
      %cond3A_405 = arith.constant 0 : i32
      %cond3A_406 = arith.cmpi ne, %convert_element_type3A_404, %cond3A_405 : i32
      scf.if %cond3A_406 {
        %dma_wait3A_546 = arith.constant 0 : i32
        %dma_wait3A_547 = arith.constant 0 : i32
        %dma_wait3A_548 = tpu.memref_slice %arg9[%dma_wait3A_546, %dma_wait3A_547] : memref<208x128xf32, #tpu.memory_space<vmem>> -> memref<104x128xf32, #tpu.memory_space<vmem>>
        %dma_wait3A_549 = arith.constant 0 : i32
        %dma_wait3A_550 = arith.constant 0 : i32
        %dma_wait3A_551 = tpu.memref_slice %arg6[%dma_wait3A_549, %dma_wait3A_550] : memref<409600x128xf32, #tpu.memory_space<hbm>> -> memref<104x128xf32, #tpu.memory_space<hbm>>
        %dma_wait3A_552 = arith.constant 0 : i32
        %dma_wait3A_553 = arith.constant 0 : i32
        %dma_wait3A_554 = tpu.memref_slice %arg6[%dma_wait3A_552, %dma_wait3A_553] : memref<409600x128xf32, #tpu.memory_space<hbm>> -> memref<104x128xf32, #tpu.memory_space<hbm>>
        %dma_wait3A_555 = arith.constant 0 : i32
        %dma_wait3A_556 = arith.constant 0 : i32
        %dma_wait3A_557 = tpu.memref_slice %arg9[%dma_wait3A_555, %dma_wait3A_556] : memref<208x128xf32, #tpu.memory_space<vmem>> -> memref<104x128xf32, #tpu.memory_space<vmem>>
        tpu.wait_dma2 semaphore(%arg23 : memref<!tpu.dma_semaphore, #tpu.memory_space<semaphore_mem>>) src(%dma_wait3A_557 : memref<104x128xf32, #tpu.memory_space<vmem>>) dst(%dma_wait3A_554 : memref<104x128xf32, #tpu.memory_space<hbm>>)
        %dma_wait3A_558 = arith.constant 104 : i32
        %dma_wait3A_559 = arith.constant 0 : i32
        %dma_wait3A_560 = tpu.memref_slice %arg9[%dma_wait3A_558, %dma_wait3A_559] : memref<208x128xf32, #tpu.memory_space<vmem>> -> memref<104x128xf32, #tpu.memory_space<vmem>>
        %dma_wait3A_561 = arith.constant 0 : i32
        %dma_wait3A_562 = arith.constant 0 : i32
        %dma_wait3A_563 = tpu.memref_slice %arg6[%dma_wait3A_561, %dma_wait3A_562] : memref<409600x128xf32, #tpu.memory_space<hbm>> -> memref<104x128xf32, #tpu.memory_space<hbm>>
        %dma_wait3A_564 = arith.constant 0 : i32
        %dma_wait3A_565 = arith.constant 0 : i32
        %dma_wait3A_566 = tpu.memref_slice %arg6[%dma_wait3A_564, %dma_wait3A_565] : memref<409600x128xf32, #tpu.memory_space<hbm>> -> memref<104x128xf32, #tpu.memory_space<hbm>>
        %dma_wait3A_567 = arith.constant 104 : i32
        %dma_wait3A_568 = arith.constant 0 : i32
        %dma_wait3A_569 = tpu.memref_slice %arg9[%dma_wait3A_567, %dma_wait3A_568] : memref<208x128xf32, #tpu.memory_space<vmem>> -> memref<104x128xf32, #tpu.memory_space<vmem>>
        tpu.wait_dma2 semaphore(%arg23 : memref<!tpu.dma_semaphore, #tpu.memory_space<semaphore_mem>>) src(%dma_wait3A_569 : memref<104x128xf32, #tpu.memory_space<vmem>>) dst(%dma_wait3A_566 : memref<104x128xf32, #tpu.memory_space<hbm>>)
        %dma_wait3A_570 = arith.constant 0 : i32
        %dma_wait3A_571 = tpu.memref_slice %arg2[%dma_wait3A_570] : memref<204800xi32, #tpu.memory_space<hbm>> -> memref<104xi32, #tpu.memory_space<hbm>>
        %dma_wait3A_572 = arith.constant 0 : i32
        %dma_wait3A_573 = tpu.memref_slice %arg2[%dma_wait3A_572] : memref<204800xi32, #tpu.memory_space<hbm>> -> memref<104xi32, #tpu.memory_space<hbm>>
        tpu.wait_dma2 semaphore(%arg27 : memref<!tpu.dma_semaphore, #tpu.memory_space<semaphore_mem>>) src(%dma_wait3A_573 : memref<104xi32, #tpu.memory_space<hbm>>) dst(%arg13 : memref<104xi32, #tpu.memory_space<vmem>>)
        %dma_start3A_574 = arith.constant 0 : i32
        %dma_start3A_575 = arith.constant 0 : i32
        %dma_start3A_576 = tpu.memref_slice %arg9[%dma_start3A_574, %dma_start3A_575] : memref<208x128xf32, #tpu.memory_space<vmem>> -> memref<104x128xf32, #tpu.memory_space<vmem>>
        %dma_start3A_577 = arith.constant 0 : i32
        %dma_start3A_578 = arith.constant 0 : i32
        %dma_start3A_579 = tpu.memref_slice %arg3[%dma_start3A_577, %dma_start3A_578] : memref<100000x128xf32, #tpu.memory_space<hbm>> -> memref<100000x128xf32, #tpu.memory_space<hbm>>
        tpu.enqueue_indirect_dma source(%dma_start3A_579 : memref<100000x128xf32, #tpu.memory_space<hbm>>) target(%dma_start3A_576 : memref<104x128xf32, #tpu.memory_space<vmem>>) offsets(%arg13 : memref<104xi32, #tpu.memory_space<vmem>>) semaphore(%arg19 : memref<!tpu.dma_semaphore, #tpu.memory_space<semaphore_mem>>)
      } else {
      }
      %eq3A_407 = arith.constant 0 : i32
      %eq3A_408 = arith.cmpi eq, %scan3A_304, %eq3A_407 : i32
      %convert_element_type3A_409 = arith.extui %eq3A_408 : i1 to i32
      %cond3A_410 = arith.constant 0 : i32
      %cond3A_411 = arith.cmpi ne, %convert_element_type3A_409, %cond3A_410 : i32
      scf.if %cond3A_411 {
        %dma_wait3A_546 = arith.constant 0 : i32
        %dma_wait3A_547 = tpu.memref_slice %arg2[%dma_wait3A_546] : memref<204800xi32, #tpu.memory_space<hbm>> -> memref<104xi32, #tpu.memory_space<hbm>>
        %dma_wait3A_548 = arith.constant 0 : i32
        %dma_wait3A_549 = tpu.memref_slice %arg2[%dma_wait3A_548] : memref<204800xi32, #tpu.memory_space<hbm>> -> memref<104xi32, #tpu.memory_space<hbm>>
        tpu.wait_dma2 semaphore(%arg27 : memref<!tpu.dma_semaphore, #tpu.memory_space<semaphore_mem>>) src(%dma_wait3A_549 : memref<104xi32, #tpu.memory_space<hbm>>) dst(%arg13 : memref<104xi32, #tpu.memory_space<vmem>>)
        %dma_start3A_550 = arith.constant 0 : i32
        %dma_start3A_551 = arith.constant 0 : i32
        %dma_start3A_552 = tpu.memref_slice %arg9[%dma_start3A_550, %dma_start3A_551] : memref<208x128xf32, #tpu.memory_space<vmem>> -> memref<104x128xf32, #tpu.memory_space<vmem>>
        %dma_start3A_553 = arith.constant 0 : i32
        %dma_start3A_554 = arith.constant 0 : i32
        %dma_start3A_555 = tpu.memref_slice %arg3[%dma_start3A_553, %dma_start3A_554] : memref<100000x128xf32, #tpu.memory_space<hbm>> -> memref<100000x128xf32, #tpu.memory_space<hbm>>
        tpu.enqueue_indirect_dma source(%dma_start3A_555 : memref<100000x128xf32, #tpu.memory_space<hbm>>) target(%dma_start3A_552 : memref<104x128xf32, #tpu.memory_space<vmem>>) offsets(%arg13 : memref<104xi32, #tpu.memory_space<vmem>>) semaphore(%arg19 : memref<!tpu.dma_semaphore, #tpu.memory_space<semaphore_mem>>)
      } else {
      }
      %mul3A_412 = arith.constant 2 : i32
      %mul3A_413 = arith.muli %mul3A_412, %scan3A_304 : i32
      %add3A_414 = arith.constant 0 : i32
      %add3A_415 = arith.addi %mul3A_413, %add3A_414 : i32
      %dma_wait3A_416 = arith.constant 0 : i32
      %dma_wait3A_417 = arith.constant 0 : i32
      %dma_wait3A_418 = tpu.memref_slice %arg8[%dma_wait3A_416, %dma_wait3A_417] : memref<192x128xf32, #tpu.memory_space<vmem>> -> memref<96x128xf32, #tpu.memory_space<vmem>>
      %dma_wait3A_419 = arith.constant 0 : i32
      %dma_wait3A_420 = arith.constant 0 : i32
      %dma_wait3A_421 = tpu.memref_slice %arg3[%dma_wait3A_419, %dma_wait3A_420] : memref<100000x128xf32, #tpu.memory_space<hbm>> -> memref<100000x128xf32, #tpu.memory_space<hbm>>
      tpu.wait_indirect_dma semaphore(%arg18 : memref<!tpu.dma_semaphore, #tpu.memory_space<semaphore_mem>>) src(%dma_wait3A_421 : memref<100000x128xf32, #tpu.memory_space<hbm>>) dst(%dma_wait3A_418 : memref<96x128xf32, #tpu.memory_space<vmem>>)
      %add3A_422 = arith.constant 2 : i32
      %add3A_423 = arith.addi %add3A_415, %add3A_422 : i32
      %mul3A_424 = arith.constant 32 : i32
      %mul3A_425 = arith.muli %add3A_423, %mul3A_424 : i32
      %add3A_426 = arith.addi %mul3A_425, %add3A : i32
      %min3A_427 = arith.constant 1023 : i32
      %min3A_428 = arith.minsi %add3A_426, %min3A_427 : i32
      %mul3A_429 = arith.constant 200 : i32
      %mul3A_430 = arith.muli %min3A_428, %mul3A_429 : i32
      %add3A_431 = arith.constant 104 : i32
      %add3A_432 = arith.addi %mul3A_430, %add3A_431 : i32
      %dma_start3A_433 = tpu.memref_slice %arg2[%add3A_432] : memref<204800xi32, #tpu.memory_space<hbm>> -> memref<96xi32, #tpu.memory_space<hbm>>
      %dma_start3A_434 = tpu.memref_slice %arg2[%add3A_432] : memref<204800xi32, #tpu.memory_space<hbm>> -> memref<96xi32, #tpu.memory_space<hbm>>
      tpu.enqueue_dma source(%dma_start3A_434 : memref<96xi32, #tpu.memory_space<hbm>>) target(%arg12 : memref<96xi32, #tpu.memory_space<vmem>>) target_semaphore(%arg26 : memref<!tpu.dma_semaphore, #tpu.memory_space<semaphore_mem>>)
      %scan3A_435 = arith.constant 0 : i32
      %scan3A_436 = arith.constant 0 : i32
      %scan3A_437 = arith.constant 96 : i32
      %scan3A_438 = arith.addi %scan3A_436, %scan3A_437 : i32
      %scan3A_439 = arith.constant 1 : i32
      scf.for %scan3A_546 = %scan3A_436 to %scan3A_438 step %scan3A_439  : i32 {
        %get3A_547 = arith.index_cast %scan3A_546 : i32 to index
        %get3A_548 = arith.constant 0 : index
        %get3A_549 = tpu.vector_load %arg8[%get3A_547, %get3A_548] {strides = array<i32>} : memref<192x128xf32, #tpu.memory_space<vmem>>, vector<1x16xf32>,
        %get3A_550 = vector.shape_cast %get3A_549 : vector<1x16xf32> to vector<16xf32>
        %add3A_551 = arith.constant 104 : i32
        %add3A_552 = arith.addi %add3A_551, %scan3A_546 : i32
        %get3A_553 = arith.index_cast %add3A_552 : i32 to index
        %get3A_554 = arith.constant 0 : index
        %get3A_555 = tpu.vector_load %arg15[%get3A_553, %get3A_554] {strides = array<i32>} : memref<200x128xf32, #tpu.memory_space<vmem>>, vector<1x16xf32>,
        %get3A_556 = vector.shape_cast %get3A_555 : vector<1x16xf32> to vector<16xf32>
        %add3A_557 = arith.addf %get3A_550, %get3A_556 : vector<16xf32>
        %add3A_558 = arith.addf %add3A_557, %get3A_53 : vector<16xf32>
        %swap3A = arith.index_cast %scan3A_546 : i32 to index
        %swap3A_559 = arith.constant 0 : index
        %swap3A_560 = tpu.vector_load %arg8[%swap3A, %swap3A_559] {strides = array<i32>} : memref<192x128xf32, #tpu.memory_space<vmem>>, vector<1x16xf32>,
        %swap3A_561 = vector.shape_cast %swap3A_560 : vector<1x16xf32> to vector<16xf32>
        %swap3A_562 = vector.shape_cast %add3A_558 : vector<16xf32> to vector<1x16xf32>
        tpu.vector_store %arg8[%swap3A, %swap3A_559], %swap3A_562 {strides = array<i32>} : memref<192x128xf32, #tpu.memory_space<vmem>>, vector<1x16xf32>,
        %add3A_563 = arith.addf %add3A_558, %sub3A : vector<16xf32>
        %add3A_564 = arith.constant 96 : i32
        %add3A_565 = arith.addi %add3A_564, %scan3A_546 : i32
        %swap3A_566 = arith.index_cast %add3A_565 : i32 to index
        %swap3A_567 = arith.constant 0 : index
        %swap3A_568 = tpu.vector_load %arg8[%swap3A_566, %swap3A_567] {strides = array<i32>} : memref<192x128xf32, #tpu.memory_space<vmem>>, vector<1x16xf32>,
        %swap3A_569 = vector.shape_cast %swap3A_568 : vector<1x16xf32> to vector<16xf32>
        %swap3A_570 = vector.shape_cast %add3A_563 : vector<16xf32> to vector<1x16xf32>
        tpu.vector_store %arg8[%swap3A_566, %swap3A_567], %swap3A_570 {strides = array<i32>} : memref<192x128xf32, #tpu.memory_space<vmem>>, vector<1x16xf32>,
        %get3A_571 = arith.index_cast %scan3A_546 : i32 to index
        %get3A_572 = arith.constant 16 : index
        %get3A_573 = tpu.vector_load %arg8[%get3A_571, %get3A_572] {strides = array<i32>} : memref<192x128xf32, #tpu.memory_space<vmem>>, vector<1x16xf32>,
        %get3A_574 = vector.shape_cast %get3A_573 : vector<1x16xf32> to vector<16xf32>
        %add3A_575 = arith.constant 104 : i32
        %add3A_576 = arith.addi %add3A_575, %scan3A_546 : i32
        %get3A_577 = arith.index_cast %add3A_576 : i32 to index
        %get3A_578 = arith.constant 16 : index
        %get3A_579 = tpu.vector_load %arg15[%get3A_577, %get3A_578] {strides = array<i32>} : memref<200x128xf32, #tpu.memory_space<vmem>>, vector<1x16xf32>,
        %get3A_580 = vector.shape_cast %get3A_579 : vector<1x16xf32> to vector<16xf32>
        %add3A_581 = arith.addf %get3A_574, %get3A_580 : vector<16xf32>
        %add3A_582 = arith.addf %add3A_581, %get3A_58 : vector<16xf32>
        %swap3A_583 = arith.index_cast %scan3A_546 : i32 to index
        %swap3A_584 = arith.constant 16 : index
        %swap3A_585 = tpu.vector_load %arg8[%swap3A_583, %swap3A_584] {strides = array<i32>} : memref<192x128xf32, #tpu.memory_space<vmem>>, vector<1x16xf32>,
        %swap3A_586 = vector.shape_cast %swap3A_585 : vector<1x16xf32> to vector<16xf32>
        %swap3A_587 = vector.shape_cast %add3A_582 : vector<16xf32> to vector<1x16xf32>
        tpu.vector_store %arg8[%swap3A_583, %swap3A_584], %swap3A_587 {strides = array<i32>} : memref<192x128xf32, #tpu.memory_space<vmem>>, vector<1x16xf32>,
        %add3A_588 = arith.addf %add3A_582, %sub3A_99 : vector<16xf32>
        %add3A_589 = arith.constant 96 : i32
        %add3A_590 = arith.addi %add3A_589, %scan3A_546 : i32
        %swap3A_591 = arith.index_cast %add3A_590 : i32 to index
        %swap3A_592 = arith.constant 16 : index
        %swap3A_593 = tpu.vector_load %arg8[%swap3A_591, %swap3A_592] {strides = array<i32>} : memref<192x128xf32, #tpu.memory_space<vmem>>, vector<1x16xf32>,
        %swap3A_594 = vector.shape_cast %swap3A_593 : vector<1x16xf32> to vector<16xf32>
        %swap3A_595 = vector.shape_cast %add3A_588 : vector<16xf32> to vector<1x16xf32>
        tpu.vector_store %arg8[%swap3A_591, %swap3A_592], %swap3A_595 {strides = array<i32>} : memref<192x128xf32, #tpu.memory_space<vmem>>, vector<1x16xf32>,
        %get3A_596 = arith.index_cast %scan3A_546 : i32 to index
        %get3A_597 = arith.constant 32 : index
        %get3A_598 = tpu.vector_load %arg8[%get3A_596, %get3A_597] {strides = array<i32>} : memref<192x128xf32, #tpu.memory_space<vmem>>, vector<1x16xf32>,
        %get3A_599 = vector.shape_cast %get3A_598 : vector<1x16xf32> to vector<16xf32>
        %add3A_600 = arith.constant 104 : i32
        %add3A_601 = arith.addi %add3A_600, %scan3A_546 : i32
        %get3A_602 = arith.index_cast %add3A_601 : i32 to index
        %get3A_603 = arith.constant 32 : index
        %get3A_604 = tpu.vector_load %arg15[%get3A_602, %get3A_603] {strides = array<i32>} : memref<200x128xf32, #tpu.memory_space<vmem>>, vector<1x16xf32>,
        %get3A_605 = vector.shape_cast %get3A_604 : vector<1x16xf32> to vector<16xf32>
        %add3A_606 = arith.addf %get3A_599, %get3A_605 : vector<16xf32>
        %add3A_607 = arith.addf %add3A_606, %get3A_63 : vector<16xf32>
        %swap3A_608 = arith.index_cast %scan3A_546 : i32 to index
        %swap3A_609 = arith.constant 32 : index
        %swap3A_610 = tpu.vector_load %arg8[%swap3A_608, %swap3A_609] {strides = array<i32>} : memref<192x128xf32, #tpu.memory_space<vmem>>, vector<1x16xf32>,
        %swap3A_611 = vector.shape_cast %swap3A_610 : vector<1x16xf32> to vector<16xf32>
        %swap3A_612 = vector.shape_cast %add3A_607 : vector<16xf32> to vector<1x16xf32>
        tpu.vector_store %arg8[%swap3A_608, %swap3A_609], %swap3A_612 {strides = array<i32>} : memref<192x128xf32, #tpu.memory_space<vmem>>, vector<1x16xf32>,
        %add3A_613 = arith.addf %add3A_607, %sub3A_105 : vector<16xf32>
        %add3A_614 = arith.constant 96 : i32
        %add3A_615 = arith.addi %add3A_614, %scan3A_546 : i32
        %swap3A_616 = arith.index_cast %add3A_615 : i32 to index
        %swap3A_617 = arith.constant 32 : index
        %swap3A_618 = tpu.vector_load %arg8[%swap3A_616, %swap3A_617] {strides = array<i32>} : memref<192x128xf32, #tpu.memory_space<vmem>>, vector<1x16xf32>,
        %swap3A_619 = vector.shape_cast %swap3A_618 : vector<1x16xf32> to vector<16xf32>
        %swap3A_620 = vector.shape_cast %add3A_613 : vector<16xf32> to vector<1x16xf32>
        tpu.vector_store %arg8[%swap3A_616, %swap3A_617], %swap3A_620 {strides = array<i32>} : memref<192x128xf32, #tpu.memory_space<vmem>>, vector<1x16xf32>,
        %get3A_621 = arith.index_cast %scan3A_546 : i32 to index
        %get3A_622 = arith.constant 48 : index
        %get3A_623 = tpu.vector_load %arg8[%get3A_621, %get3A_622] {strides = array<i32>} : memref<192x128xf32, #tpu.memory_space<vmem>>, vector<1x16xf32>,
        %get3A_624 = vector.shape_cast %get3A_623 : vector<1x16xf32> to vector<16xf32>
        %add3A_625 = arith.constant 104 : i32
        %add3A_626 = arith.addi %add3A_625, %scan3A_546 : i32
        %get3A_627 = arith.index_cast %add3A_626 : i32 to index
        %get3A_628 = arith.constant 48 : index
        %get3A_629 = tpu.vector_load %arg15[%get3A_627, %get3A_628] {strides = array<i32>} : memref<200x128xf32, #tpu.memory_space<vmem>>, vector<1x16xf32>,
        %get3A_630 = vector.shape_cast %get3A_629 : vector<1x16xf32> to vector<16xf32>
        %add3A_631 = arith.addf %get3A_624, %get3A_630 : vector<16xf32>
        %add3A_632 = arith.addf %add3A_631, %get3A_68 : vector<16xf32>
        %swap3A_633 = arith.index_cast %scan3A_546 : i32 to index
        %swap3A_634 = arith.constant 48 : index
        %swap3A_635 = tpu.vector_load %arg8[%swap3A_633, %swap3A_634] {strides = array<i32>} : memref<192x128xf32, #tpu.memory_space<vmem>>, vector<1x16xf32>,
        %swap3A_636 = vector.shape_cast %swap3A_635 : vector<1x16xf32> to vector<16xf32>
        %swap3A_637 = vector.shape_cast %add3A_632 : vector<16xf32> to vector<1x16xf32>
        tpu.vector_store %arg8[%swap3A_633, %swap3A_634], %swap3A_637 {strides = array<i32>} : memref<192x128xf32, #tpu.memory_space<vmem>>, vector<1x16xf32>,
        %add3A_638 = arith.addf %add3A_632, %sub3A_111 : vector<16xf32>
        %add3A_639 = arith.constant 96 : i32
        %add3A_640 = arith.addi %add3A_639, %scan3A_546 : i32
        %swap3A_641 = arith.index_cast %add3A_640 : i32 to index
        %swap3A_642 = arith.constant 48 : index
        %swap3A_643 = tpu.vector_load %arg8[%swap3A_641, %swap3A_642] {strides = array<i32>} : memref<192x128xf32, #tpu.memory_space<vmem>>, vector<1x16xf32>,
        %swap3A_644 = vector.shape_cast %swap3A_643 : vector<1x16xf32> to vector<16xf32>
        %swap3A_645 = vector.shape_cast %add3A_638 : vector<16xf32> to vector<1x16xf32>
        tpu.vector_store %arg8[%swap3A_641, %swap3A_642], %swap3A_645 {strides = array<i32>} : memref<192x128xf32, #tpu.memory_space<vmem>>, vector<1x16xf32>,
        %get3A_646 = arith.index_cast %scan3A_546 : i32 to index
        %get3A_647 = arith.constant 64 : index
        %get3A_648 = tpu.vector_load %arg8[%get3A_646, %get3A_647] {strides = array<i32>} : memref<192x128xf32, #tpu.memory_space<vmem>>, vector<1x16xf32>,
        %get3A_649 = vector.shape_cast %get3A_648 : vector<1x16xf32> to vector<16xf32>
        %add3A_650 = arith.constant 104 : i32
        %add3A_651 = arith.addi %add3A_650, %scan3A_546 : i32
        %get3A_652 = arith.index_cast %add3A_651 : i32 to index
        %get3A_653 = arith.constant 64 : index
        %get3A_654 = tpu.vector_load %arg15[%get3A_652, %get3A_653] {strides = array<i32>} : memref<200x128xf32, #tpu.memory_space<vmem>>, vector<1x16xf32>,
        %get3A_655 = vector.shape_cast %get3A_654 : vector<1x16xf32> to vector<16xf32>
        %add3A_656 = arith.addf %get3A_649, %get3A_655 : vector<16xf32>
        %add3A_657 = arith.addf %add3A_656, %get3A_73 : vector<16xf32>
        %swap3A_658 = arith.index_cast %scan3A_546 : i32 to index
        %swap3A_659 = arith.constant 64 : index
        %swap3A_660 = tpu.vector_load %arg8[%swap3A_658, %swap3A_659] {strides = array<i32>} : memref<192x128xf32, #tpu.memory_space<vmem>>, vector<1x16xf32>,
        %swap3A_661 = vector.shape_cast %swap3A_660 : vector<1x16xf32> to vector<16xf32>
        %swap3A_662 = vector.shape_cast %add3A_657 : vector<16xf32> to vector<1x16xf32>
        tpu.vector_store %arg8[%swap3A_658, %swap3A_659], %swap3A_662 {strides = array<i32>} : memref<192x128xf32, #tpu.memory_space<vmem>>, vector<1x16xf32>,
        %add3A_663 = arith.addf %add3A_657, %sub3A_117 : vector<16xf32>
        %add3A_664 = arith.constant 96 : i32
        %add3A_665 = arith.addi %add3A_664, %scan3A_546 : i32
        %swap3A_666 = arith.index_cast %add3A_665 : i32 to index
        %swap3A_667 = arith.constant 64 : index
        %swap3A_668 = tpu.vector_load %arg8[%swap3A_666, %swap3A_667] {strides = array<i32>} : memref<192x128xf32, #tpu.memory_space<vmem>>, vector<1x16xf32>,
        %swap3A_669 = vector.shape_cast %swap3A_668 : vector<1x16xf32> to vector<16xf32>
        %swap3A_670 = vector.shape_cast %add3A_663 : vector<16xf32> to vector<1x16xf32>
        tpu.vector_store %arg8[%swap3A_666, %swap3A_667], %swap3A_670 {strides = array<i32>} : memref<192x128xf32, #tpu.memory_space<vmem>>, vector<1x16xf32>,
        %get3A_671 = arith.index_cast %scan3A_546 : i32 to index
        %get3A_672 = arith.constant 80 : index
        %get3A_673 = tpu.vector_load %arg8[%get3A_671, %get3A_672] {strides = array<i32>} : memref<192x128xf32, #tpu.memory_space<vmem>>, vector<1x16xf32>,
        %get3A_674 = vector.shape_cast %get3A_673 : vector<1x16xf32> to vector<16xf32>
        %add3A_675 = arith.constant 104 : i32
        %add3A_676 = arith.addi %add3A_675, %scan3A_546 : i32
        %get3A_677 = arith.index_cast %add3A_676 : i32 to index
        %get3A_678 = arith.constant 80 : index
        %get3A_679 = tpu.vector_load %arg15[%get3A_677, %get3A_678] {strides = array<i32>} : memref<200x128xf32, #tpu.memory_space<vmem>>, vector<1x16xf32>,
        %get3A_680 = vector.shape_cast %get3A_679 : vector<1x16xf32> to vector<16xf32>
        %add3A_681 = arith.addf %get3A_674, %get3A_680 : vector<16xf32>
        %add3A_682 = arith.addf %add3A_681, %get3A_78 : vector<16xf32>
        %swap3A_683 = arith.index_cast %scan3A_546 : i32 to index
        %swap3A_684 = arith.constant 80 : index
        %swap3A_685 = tpu.vector_load %arg8[%swap3A_683, %swap3A_684] {strides = array<i32>} : memref<192x128xf32, #tpu.memory_space<vmem>>, vector<1x16xf32>,
        %swap3A_686 = vector.shape_cast %swap3A_685 : vector<1x16xf32> to vector<16xf32>
        %swap3A_687 = vector.shape_cast %add3A_682 : vector<16xf32> to vector<1x16xf32>
        tpu.vector_store %arg8[%swap3A_683, %swap3A_684], %swap3A_687 {strides = array<i32>} : memref<192x128xf32, #tpu.memory_space<vmem>>, vector<1x16xf32>,
        %add3A_688 = arith.addf %add3A_682, %sub3A_123 : vector<16xf32>
        %add3A_689 = arith.constant 96 : i32
        %add3A_690 = arith.addi %add3A_689, %scan3A_546 : i32
        %swap3A_691 = arith.index_cast %add3A_690 : i32 to index
        %swap3A_692 = arith.constant 80 : index
        %swap3A_693 = tpu.vector_load %arg8[%swap3A_691, %swap3A_692] {strides = array<i32>} : memref<192x128xf32, #tpu.memory_space<vmem>>, vector<1x16xf32>,
        %swap3A_694 = vector.shape_cast %swap3A_693 : vector<1x16xf32> to vector<16xf32>
        %swap3A_695 = vector.shape_cast %add3A_688 : vector<16xf32> to vector<1x16xf32>
        tpu.vector_store %arg8[%swap3A_691, %swap3A_692], %swap3A_695 {strides = array<i32>} : memref<192x128xf32, #tpu.memory_space<vmem>>, vector<1x16xf32>,
        %get3A_696 = arith.index_cast %scan3A_546 : i32 to index
        %get3A_697 = arith.constant 96 : index
        %get3A_698 = tpu.vector_load %arg8[%get3A_696, %get3A_697] {strides = array<i32>} : memref<192x128xf32, #tpu.memory_space<vmem>>, vector<1x16xf32>,
        %get3A_699 = vector.shape_cast %get3A_698 : vector<1x16xf32> to vector<16xf32>
        %add3A_700 = arith.constant 104 : i32
        %add3A_701 = arith.addi %add3A_700, %scan3A_546 : i32
        %get3A_702 = arith.index_cast %add3A_701 : i32 to index
        %get3A_703 = arith.constant 96 : index
        %get3A_704 = tpu.vector_load %arg15[%get3A_702, %get3A_703] {strides = array<i32>} : memref<200x128xf32, #tpu.memory_space<vmem>>, vector<1x16xf32>,
        %get3A_705 = vector.shape_cast %get3A_704 : vector<1x16xf32> to vector<16xf32>
        %add3A_706 = arith.addf %get3A_699, %get3A_705 : vector<16xf32>
        %add3A_707 = arith.addf %add3A_706, %get3A_83 : vector<16xf32>
        %swap3A_708 = arith.index_cast %scan3A_546 : i32 to index
        %swap3A_709 = arith.constant 96 : index
        %swap3A_710 = tpu.vector_load %arg8[%swap3A_708, %swap3A_709] {strides = array<i32>} : memref<192x128xf32, #tpu.memory_space<vmem>>, vector<1x16xf32>,
        %swap3A_711 = vector.shape_cast %swap3A_710 : vector<1x16xf32> to vector<16xf32>
        %swap3A_712 = vector.shape_cast %add3A_707 : vector<16xf32> to vector<1x16xf32>
        tpu.vector_store %arg8[%swap3A_708, %swap3A_709], %swap3A_712 {strides = array<i32>} : memref<192x128xf32, #tpu.memory_space<vmem>>, vector<1x16xf32>,
        %add3A_713 = arith.addf %add3A_707, %sub3A_129 : vector<16xf32>
        %add3A_714 = arith.constant 96 : i32
        %add3A_715 = arith.addi %add3A_714, %scan3A_546 : i32
        %swap3A_716 = arith.index_cast %add3A_715 : i32 to index
        %swap3A_717 = arith.constant 96 : index
        %swap3A_718 = tpu.vector_load %arg8[%swap3A_716, %swap3A_717] {strides = array<i32>} : memref<192x128xf32, #tpu.memory_space<vmem>>, vector<1x16xf32>,
        %swap3A_719 = vector.shape_cast %swap3A_718 : vector<1x16xf32> to vector<16xf32>
        %swap3A_720 = vector.shape_cast %add3A_713 : vector<16xf32> to vector<1x16xf32>
        tpu.vector_store %arg8[%swap3A_716, %swap3A_717], %swap3A_720 {strides = array<i32>} : memref<192x128xf32, #tpu.memory_space<vmem>>, vector<1x16xf32>,
        %get3A_721 = arith.index_cast %scan3A_546 : i32 to index
        %get3A_722 = arith.constant 112 : index
        %get3A_723 = tpu.vector_load %arg8[%get3A_721, %get3A_722] {strides = array<i32>} : memref<192x128xf32, #tpu.memory_space<vmem>>, vector<1x16xf32>,
        %get3A_724 = vector.shape_cast %get3A_723 : vector<1x16xf32> to vector<16xf32>
        %add3A_725 = arith.constant 104 : i32
        %add3A_726 = arith.addi %add3A_725, %scan3A_546 : i32
        %get3A_727 = arith.index_cast %add3A_726 : i32 to index
        %get3A_728 = arith.constant 112 : index
        %get3A_729 = tpu.vector_load %arg15[%get3A_727, %get3A_728] {strides = array<i32>} : memref<200x128xf32, #tpu.memory_space<vmem>>, vector<1x16xf32>,
        %get3A_730 = vector.shape_cast %get3A_729 : vector<1x16xf32> to vector<16xf32>
        %add3A_731 = arith.addf %get3A_724, %get3A_730 : vector<16xf32>
        %add3A_732 = arith.addf %add3A_731, %get3A_88 : vector<16xf32>
        %swap3A_733 = arith.index_cast %scan3A_546 : i32 to index
        %swap3A_734 = arith.constant 112 : index
        %swap3A_735 = tpu.vector_load %arg8[%swap3A_733, %swap3A_734] {strides = array<i32>} : memref<192x128xf32, #tpu.memory_space<vmem>>, vector<1x16xf32>,
        %swap3A_736 = vector.shape_cast %swap3A_735 : vector<1x16xf32> to vector<16xf32>
        %swap3A_737 = vector.shape_cast %add3A_732 : vector<16xf32> to vector<1x16xf32>
        tpu.vector_store %arg8[%swap3A_733, %swap3A_734], %swap3A_737 {strides = array<i32>} : memref<192x128xf32, #tpu.memory_space<vmem>>, vector<1x16xf32>,
        %add3A_738 = arith.addf %add3A_732, %sub3A_135 : vector<16xf32>
        %add3A_739 = arith.constant 96 : i32
        %add3A_740 = arith.addi %add3A_739, %scan3A_546 : i32
        %swap3A_741 = arith.index_cast %add3A_740 : i32 to index
        %swap3A_742 = arith.constant 112 : index
        %swap3A_743 = tpu.vector_load %arg8[%swap3A_741, %swap3A_742] {strides = array<i32>} : memref<192x128xf32, #tpu.memory_space<vmem>>, vector<1x16xf32>,
        %swap3A_744 = vector.shape_cast %swap3A_743 : vector<1x16xf32> to vector<16xf32>
        %swap3A_745 = vector.shape_cast %add3A_738 : vector<16xf32> to vector<1x16xf32>
        tpu.vector_store %arg8[%swap3A_741, %swap3A_742], %swap3A_745 {strides = array<i32>} : memref<192x128xf32, #tpu.memory_space<vmem>>, vector<1x16xf32>,
      }
      %scan3A_440 = arith.constant 96 : i32
      %mul3A_441 = arith.constant 32 : i32
      %mul3A_442 = arith.muli %add3A_415, %mul3A_441 : i32
      %add3A_443 = arith.addi %mul3A_442, %add3A : i32
      %mul3A_444 = arith.constant 400 : i32
      %mul3A_445 = arith.muli %add3A_443, %mul3A_444 : i32
      %add3A_446 = arith.constant 104 : i32
      %add3A_447 = arith.addi %mul3A_445, %add3A_446 : i32
      %multiple_of3A_448 = tpu.assume_multiple %add3A_447, 8 : i32
      %dma_start3A_449 = arith.constant 0 : i32
      %dma_start3A_450 = arith.constant 0 : i32
      %dma_start3A_451 = tpu.memref_slice %arg8[%dma_start3A_449, %dma_start3A_450] : memref<192x128xf32, #tpu.memory_space<vmem>> -> memref<96x128xf32, #tpu.memory_space<vmem>>
      %dma_start3A_452 = arith.constant 0 : i32
      %dma_start3A_453 = tpu.memref_slice %arg6[%multiple_of3A_448, %dma_start3A_452] : memref<409600x128xf32, #tpu.memory_space<hbm>> -> memref<96x128xf32, #tpu.memory_space<hbm>>
      %dma_start3A_454 = arith.constant 0 : i32
      %dma_start3A_455 = tpu.memref_slice %arg6[%multiple_of3A_448, %dma_start3A_454] : memref<409600x128xf32, #tpu.memory_space<hbm>> -> memref<96x128xf32, #tpu.memory_space<hbm>>
      %dma_start3A_456 = arith.constant 0 : i32
      %dma_start3A_457 = arith.constant 0 : i32
      %dma_start3A_458 = tpu.memref_slice %arg8[%dma_start3A_456, %dma_start3A_457] : memref<192x128xf32, #tpu.memory_space<vmem>> -> memref<96x128xf32, #tpu.memory_space<vmem>>
      tpu.enqueue_dma source(%dma_start3A_458 : memref<96x128xf32, #tpu.memory_space<vmem>>) target(%dma_start3A_455 : memref<96x128xf32, #tpu.memory_space<hbm>>) target_semaphore(%arg22 : memref<!tpu.dma_semaphore, #tpu.memory_space<semaphore_mem>>)
      %add3A_459 = arith.constant 200 : i32
      %add3A_460 = arith.addi %add3A_447, %add3A_459 : i32
      %multiple_of3A_461 = tpu.assume_multiple %add3A_460, 8 : i32
      %dma_start3A_462 = arith.constant 96 : i32
      %dma_start3A_463 = arith.constant 0 : i32
      %dma_start3A_464 = tpu.memref_slice %arg8[%dma_start3A_462, %dma_start3A_463] : memref<192x128xf32, #tpu.memory_space<vmem>> -> memref<96x128xf32, #tpu.memory_space<vmem>>
      %dma_start3A_465 = arith.constant 0 : i32
      %dma_start3A_466 = tpu.memref_slice %arg6[%multiple_of3A_461, %dma_start3A_465] : memref<409600x128xf32, #tpu.memory_space<hbm>> -> memref<96x128xf32, #tpu.memory_space<hbm>>
      %dma_start3A_467 = arith.constant 0 : i32
      %dma_start3A_468 = tpu.memref_slice %arg6[%multiple_of3A_461, %dma_start3A_467] : memref<409600x128xf32, #tpu.memory_space<hbm>> -> memref<96x128xf32, #tpu.memory_space<hbm>>
      %dma_start3A_469 = arith.constant 96 : i32
      %dma_start3A_470 = arith.constant 0 : i32
      %dma_start3A_471 = tpu.memref_slice %arg8[%dma_start3A_469, %dma_start3A_470] : memref<192x128xf32, #tpu.memory_space<vmem>> -> memref<96x128xf32, #tpu.memory_space<vmem>>
      tpu.enqueue_dma source(%dma_start3A_471 : memref<96x128xf32, #tpu.memory_space<vmem>>) target(%dma_start3A_468 : memref<96x128xf32, #tpu.memory_space<hbm>>) target_semaphore(%arg22 : memref<!tpu.dma_semaphore, #tpu.memory_space<semaphore_mem>>)
      %mul3A_472 = arith.constant 2 : i32
      %mul3A_473 = arith.muli %mul3A_472, %scan3A_304 : i32
      %add3A_474 = arith.constant 1 : i32
      %add3A_475 = arith.addi %mul3A_473, %add3A_474 : i32
      %gt3A_476 = arith.constant 0 : i32
      %gt3A_477 = arith.cmpi sgt, %scan3A_304, %gt3A_476 : i32
      %convert_element_type3A_478 = arith.extui %gt3A_477 : i1 to i32
      %cond3A_479 = arith.constant 0 : i32
      %cond3A_480 = arith.cmpi ne, %convert_element_type3A_478, %cond3A_479 : i32
      scf.if %cond3A_480 {
        %dma_wait3A_546 = arith.constant 0 : i32
        %dma_wait3A_547 = arith.constant 0 : i32
        %dma_wait3A_548 = tpu.memref_slice %arg10[%dma_wait3A_546, %dma_wait3A_547] : memref<192x128xf32, #tpu.memory_space<vmem>> -> memref<96x128xf32, #tpu.memory_space<vmem>>
        %dma_wait3A_549 = arith.constant 0 : i32
        %dma_wait3A_550 = arith.constant 0 : i32
        %dma_wait3A_551 = tpu.memref_slice %arg6[%dma_wait3A_549, %dma_wait3A_550] : memref<409600x128xf32, #tpu.memory_space<hbm>> -> memref<96x128xf32, #tpu.memory_space<hbm>>
        %dma_wait3A_552 = arith.constant 0 : i32
        %dma_wait3A_553 = arith.constant 0 : i32
        %dma_wait3A_554 = tpu.memref_slice %arg6[%dma_wait3A_552, %dma_wait3A_553] : memref<409600x128xf32, #tpu.memory_space<hbm>> -> memref<96x128xf32, #tpu.memory_space<hbm>>
        %dma_wait3A_555 = arith.constant 0 : i32
        %dma_wait3A_556 = arith.constant 0 : i32
        %dma_wait3A_557 = tpu.memref_slice %arg10[%dma_wait3A_555, %dma_wait3A_556] : memref<192x128xf32, #tpu.memory_space<vmem>> -> memref<96x128xf32, #tpu.memory_space<vmem>>
        tpu.wait_dma2 semaphore(%arg24 : memref<!tpu.dma_semaphore, #tpu.memory_space<semaphore_mem>>) src(%dma_wait3A_557 : memref<96x128xf32, #tpu.memory_space<vmem>>) dst(%dma_wait3A_554 : memref<96x128xf32, #tpu.memory_space<hbm>>)
        %dma_wait3A_558 = arith.constant 96 : i32
        %dma_wait3A_559 = arith.constant 0 : i32
        %dma_wait3A_560 = tpu.memref_slice %arg10[%dma_wait3A_558, %dma_wait3A_559] : memref<192x128xf32, #tpu.memory_space<vmem>> -> memref<96x128xf32, #tpu.memory_space<vmem>>
        %dma_wait3A_561 = arith.constant 0 : i32
        %dma_wait3A_562 = arith.constant 0 : i32
        %dma_wait3A_563 = tpu.memref_slice %arg6[%dma_wait3A_561, %dma_wait3A_562] : memref<409600x128xf32, #tpu.memory_space<hbm>> -> memref<96x128xf32, #tpu.memory_space<hbm>>
        %dma_wait3A_564 = arith.constant 0 : i32
        %dma_wait3A_565 = arith.constant 0 : i32
        %dma_wait3A_566 = tpu.memref_slice %arg6[%dma_wait3A_564, %dma_wait3A_565] : memref<409600x128xf32, #tpu.memory_space<hbm>> -> memref<96x128xf32, #tpu.memory_space<hbm>>
        %dma_wait3A_567 = arith.constant 96 : i32
        %dma_wait3A_568 = arith.constant 0 : i32
        %dma_wait3A_569 = tpu.memref_slice %arg10[%dma_wait3A_567, %dma_wait3A_568] : memref<192x128xf32, #tpu.memory_space<vmem>> -> memref<96x128xf32, #tpu.memory_space<vmem>>
        tpu.wait_dma2 semaphore(%arg24 : memref<!tpu.dma_semaphore, #tpu.memory_space<semaphore_mem>>) src(%dma_wait3A_569 : memref<96x128xf32, #tpu.memory_space<vmem>>) dst(%dma_wait3A_566 : memref<96x128xf32, #tpu.memory_space<hbm>>)
        %dma_wait3A_570 = arith.constant 0 : i32
        %dma_wait3A_571 = tpu.memref_slice %arg2[%dma_wait3A_570] : memref<204800xi32, #tpu.memory_space<hbm>> -> memref<96xi32, #tpu.memory_space<hbm>>
        %dma_wait3A_572 = arith.constant 0 : i32
        %dma_wait3A_573 = tpu.memref_slice %arg2[%dma_wait3A_572] : memref<204800xi32, #tpu.memory_space<hbm>> -> memref<96xi32, #tpu.memory_space<hbm>>
        tpu.wait_dma2 semaphore(%arg28 : memref<!tpu.dma_semaphore, #tpu.memory_space<semaphore_mem>>) src(%dma_wait3A_573 : memref<96xi32, #tpu.memory_space<hbm>>) dst(%arg14 : memref<96xi32, #tpu.memory_space<vmem>>)
        %dma_start3A_574 = arith.constant 0 : i32
        %dma_start3A_575 = arith.constant 0 : i32
        %dma_start3A_576 = tpu.memref_slice %arg10[%dma_start3A_574, %dma_start3A_575] : memref<192x128xf32, #tpu.memory_space<vmem>> -> memref<96x128xf32, #tpu.memory_space<vmem>>
        %dma_start3A_577 = arith.constant 0 : i32
        %dma_start3A_578 = arith.constant 0 : i32
        %dma_start3A_579 = tpu.memref_slice %arg3[%dma_start3A_577, %dma_start3A_578] : memref<100000x128xf32, #tpu.memory_space<hbm>> -> memref<100000x128xf32, #tpu.memory_space<hbm>>
        tpu.enqueue_indirect_dma source(%dma_start3A_579 : memref<100000x128xf32, #tpu.memory_space<hbm>>) target(%dma_start3A_576 : memref<96x128xf32, #tpu.memory_space<vmem>>) offsets(%arg14 : memref<96xi32, #tpu.memory_space<vmem>>) semaphore(%arg20 : memref<!tpu.dma_semaphore, #tpu.memory_space<semaphore_mem>>)
      } else {
      }
      %eq3A_481 = arith.constant 0 : i32
      %eq3A_482 = arith.cmpi eq, %scan3A_304, %eq3A_481 : i32
      %convert_element_type3A_483 = arith.extui %eq3A_482 : i1 to i32
      %cond3A_484 = arith.constant 0 : i32
      %cond3A_485 = arith.cmpi ne, %convert_element_type3A_483, %cond3A_484 : i32
      scf.if %cond3A_485 {
        %dma_wait3A_546 = arith.constant 0 : i32
        %dma_wait3A_547 = tpu.memref_slice %arg2[%dma_wait3A_546] : memref<204800xi32, #tpu.memory_space<hbm>> -> memref<96xi32, #tpu.memory_space<hbm>>
        %dma_wait3A_548 = arith.constant 0 : i32
        %dma_wait3A_549 = tpu.memref_slice %arg2[%dma_wait3A_548] : memref<204800xi32, #tpu.memory_space<hbm>> -> memref<96xi32, #tpu.memory_space<hbm>>
        tpu.wait_dma2 semaphore(%arg28 : memref<!tpu.dma_semaphore, #tpu.memory_space<semaphore_mem>>) src(%dma_wait3A_549 : memref<96xi32, #tpu.memory_space<hbm>>) dst(%arg14 : memref<96xi32, #tpu.memory_space<vmem>>)
        %dma_start3A_550 = arith.constant 0 : i32
        %dma_start3A_551 = arith.constant 0 : i32
        %dma_start3A_552 = tpu.memref_slice %arg10[%dma_start3A_550, %dma_start3A_551] : memref<192x128xf32, #tpu.memory_space<vmem>> -> memref<96x128xf32, #tpu.memory_space<vmem>>
        %dma_start3A_553 = arith.constant 0 : i32
        %dma_start3A_554 = arith.constant 0 : i32
        %dma_start3A_555 = tpu.memref_slice %arg3[%dma_start3A_553, %dma_start3A_554] : memref<100000x128xf32, #tpu.memory_space<hbm>> -> memref<100000x128xf32, #tpu.memory_space<hbm>>
        tpu.enqueue_indirect_dma source(%dma_start3A_555 : memref<100000x128xf32, #tpu.memory_space<hbm>>) target(%dma_start3A_552 : memref<96x128xf32, #tpu.memory_space<vmem>>) offsets(%arg14 : memref<96xi32, #tpu.memory_space<vmem>>) semaphore(%arg20 : memref<!tpu.dma_semaphore, #tpu.memory_space<semaphore_mem>>)
      } else {
      }
      %mul3A_486 = arith.constant 2 : i32
      %mul3A_487 = arith.muli %mul3A_486, %scan3A_304 : i32
      %add3A_488 = arith.constant 1 : i32
      %add3A_489 = arith.addi %mul3A_487, %add3A_488 : i32
      %dma_wait3A_490 = arith.constant 0 : i32
      %dma_wait3A_491 = arith.constant 0 : i32
      %dma_wait3A_492 = tpu.memref_slice %arg9[%dma_wait3A_490, %dma_wait3A_491] : memref<208x128xf32, #tpu.memory_space<vmem>> -> memref<104x128xf32, #tpu.memory_space<vmem>>
      %dma_wait3A_493 = arith.constant 0 : i32
      %dma_wait3A_494 = arith.constant 0 : i32
      %dma_wait3A_495 = tpu.memref_slice %arg3[%dma_wait3A_493, %dma_wait3A_494] : memref<100000x128xf32, #tpu.memory_space<hbm>> -> memref<100000x128xf32, #tpu.memory_space<hbm>>
      tpu.wait_indirect_dma semaphore(%arg19 : memref<!tpu.dma_semaphore, #tpu.memory_space<semaphore_mem>>) src(%dma_wait3A_495 : memref<100000x128xf32, #tpu.memory_space<hbm>>) dst(%dma_wait3A_492 : memref<104x128xf32, #tpu.memory_space<vmem>>)
      %add3A_496 = arith.constant 2 : i32
      %add3A_497 = arith.addi %add3A_489, %add3A_496 : i32
      %mul3A_498 = arith.constant 32 : i32
      %mul3A_499 = arith.muli %add3A_497, %mul3A_498 : i32
      %add3A_500 = arith.addi %mul3A_499, %add3A : i32
      %min3A_501 = arith.constant 1023 : i32
      %min3A_502 = arith.minsi %add3A_500, %min3A_501 : i32
      %mul3A_503 = arith.constant 200 : i32
      %mul3A_504 = arith.muli %min3A_502, %mul3A_503 : i32
      %add3A_505 = arith.constant 0 : i32
      %add3A_506 = arith.addi %mul3A_504, %add3A_505 : i32
      %dma_start3A_507 = tpu.memref_slice %arg2[%add3A_506] : memref<204800xi32, #tpu.memory_space<hbm>> -> memref<104xi32, #tpu.memory_space<hbm>>
      %dma_start3A_508 = tpu.memref_slice %arg2[%add3A_506] : memref<204800xi32, #tpu.memory_space<hbm>> -> memref<104xi32, #tpu.memory_space<hbm>>
      tpu.enqueue_dma source(%dma_start3A_508 : memref<104xi32, #tpu.memory_space<hbm>>) target(%arg13 : memref<104xi32, #tpu.memory_space<vmem>>) target_semaphore(%arg27 : memref<!tpu.dma_semaphore, #tpu.memory_space<semaphore_mem>>)
      %scan3A_509 = arith.constant 0 : i32
      %scan3A_510 = arith.constant 0 : i32
      %scan3A_511 = arith.constant 104 : i32
      %scan3A_512 = arith.addi %scan3A_510, %scan3A_511 : i32
      %scan3A_513 = arith.constant 1 : i32
      scf.for %scan3A_546 = %scan3A_510 to %scan3A_512 step %scan3A_513  : i32 {
        %get3A_547 = arith.index_cast %scan3A_546 : i32 to index
        %get3A_548 = arith.constant 0 : index
        %get3A_549 = tpu.vector_load %arg9[%get3A_547, %get3A_548] {strides = array<i32>} : memref<208x128xf32, #tpu.memory_space<vmem>>, vector<1x16xf32>,
        %get3A_550 = vector.shape_cast %get3A_549 : vector<1x16xf32> to vector<16xf32>
        %add3A_551 = arith.constant 0 : i32
        %add3A_552 = arith.addi %add3A_551, %scan3A_546 : i32
        %get3A_553 = arith.index_cast %add3A_552 : i32 to index
        %get3A_554 = arith.constant 0 : index
        %get3A_555 = tpu.vector_load %arg15[%get3A_553, %get3A_554] {strides = array<i32>} : memref<200x128xf32, #tpu.memory_space<vmem>>, vector<1x16xf32>,
        %get3A_556 = vector.shape_cast %get3A_555 : vector<1x16xf32> to vector<16xf32>
        %add3A_557 = arith.addf %get3A_550, %get3A_556 : vector<16xf32>
        %add3A_558 = arith.addf %add3A_557, %get3A_53 : vector<16xf32>
        %swap3A = arith.index_cast %scan3A_546 : i32 to index
        %swap3A_559 = arith.constant 0 : index
        %swap3A_560 = tpu.vector_load %arg9[%swap3A, %swap3A_559] {strides = array<i32>} : memref<208x128xf32, #tpu.memory_space<vmem>>, vector<1x16xf32>,
        %swap3A_561 = vector.shape_cast %swap3A_560 : vector<1x16xf32> to vector<16xf32>
        %swap3A_562 = vector.shape_cast %add3A_558 : vector<16xf32> to vector<1x16xf32>
        tpu.vector_store %arg9[%swap3A, %swap3A_559], %swap3A_562 {strides = array<i32>} : memref<208x128xf32, #tpu.memory_space<vmem>>, vector<1x16xf32>,
        %add3A_563 = arith.addf %add3A_558, %sub3A : vector<16xf32>
        %add3A_564 = arith.constant 104 : i32
        %add3A_565 = arith.addi %add3A_564, %scan3A_546 : i32
        %swap3A_566 = arith.index_cast %add3A_565 : i32 to index
        %swap3A_567 = arith.constant 0 : index
        %swap3A_568 = tpu.vector_load %arg9[%swap3A_566, %swap3A_567] {strides = array<i32>} : memref<208x128xf32, #tpu.memory_space<vmem>>, vector<1x16xf32>,
        %swap3A_569 = vector.shape_cast %swap3A_568 : vector<1x16xf32> to vector<16xf32>
        %swap3A_570 = vector.shape_cast %add3A_563 : vector<16xf32> to vector<1x16xf32>
        tpu.vector_store %arg9[%swap3A_566, %swap3A_567], %swap3A_570 {strides = array<i32>} : memref<208x128xf32, #tpu.memory_space<vmem>>, vector<1x16xf32>,
        %get3A_571 = arith.index_cast %scan3A_546 : i32 to index
        %get3A_572 = arith.constant 16 : index
        %get3A_573 = tpu.vector_load %arg9[%get3A_571, %get3A_572] {strides = array<i32>} : memref<208x128xf32, #tpu.memory_space<vmem>>, vector<1x16xf32>,
        %get3A_574 = vector.shape_cast %get3A_573 : vector<1x16xf32> to vector<16xf32>
        %add3A_575 = arith.constant 0 : i32
        %add3A_576 = arith.addi %add3A_575, %scan3A_546 : i32
        %get3A_577 = arith.index_cast %add3A_576 : i32 to index
        %get3A_578 = arith.constant 16 : index
        %get3A_579 = tpu.vector_load %arg15[%get3A_577, %get3A_578] {strides = array<i32>} : memref<200x128xf32, #tpu.memory_space<vmem>>, vector<1x16xf32>,
        %get3A_580 = vector.shape_cast %get3A_579 : vector<1x16xf32> to vector<16xf32>
        %add3A_581 = arith.addf %get3A_574, %get3A_580 : vector<16xf32>
        %add3A_582 = arith.addf %add3A_581, %get3A_58 : vector<16xf32>
        %swap3A_583 = arith.index_cast %scan3A_546 : i32 to index
        %swap3A_584 = arith.constant 16 : index
        %swap3A_585 = tpu.vector_load %arg9[%swap3A_583, %swap3A_584] {strides = array<i32>} : memref<208x128xf32, #tpu.memory_space<vmem>>, vector<1x16xf32>,
        %swap3A_586 = vector.shape_cast %swap3A_585 : vector<1x16xf32> to vector<16xf32>
        %swap3A_587 = vector.shape_cast %add3A_582 : vector<16xf32> to vector<1x16xf32>
        tpu.vector_store %arg9[%swap3A_583, %swap3A_584], %swap3A_587 {strides = array<i32>} : memref<208x128xf32, #tpu.memory_space<vmem>>, vector<1x16xf32>,
        %add3A_588 = arith.addf %add3A_582, %sub3A_99 : vector<16xf32>
        %add3A_589 = arith.constant 104 : i32
        %add3A_590 = arith.addi %add3A_589, %scan3A_546 : i32
        %swap3A_591 = arith.index_cast %add3A_590 : i32 to index
        %swap3A_592 = arith.constant 16 : index
        %swap3A_593 = tpu.vector_load %arg9[%swap3A_591, %swap3A_592] {strides = array<i32>} : memref<208x128xf32, #tpu.memory_space<vmem>>, vector<1x16xf32>,
        %swap3A_594 = vector.shape_cast %swap3A_593 : vector<1x16xf32> to vector<16xf32>
        %swap3A_595 = vector.shape_cast %add3A_588 : vector<16xf32> to vector<1x16xf32>
        tpu.vector_store %arg9[%swap3A_591, %swap3A_592], %swap3A_595 {strides = array<i32>} : memref<208x128xf32, #tpu.memory_space<vmem>>, vector<1x16xf32>,
        %get3A_596 = arith.index_cast %scan3A_546 : i32 to index
        %get3A_597 = arith.constant 32 : index
        %get3A_598 = tpu.vector_load %arg9[%get3A_596, %get3A_597] {strides = array<i32>} : memref<208x128xf32, #tpu.memory_space<vmem>>, vector<1x16xf32>,
        %get3A_599 = vector.shape_cast %get3A_598 : vector<1x16xf32> to vector<16xf32>
        %add3A_600 = arith.constant 0 : i32
        %add3A_601 = arith.addi %add3A_600, %scan3A_546 : i32
        %get3A_602 = arith.index_cast %add3A_601 : i32 to index
        %get3A_603 = arith.constant 32 : index
        %get3A_604 = tpu.vector_load %arg15[%get3A_602, %get3A_603] {strides = array<i32>} : memref<200x128xf32, #tpu.memory_space<vmem>>, vector<1x16xf32>,
        %get3A_605 = vector.shape_cast %get3A_604 : vector<1x16xf32> to vector<16xf32>
        %add3A_606 = arith.addf %get3A_599, %get3A_605 : vector<16xf32>
        %add3A_607 = arith.addf %add3A_606, %get3A_63 : vector<16xf32>
        %swap3A_608 = arith.index_cast %scan3A_546 : i32 to index
        %swap3A_609 = arith.constant 32 : index
        %swap3A_610 = tpu.vector_load %arg9[%swap3A_608, %swap3A_609] {strides = array<i32>} : memref<208x128xf32, #tpu.memory_space<vmem>>, vector<1x16xf32>,
        %swap3A_611 = vector.shape_cast %swap3A_610 : vector<1x16xf32> to vector<16xf32>
        %swap3A_612 = vector.shape_cast %add3A_607 : vector<16xf32> to vector<1x16xf32>
        tpu.vector_store %arg9[%swap3A_608, %swap3A_609], %swap3A_612 {strides = array<i32>} : memref<208x128xf32, #tpu.memory_space<vmem>>, vector<1x16xf32>,
        %add3A_613 = arith.addf %add3A_607, %sub3A_105 : vector<16xf32>
        %add3A_614 = arith.constant 104 : i32
        %add3A_615 = arith.addi %add3A_614, %scan3A_546 : i32
        %swap3A_616 = arith.index_cast %add3A_615 : i32 to index
        %swap3A_617 = arith.constant 32 : index
        %swap3A_618 = tpu.vector_load %arg9[%swap3A_616, %swap3A_617] {strides = array<i32>} : memref<208x128xf32, #tpu.memory_space<vmem>>, vector<1x16xf32>,
        %swap3A_619 = vector.shape_cast %swap3A_618 : vector<1x16xf32> to vector<16xf32>
        %swap3A_620 = vector.shape_cast %add3A_613 : vector<16xf32> to vector<1x16xf32>
        tpu.vector_store %arg9[%swap3A_616, %swap3A_617], %swap3A_620 {strides = array<i32>} : memref<208x128xf32, #tpu.memory_space<vmem>>, vector<1x16xf32>,
        %get3A_621 = arith.index_cast %scan3A_546 : i32 to index
        %get3A_622 = arith.constant 48 : index
        %get3A_623 = tpu.vector_load %arg9[%get3A_621, %get3A_622] {strides = array<i32>} : memref<208x128xf32, #tpu.memory_space<vmem>>, vector<1x16xf32>,
        %get3A_624 = vector.shape_cast %get3A_623 : vector<1x16xf32> to vector<16xf32>
        %add3A_625 = arith.constant 0 : i32
        %add3A_626 = arith.addi %add3A_625, %scan3A_546 : i32
        %get3A_627 = arith.index_cast %add3A_626 : i32 to index
        %get3A_628 = arith.constant 48 : index
        %get3A_629 = tpu.vector_load %arg15[%get3A_627, %get3A_628] {strides = array<i32>} : memref<200x128xf32, #tpu.memory_space<vmem>>, vector<1x16xf32>,
        %get3A_630 = vector.shape_cast %get3A_629 : vector<1x16xf32> to vector<16xf32>
        %add3A_631 = arith.addf %get3A_624, %get3A_630 : vector<16xf32>
        %add3A_632 = arith.addf %add3A_631, %get3A_68 : vector<16xf32>
        %swap3A_633 = arith.index_cast %scan3A_546 : i32 to index
        %swap3A_634 = arith.constant 48 : index
        %swap3A_635 = tpu.vector_load %arg9[%swap3A_633, %swap3A_634] {strides = array<i32>} : memref<208x128xf32, #tpu.memory_space<vmem>>, vector<1x16xf32>,
        %swap3A_636 = vector.shape_cast %swap3A_635 : vector<1x16xf32> to vector<16xf32>
        %swap3A_637 = vector.shape_cast %add3A_632 : vector<16xf32> to vector<1x16xf32>
        tpu.vector_store %arg9[%swap3A_633, %swap3A_634], %swap3A_637 {strides = array<i32>} : memref<208x128xf32, #tpu.memory_space<vmem>>, vector<1x16xf32>,
        %add3A_638 = arith.addf %add3A_632, %sub3A_111 : vector<16xf32>
        %add3A_639 = arith.constant 104 : i32
        %add3A_640 = arith.addi %add3A_639, %scan3A_546 : i32
        %swap3A_641 = arith.index_cast %add3A_640 : i32 to index
        %swap3A_642 = arith.constant 48 : index
        %swap3A_643 = tpu.vector_load %arg9[%swap3A_641, %swap3A_642] {strides = array<i32>} : memref<208x128xf32, #tpu.memory_space<vmem>>, vector<1x16xf32>,
        %swap3A_644 = vector.shape_cast %swap3A_643 : vector<1x16xf32> to vector<16xf32>
        %swap3A_645 = vector.shape_cast %add3A_638 : vector<16xf32> to vector<1x16xf32>
        tpu.vector_store %arg9[%swap3A_641, %swap3A_642], %swap3A_645 {strides = array<i32>} : memref<208x128xf32, #tpu.memory_space<vmem>>, vector<1x16xf32>,
        %get3A_646 = arith.index_cast %scan3A_546 : i32 to index
        %get3A_647 = arith.constant 64 : index
        %get3A_648 = tpu.vector_load %arg9[%get3A_646, %get3A_647] {strides = array<i32>} : memref<208x128xf32, #tpu.memory_space<vmem>>, vector<1x16xf32>,
        %get3A_649 = vector.shape_cast %get3A_648 : vector<1x16xf32> to vector<16xf32>
        %add3A_650 = arith.constant 0 : i32
        %add3A_651 = arith.addi %add3A_650, %scan3A_546 : i32
        %get3A_652 = arith.index_cast %add3A_651 : i32 to index
        %get3A_653 = arith.constant 64 : index
        %get3A_654 = tpu.vector_load %arg15[%get3A_652, %get3A_653] {strides = array<i32>} : memref<200x128xf32, #tpu.memory_space<vmem>>, vector<1x16xf32>,
        %get3A_655 = vector.shape_cast %get3A_654 : vector<1x16xf32> to vector<16xf32>
        %add3A_656 = arith.addf %get3A_649, %get3A_655 : vector<16xf32>
        %add3A_657 = arith.addf %add3A_656, %get3A_73 : vector<16xf32>
        %swap3A_658 = arith.index_cast %scan3A_546 : i32 to index
        %swap3A_659 = arith.constant 64 : index
        %swap3A_660 = tpu.vector_load %arg9[%swap3A_658, %swap3A_659] {strides = array<i32>} : memref<208x128xf32, #tpu.memory_space<vmem>>, vector<1x16xf32>,
        %swap3A_661 = vector.shape_cast %swap3A_660 : vector<1x16xf32> to vector<16xf32>
        %swap3A_662 = vector.shape_cast %add3A_657 : vector<16xf32> to vector<1x16xf32>
        tpu.vector_store %arg9[%swap3A_658, %swap3A_659], %swap3A_662 {strides = array<i32>} : memref<208x128xf32, #tpu.memory_space<vmem>>, vector<1x16xf32>,
        %add3A_663 = arith.addf %add3A_657, %sub3A_117 : vector<16xf32>
        %add3A_664 = arith.constant 104 : i32
        %add3A_665 = arith.addi %add3A_664, %scan3A_546 : i32
        %swap3A_666 = arith.index_cast %add3A_665 : i32 to index
        %swap3A_667 = arith.constant 64 : index
        %swap3A_668 = tpu.vector_load %arg9[%swap3A_666, %swap3A_667] {strides = array<i32>} : memref<208x128xf32, #tpu.memory_space<vmem>>, vector<1x16xf32>,
        %swap3A_669 = vector.shape_cast %swap3A_668 : vector<1x16xf32> to vector<16xf32>
        %swap3A_670 = vector.shape_cast %add3A_663 : vector<16xf32> to vector<1x16xf32>
        tpu.vector_store %arg9[%swap3A_666, %swap3A_667], %swap3A_670 {strides = array<i32>} : memref<208x128xf32, #tpu.memory_space<vmem>>, vector<1x16xf32>,
        %get3A_671 = arith.index_cast %scan3A_546 : i32 to index
        %get3A_672 = arith.constant 80 : index
        %get3A_673 = tpu.vector_load %arg9[%get3A_671, %get3A_672] {strides = array<i32>} : memref<208x128xf32, #tpu.memory_space<vmem>>, vector<1x16xf32>,
        %get3A_674 = vector.shape_cast %get3A_673 : vector<1x16xf32> to vector<16xf32>
        %add3A_675 = arith.constant 0 : i32
        %add3A_676 = arith.addi %add3A_675, %scan3A_546 : i32
        %get3A_677 = arith.index_cast %add3A_676 : i32 to index
        %get3A_678 = arith.constant 80 : index
        %get3A_679 = tpu.vector_load %arg15[%get3A_677, %get3A_678] {strides = array<i32>} : memref<200x128xf32, #tpu.memory_space<vmem>>, vector<1x16xf32>,
        %get3A_680 = vector.shape_cast %get3A_679 : vector<1x16xf32> to vector<16xf32>
        %add3A_681 = arith.addf %get3A_674, %get3A_680 : vector<16xf32>
        %add3A_682 = arith.addf %add3A_681, %get3A_78 : vector<16xf32>
        %swap3A_683 = arith.index_cast %scan3A_546 : i32 to index
        %swap3A_684 = arith.constant 80 : index
        %swap3A_685 = tpu.vector_load %arg9[%swap3A_683, %swap3A_684] {strides = array<i32>} : memref<208x128xf32, #tpu.memory_space<vmem>>, vector<1x16xf32>,
        %swap3A_686 = vector.shape_cast %swap3A_685 : vector<1x16xf32> to vector<16xf32>
        %swap3A_687 = vector.shape_cast %add3A_682 : vector<16xf32> to vector<1x16xf32>
        tpu.vector_store %arg9[%swap3A_683, %swap3A_684], %swap3A_687 {strides = array<i32>} : memref<208x128xf32, #tpu.memory_space<vmem>>, vector<1x16xf32>,
        %add3A_688 = arith.addf %add3A_682, %sub3A_123 : vector<16xf32>
        %add3A_689 = arith.constant 104 : i32
        %add3A_690 = arith.addi %add3A_689, %scan3A_546 : i32
        %swap3A_691 = arith.index_cast %add3A_690 : i32 to index
        %swap3A_692 = arith.constant 80 : index
        %swap3A_693 = tpu.vector_load %arg9[%swap3A_691, %swap3A_692] {strides = array<i32>} : memref<208x128xf32, #tpu.memory_space<vmem>>, vector<1x16xf32>,
        %swap3A_694 = vector.shape_cast %swap3A_693 : vector<1x16xf32> to vector<16xf32>
        %swap3A_695 = vector.shape_cast %add3A_688 : vector<16xf32> to vector<1x16xf32>
        tpu.vector_store %arg9[%swap3A_691, %swap3A_692], %swap3A_695 {strides = array<i32>} : memref<208x128xf32, #tpu.memory_space<vmem>>, vector<1x16xf32>,
        %get3A_696 = arith.index_cast %scan3A_546 : i32 to index
        %get3A_697 = arith.constant 96 : index
        %get3A_698 = tpu.vector_load %arg9[%get3A_696, %get3A_697] {strides = array<i32>} : memref<208x128xf32, #tpu.memory_space<vmem>>, vector<1x16xf32>,
        %get3A_699 = vector.shape_cast %get3A_698 : vector<1x16xf32> to vector<16xf32>
        %add3A_700 = arith.constant 0 : i32
        %add3A_701 = arith.addi %add3A_700, %scan3A_546 : i32
        %get3A_702 = arith.index_cast %add3A_701 : i32 to index
        %get3A_703 = arith.constant 96 : index
        %get3A_704 = tpu.vector_load %arg15[%get3A_702, %get3A_703] {strides = array<i32>} : memref<200x128xf32, #tpu.memory_space<vmem>>, vector<1x16xf32>,
        %get3A_705 = vector.shape_cast %get3A_704 : vector<1x16xf32> to vector<16xf32>
        %add3A_706 = arith.addf %get3A_699, %get3A_705 : vector<16xf32>
        %add3A_707 = arith.addf %add3A_706, %get3A_83 : vector<16xf32>
        %swap3A_708 = arith.index_cast %scan3A_546 : i32 to index
        %swap3A_709 = arith.constant 96 : index
        %swap3A_710 = tpu.vector_load %arg9[%swap3A_708, %swap3A_709] {strides = array<i32>} : memref<208x128xf32, #tpu.memory_space<vmem>>, vector<1x16xf32>,
        %swap3A_711 = vector.shape_cast %swap3A_710 : vector<1x16xf32> to vector<16xf32>
        %swap3A_712 = vector.shape_cast %add3A_707 : vector<16xf32> to vector<1x16xf32>
        tpu.vector_store %arg9[%swap3A_708, %swap3A_709], %swap3A_712 {strides = array<i32>} : memref<208x128xf32, #tpu.memory_space<vmem>>, vector<1x16xf32>,
        %add3A_713 = arith.addf %add3A_707, %sub3A_129 : vector<16xf32>
        %add3A_714 = arith.constant 104 : i32
        %add3A_715 = arith.addi %add3A_714, %scan3A_546 : i32
        %swap3A_716 = arith.index_cast %add3A_715 : i32 to index
        %swap3A_717 = arith.constant 96 : index
        %swap3A_718 = tpu.vector_load %arg9[%swap3A_716, %swap3A_717] {strides = array<i32>} : memref<208x128xf32, #tpu.memory_space<vmem>>, vector<1x16xf32>,
        %swap3A_719 = vector.shape_cast %swap3A_718 : vector<1x16xf32> to vector<16xf32>
        %swap3A_720 = vector.shape_cast %add3A_713 : vector<16xf32> to vector<1x16xf32>
        tpu.vector_store %arg9[%swap3A_716, %swap3A_717], %swap3A_720 {strides = array<i32>} : memref<208x128xf32, #tpu.memory_space<vmem>>, vector<1x16xf32>,
        %get3A_721 = arith.index_cast %scan3A_546 : i32 to index
        %get3A_722 = arith.constant 112 : index
        %get3A_723 = tpu.vector_load %arg9[%get3A_721, %get3A_722] {strides = array<i32>} : memref<208x128xf32, #tpu.memory_space<vmem>>, vector<1x16xf32>,
        %get3A_724 = vector.shape_cast %get3A_723 : vector<1x16xf32> to vector<16xf32>
        %add3A_725 = arith.constant 0 : i32
        %add3A_726 = arith.addi %add3A_725, %scan3A_546 : i32
        %get3A_727 = arith.index_cast %add3A_726 : i32 to index
        %get3A_728 = arith.constant 112 : index
        %get3A_729 = tpu.vector_load %arg15[%get3A_727, %get3A_728] {strides = array<i32>} : memref<200x128xf32, #tpu.memory_space<vmem>>, vector<1x16xf32>,
        %get3A_730 = vector.shape_cast %get3A_729 : vector<1x16xf32> to vector<16xf32>
        %add3A_731 = arith.addf %get3A_724, %get3A_730 : vector<16xf32>
        %add3A_732 = arith.addf %add3A_731, %get3A_88 : vector<16xf32>
        %swap3A_733 = arith.index_cast %scan3A_546 : i32 to index
        %swap3A_734 = arith.constant 112 : index
        %swap3A_735 = tpu.vector_load %arg9[%swap3A_733, %swap3A_734] {strides = array<i32>} : memref<208x128xf32, #tpu.memory_space<vmem>>, vector<1x16xf32>,
        %swap3A_736 = vector.shape_cast %swap3A_735 : vector<1x16xf32> to vector<16xf32>
        %swap3A_737 = vector.shape_cast %add3A_732 : vector<16xf32> to vector<1x16xf32>
        tpu.vector_store %arg9[%swap3A_733, %swap3A_734], %swap3A_737 {strides = array<i32>} : memref<208x128xf32, #tpu.memory_space<vmem>>, vector<1x16xf32>,
        %add3A_738 = arith.addf %add3A_732, %sub3A_135 : vector<16xf32>
        %add3A_739 = arith.constant 104 : i32
        %add3A_740 = arith.addi %add3A_739, %scan3A_546 : i32
        %swap3A_741 = arith.index_cast %add3A_740 : i32 to index
        %swap3A_742 = arith.constant 112 : index
        %swap3A_743 = tpu.vector_load %arg9[%swap3A_741, %swap3A_742] {strides = array<i32>} : memref<208x128xf32, #tpu.memory_space<vmem>>, vector<1x16xf32>,
        %swap3A_744 = vector.shape_cast %swap3A_743 : vector<1x16xf32> to vector<16xf32>
        %swap3A_745 = vector.shape_cast %add3A_738 : vector<16xf32> to vector<1x16xf32>
        tpu.vector_store %arg9[%swap3A_741, %swap3A_742], %swap3A_745 {strides = array<i32>} : memref<208x128xf32, #tpu.memory_space<vmem>>, vector<1x16xf32>,
      }
      %scan3A_514 = arith.constant 104 : i32
      %mul3A_515 = arith.constant 32 : i32
      %mul3A_516 = arith.muli %add3A_489, %mul3A_515 : i32
      %add3A_517 = arith.addi %mul3A_516, %add3A : i32
      %mul3A_518 = arith.constant 400 : i32
      %mul3A_519 = arith.muli %add3A_517, %mul3A_518 : i32
      %add3A_520 = arith.constant 0 : i32
      %add3A_521 = arith.addi %mul3A_519, %add3A_520 : i32
      %multiple_of3A_522 = tpu.assume_multiple %add3A_521, 8 : i32
      %dma_start3A_523 = arith.constant 0 : i32
      %dma_start3A_524 = arith.constant 0 : i32
      %dma_start3A_525 = tpu.memref_slice %arg9[%dma_start3A_523, %dma_start3A_524] : memref<208x128xf32, #tpu.memory_space<vmem>> -> memref<104x128xf32, #tpu.memory_space<vmem>>
      %dma_start3A_526 = arith.constant 0 : i32
      %dma_start3A_527 = tpu.memref_slice %arg6[%multiple_of3A_522, %dma_start3A_526] : memref<409600x128xf32, #tpu.memory_space<hbm>> -> memref<104x128xf32, #tpu.memory_space<hbm>>
      %dma_start3A_528 = arith.constant 0 : i32
      %dma_start3A_529 = tpu.memref_slice %arg6[%multiple_of3A_522, %dma_start3A_528] : memref<409600x128xf32, #tpu.memory_space<hbm>> -> memref<104x128xf32, #tpu.memory_space<hbm>>
      %dma_start3A_530 = arith.constant 0 : i32
      %dma_start3A_531 = arith.constant 0 : i32
      %dma_start3A_532 = tpu.memref_slice %arg9[%dma_start3A_530, %dma_start3A_531] : memref<208x128xf32, #tpu.memory_space<vmem>> -> memref<104x128xf32, #tpu.memory_space<vmem>>
      tpu.enqueue_dma source(%dma_start3A_532 : memref<104x128xf32, #tpu.memory_space<vmem>>) target(%dma_start3A_529 : memref<104x128xf32, #tpu.memory_space<hbm>>) target_semaphore(%arg23 : memref<!tpu.dma_semaphore, #tpu.memory_space<semaphore_mem>>)
      %add3A_533 = arith.constant 200 : i32
      %add3A_534 = arith.addi %add3A_521, %add3A_533 : i32
      %multiple_of3A_535 = tpu.assume_multiple %add3A_534, 8 : i32
      %dma_start3A_536 = arith.constant 104 : i32
      %dma_start3A_537 = arith.constant 0 : i32
      %dma_start3A_538 = tpu.memref_slice %arg9[%dma_start3A_536, %dma_start3A_537] : memref<208x128xf32, #tpu.memory_space<vmem>> -> memref<104x128xf32, #tpu.memory_space<vmem>>
      %dma_start3A_539 = arith.constant 0 : i32
      %dma_start3A_540 = tpu.memref_slice %arg6[%multiple_of3A_535, %dma_start3A_539] : memref<409600x128xf32, #tpu.memory_space<hbm>> -> memref<104x128xf32, #tpu.memory_space<hbm>>
      %dma_start3A_541 = arith.constant 0 : i32
      %dma_start3A_542 = tpu.memref_slice %arg6[%multiple_of3A_535, %dma_start3A_541] : memref<409600x128xf32, #tpu.memory_space<hbm>> -> memref<104x128xf32, #tpu.memory_space<hbm>>
      %dma_start3A_543 = arith.constant 104 : i32
      %dma_start3A_544 = arith.constant 0 : i32
      %dma_start3A_545 = tpu.memref_slice %arg9[%dma_start3A_543, %dma_start3A_544] : memref<208x128xf32, #tpu.memory_space<vmem>> -> memref<104x128xf32, #tpu.memory_space<vmem>>
      tpu.enqueue_dma source(%dma_start3A_545 : memref<104x128xf32, #tpu.memory_space<vmem>>) target(%dma_start3A_542 : memref<104x128xf32, #tpu.memory_space<hbm>>) target_semaphore(%arg23 : memref<!tpu.dma_semaphore, #tpu.memory_space<semaphore_mem>>)
    }
    %scan3A_140 = arith.constant 16 : i32
    %dma_wait3A_141 = arith.constant 0 : i32
    %dma_wait3A_142 = arith.constant 0 : i32
    %dma_wait3A_143 = tpu.memref_slice %arg10[%dma_wait3A_141, %dma_wait3A_142] : memref<192x128xf32, #tpu.memory_space<vmem>> -> memref<96x128xf32, #tpu.memory_space<vmem>>
    %dma_wait3A_144 = arith.constant 0 : i32
    %dma_wait3A_145 = arith.constant 0 : i32
    %dma_wait3A_146 = tpu.memref_slice %arg3[%dma_wait3A_144, %dma_wait3A_145] : memref<100000x128xf32, #tpu.memory_space<hbm>> -> memref<100000x128xf32, #tpu.memory_space<hbm>>
    tpu.wait_indirect_dma semaphore(%arg20 : memref<!tpu.dma_semaphore, #tpu.memory_space<semaphore_mem>>) src(%dma_wait3A_146 : memref<100000x128xf32, #tpu.memory_space<hbm>>) dst(%dma_wait3A_143 : memref<96x128xf32, #tpu.memory_space<vmem>>)
    %add3A_147 = arith.constant 1056 : i32
    %add3A_148 = arith.addi %add3A_147, %add3A : i32
    %min3A_149 = arith.constant 1023 : i32
    %min3A_150 = arith.minsi %add3A_148, %min3A_149 : i32
    %mul3A_151 = arith.constant 200 : i32
    %mul3A_152 = arith.muli %min3A_150, %mul3A_151 : i32
    %add3A_153 = arith.constant 104 : i32
    %add3A_154 = arith.addi %mul3A_152, %add3A_153 : i32
    %dma_start3A_155 = tpu.memref_slice %arg2[%add3A_154] : memref<204800xi32, #tpu.memory_space<hbm>> -> memref<96xi32, #tpu.memory_space<hbm>>
    %dma_start3A_156 = tpu.memref_slice %arg2[%add3A_154] : memref<204800xi32, #tpu.memory_space<hbm>> -> memref<96xi32, #tpu.memory_space<hbm>>
    tpu.enqueue_dma source(%dma_start3A_156 : memref<96xi32, #tpu.memory_space<hbm>>) target(%arg14 : memref<96xi32, #tpu.memory_space<vmem>>) target_semaphore(%arg28 : memref<!tpu.dma_semaphore, #tpu.memory_space<semaphore_mem>>)
    %scan3A_157 = arith.constant 0 : i32
    %scan3A_158 = arith.constant 0 : i32
    %scan3A_159 = arith.constant 96 : i32
    %scan3A_160 = arith.addi %scan3A_158, %scan3A_159 : i32
    %scan3A_161 = arith.constant 1 : i32
    scf.for %scan3A_304 = %scan3A_158 to %scan3A_160 step %scan3A_161  : i32 {
      %get3A_305 = arith.index_cast %scan3A_304 : i32 to index
      %get3A_306 = arith.constant 0 : index
      %get3A_307 = tpu.vector_load %arg10[%get3A_305, %get3A_306] {strides = array<i32>} : memref<192x128xf32, #tpu.memory_space<vmem>>, vector<1x16xf32>,
      %get3A_308 = vector.shape_cast %get3A_307 : vector<1x16xf32> to vector<16xf32>
      %add3A_309 = arith.constant 104 : i32
      %add3A_310 = arith.addi %add3A_309, %scan3A_304 : i32
      %get3A_311 = arith.index_cast %add3A_310 : i32 to index
      %get3A_312 = arith.constant 0 : index
      %get3A_313 = tpu.vector_load %arg15[%get3A_311, %get3A_312] {strides = array<i32>} : memref<200x128xf32, #tpu.memory_space<vmem>>, vector<1x16xf32>,
      %get3A_314 = vector.shape_cast %get3A_313 : vector<1x16xf32> to vector<16xf32>
      %add3A_315 = arith.addf %get3A_308, %get3A_314 : vector<16xf32>
      %add3A_316 = arith.addf %add3A_315, %get3A_53 : vector<16xf32>
      %swap3A = arith.index_cast %scan3A_304 : i32 to index
      %swap3A_317 = arith.constant 0 : index
      %swap3A_318 = tpu.vector_load %arg10[%swap3A, %swap3A_317] {strides = array<i32>} : memref<192x128xf32, #tpu.memory_space<vmem>>, vector<1x16xf32>,
      %swap3A_319 = vector.shape_cast %swap3A_318 : vector<1x16xf32> to vector<16xf32>
      %swap3A_320 = vector.shape_cast %add3A_316 : vector<16xf32> to vector<1x16xf32>
      tpu.vector_store %arg10[%swap3A, %swap3A_317], %swap3A_320 {strides = array<i32>} : memref<192x128xf32, #tpu.memory_space<vmem>>, vector<1x16xf32>,
      %add3A_321 = arith.addf %add3A_316, %sub3A : vector<16xf32>
      %add3A_322 = arith.constant 96 : i32
      %add3A_323 = arith.addi %add3A_322, %scan3A_304 : i32
      %swap3A_324 = arith.index_cast %add3A_323 : i32 to index
      %swap3A_325 = arith.constant 0 : index
      %swap3A_326 = tpu.vector_load %arg10[%swap3A_324, %swap3A_325] {strides = array<i32>} : memref<192x128xf32, #tpu.memory_space<vmem>>, vector<1x16xf32>,
      %swap3A_327 = vector.shape_cast %swap3A_326 : vector<1x16xf32> to vector<16xf32>
      %swap3A_328 = vector.shape_cast %add3A_321 : vector<16xf32> to vector<1x16xf32>
      tpu.vector_store %arg10[%swap3A_324, %swap3A_325], %swap3A_328 {strides = array<i32>} : memref<192x128xf32, #tpu.memory_space<vmem>>, vector<1x16xf32>,
      %get3A_329 = arith.index_cast %scan3A_304 : i32 to index
      %get3A_330 = arith.constant 16 : index
      %get3A_331 = tpu.vector_load %arg10[%get3A_329, %get3A_330] {strides = array<i32>} : memref<192x128xf32, #tpu.memory_space<vmem>>, vector<1x16xf32>,
      %get3A_332 = vector.shape_cast %get3A_331 : vector<1x16xf32> to vector<16xf32>
      %add3A_333 = arith.constant 104 : i32
      %add3A_334 = arith.addi %add3A_333, %scan3A_304 : i32
      %get3A_335 = arith.index_cast %add3A_334 : i32 to index
      %get3A_336 = arith.constant 16 : index
      %get3A_337 = tpu.vector_load %arg15[%get3A_335, %get3A_336] {strides = array<i32>} : memref<200x128xf32, #tpu.memory_space<vmem>>, vector<1x16xf32>,
      %get3A_338 = vector.shape_cast %get3A_337 : vector<1x16xf32> to vector<16xf32>
      %add3A_339 = arith.addf %get3A_332, %get3A_338 : vector<16xf32>
      %add3A_340 = arith.addf %add3A_339, %get3A_58 : vector<16xf32>
      %swap3A_341 = arith.index_cast %scan3A_304 : i32 to index
      %swap3A_342 = arith.constant 16 : index
      %swap3A_343 = tpu.vector_load %arg10[%swap3A_341, %swap3A_342] {strides = array<i32>} : memref<192x128xf32, #tpu.memory_space<vmem>>, vector<1x16xf32>,
      %swap3A_344 = vector.shape_cast %swap3A_343 : vector<1x16xf32> to vector<16xf32>
      %swap3A_345 = vector.shape_cast %add3A_340 : vector<16xf32> to vector<1x16xf32>
      tpu.vector_store %arg10[%swap3A_341, %swap3A_342], %swap3A_345 {strides = array<i32>} : memref<192x128xf32, #tpu.memory_space<vmem>>, vector<1x16xf32>,
      %add3A_346 = arith.addf %add3A_340, %sub3A_99 : vector<16xf32>
      %add3A_347 = arith.constant 96 : i32
      %add3A_348 = arith.addi %add3A_347, %scan3A_304 : i32
      %swap3A_349 = arith.index_cast %add3A_348 : i32 to index
      %swap3A_350 = arith.constant 16 : index
      %swap3A_351 = tpu.vector_load %arg10[%swap3A_349, %swap3A_350] {strides = array<i32>} : memref<192x128xf32, #tpu.memory_space<vmem>>, vector<1x16xf32>,
      %swap3A_352 = vector.shape_cast %swap3A_351 : vector<1x16xf32> to vector<16xf32>
      %swap3A_353 = vector.shape_cast %add3A_346 : vector<16xf32> to vector<1x16xf32>
      tpu.vector_store %arg10[%swap3A_349, %swap3A_350], %swap3A_353 {strides = array<i32>} : memref<192x128xf32, #tpu.memory_space<vmem>>, vector<1x16xf32>,
      %get3A_354 = arith.index_cast %scan3A_304 : i32 to index
      %get3A_355 = arith.constant 32 : index
      %get3A_356 = tpu.vector_load %arg10[%get3A_354, %get3A_355] {strides = array<i32>} : memref<192x128xf32, #tpu.memory_space<vmem>>, vector<1x16xf32>,
      %get3A_357 = vector.shape_cast %get3A_356 : vector<1x16xf32> to vector<16xf32>
      %add3A_358 = arith.constant 104 : i32
      %add3A_359 = arith.addi %add3A_358, %scan3A_304 : i32
      %get3A_360 = arith.index_cast %add3A_359 : i32 to index
      %get3A_361 = arith.constant 32 : index
      %get3A_362 = tpu.vector_load %arg15[%get3A_360, %get3A_361] {strides = array<i32>} : memref<200x128xf32, #tpu.memory_space<vmem>>, vector<1x16xf32>,
      %get3A_363 = vector.shape_cast %get3A_362 : vector<1x16xf32> to vector<16xf32>
      %add3A_364 = arith.addf %get3A_357, %get3A_363 : vector<16xf32>
      %add3A_365 = arith.addf %add3A_364, %get3A_63 : vector<16xf32>
      %swap3A_366 = arith.index_cast %scan3A_304 : i32 to index
      %swap3A_367 = arith.constant 32 : index
      %swap3A_368 = tpu.vector_load %arg10[%swap3A_366, %swap3A_367] {strides = array<i32>} : memref<192x128xf32, #tpu.memory_space<vmem>>, vector<1x16xf32>,
      %swap3A_369 = vector.shape_cast %swap3A_368 : vector<1x16xf32> to vector<16xf32>
      %swap3A_370 = vector.shape_cast %add3A_365 : vector<16xf32> to vector<1x16xf32>
      tpu.vector_store %arg10[%swap3A_366, %swap3A_367], %swap3A_370 {strides = array<i32>} : memref<192x128xf32, #tpu.memory_space<vmem>>, vector<1x16xf32>,
      %add3A_371 = arith.addf %add3A_365, %sub3A_105 : vector<16xf32>
      %add3A_372 = arith.constant 96 : i32
      %add3A_373 = arith.addi %add3A_372, %scan3A_304 : i32
      %swap3A_374 = arith.index_cast %add3A_373 : i32 to index
      %swap3A_375 = arith.constant 32 : index
      %swap3A_376 = tpu.vector_load %arg10[%swap3A_374, %swap3A_375] {strides = array<i32>} : memref<192x128xf32, #tpu.memory_space<vmem>>, vector<1x16xf32>,
      %swap3A_377 = vector.shape_cast %swap3A_376 : vector<1x16xf32> to vector<16xf32>
      %swap3A_378 = vector.shape_cast %add3A_371 : vector<16xf32> to vector<1x16xf32>
      tpu.vector_store %arg10[%swap3A_374, %swap3A_375], %swap3A_378 {strides = array<i32>} : memref<192x128xf32, #tpu.memory_space<vmem>>, vector<1x16xf32>,
      %get3A_379 = arith.index_cast %scan3A_304 : i32 to index
      %get3A_380 = arith.constant 48 : index
      %get3A_381 = tpu.vector_load %arg10[%get3A_379, %get3A_380] {strides = array<i32>} : memref<192x128xf32, #tpu.memory_space<vmem>>, vector<1x16xf32>,
      %get3A_382 = vector.shape_cast %get3A_381 : vector<1x16xf32> to vector<16xf32>
      %add3A_383 = arith.constant 104 : i32
      %add3A_384 = arith.addi %add3A_383, %scan3A_304 : i32
      %get3A_385 = arith.index_cast %add3A_384 : i32 to index
      %get3A_386 = arith.constant 48 : index
      %get3A_387 = tpu.vector_load %arg15[%get3A_385, %get3A_386] {strides = array<i32>} : memref<200x128xf32, #tpu.memory_space<vmem>>, vector<1x16xf32>,
      %get3A_388 = vector.shape_cast %get3A_387 : vector<1x16xf32> to vector<16xf32>
      %add3A_389 = arith.addf %get3A_382, %get3A_388 : vector<16xf32>
      %add3A_390 = arith.addf %add3A_389, %get3A_68 : vector<16xf32>
      %swap3A_391 = arith.index_cast %scan3A_304 : i32 to index
      %swap3A_392 = arith.constant 48 : index
      %swap3A_393 = tpu.vector_load %arg10[%swap3A_391, %swap3A_392] {strides = array<i32>} : memref<192x128xf32, #tpu.memory_space<vmem>>, vector<1x16xf32>,
      %swap3A_394 = vector.shape_cast %swap3A_393 : vector<1x16xf32> to vector<16xf32>
      %swap3A_395 = vector.shape_cast %add3A_390 : vector<16xf32> to vector<1x16xf32>
      tpu.vector_store %arg10[%swap3A_391, %swap3A_392], %swap3A_395 {strides = array<i32>} : memref<192x128xf32, #tpu.memory_space<vmem>>, vector<1x16xf32>,
      %add3A_396 = arith.addf %add3A_390, %sub3A_111 : vector<16xf32>
      %add3A_397 = arith.constant 96 : i32
      %add3A_398 = arith.addi %add3A_397, %scan3A_304 : i32
      %swap3A_399 = arith.index_cast %add3A_398 : i32 to index
      %swap3A_400 = arith.constant 48 : index
      %swap3A_401 = tpu.vector_load %arg10[%swap3A_399, %swap3A_400] {strides = array<i32>} : memref<192x128xf32, #tpu.memory_space<vmem>>, vector<1x16xf32>,
      %swap3A_402 = vector.shape_cast %swap3A_401 : vector<1x16xf32> to vector<16xf32>
      %swap3A_403 = vector.shape_cast %add3A_396 : vector<16xf32> to vector<1x16xf32>
      tpu.vector_store %arg10[%swap3A_399, %swap3A_400], %swap3A_403 {strides = array<i32>} : memref<192x128xf32, #tpu.memory_space<vmem>>, vector<1x16xf32>,
      %get3A_404 = arith.index_cast %scan3A_304 : i32 to index
      %get3A_405 = arith.constant 64 : index
      %get3A_406 = tpu.vector_load %arg10[%get3A_404, %get3A_405] {strides = array<i32>} : memref<192x128xf32, #tpu.memory_space<vmem>>, vector<1x16xf32>,
      %get3A_407 = vector.shape_cast %get3A_406 : vector<1x16xf32> to vector<16xf32>
      %add3A_408 = arith.constant 104 : i32
      %add3A_409 = arith.addi %add3A_408, %scan3A_304 : i32
      %get3A_410 = arith.index_cast %add3A_409 : i32 to index
      %get3A_411 = arith.constant 64 : index
      %get3A_412 = tpu.vector_load %arg15[%get3A_410, %get3A_411] {strides = array<i32>} : memref<200x128xf32, #tpu.memory_space<vmem>>, vector<1x16xf32>,
      %get3A_413 = vector.shape_cast %get3A_412 : vector<1x16xf32> to vector<16xf32>
      %add3A_414 = arith.addf %get3A_407, %get3A_413 : vector<16xf32>
      %add3A_415 = arith.addf %add3A_414, %get3A_73 : vector<16xf32>
      %swap3A_416 = arith.index_cast %scan3A_304 : i32 to index
      %swap3A_417 = arith.constant 64 : index
      %swap3A_418 = tpu.vector_load %arg10[%swap3A_416, %swap3A_417] {strides = array<i32>} : memref<192x128xf32, #tpu.memory_space<vmem>>, vector<1x16xf32>,
      %swap3A_419 = vector.shape_cast %swap3A_418 : vector<1x16xf32> to vector<16xf32>
      %swap3A_420 = vector.shape_cast %add3A_415 : vector<16xf32> to vector<1x16xf32>
      tpu.vector_store %arg10[%swap3A_416, %swap3A_417], %swap3A_420 {strides = array<i32>} : memref<192x128xf32, #tpu.memory_space<vmem>>, vector<1x16xf32>,
      %add3A_421 = arith.addf %add3A_415, %sub3A_117 : vector<16xf32>
      %add3A_422 = arith.constant 96 : i32
      %add3A_423 = arith.addi %add3A_422, %scan3A_304 : i32
      %swap3A_424 = arith.index_cast %add3A_423 : i32 to index
      %swap3A_425 = arith.constant 64 : index
      %swap3A_426 = tpu.vector_load %arg10[%swap3A_424, %swap3A_425] {strides = array<i32>} : memref<192x128xf32, #tpu.memory_space<vmem>>, vector<1x16xf32>,
      %swap3A_427 = vector.shape_cast %swap3A_426 : vector<1x16xf32> to vector<16xf32>
      %swap3A_428 = vector.shape_cast %add3A_421 : vector<16xf32> to vector<1x16xf32>
      tpu.vector_store %arg10[%swap3A_424, %swap3A_425], %swap3A_428 {strides = array<i32>} : memref<192x128xf32, #tpu.memory_space<vmem>>, vector<1x16xf32>,
      %get3A_429 = arith.index_cast %scan3A_304 : i32 to index
      %get3A_430 = arith.constant 80 : index
      %get3A_431 = tpu.vector_load %arg10[%get3A_429, %get3A_430] {strides = array<i32>} : memref<192x128xf32, #tpu.memory_space<vmem>>, vector<1x16xf32>,
      %get3A_432 = vector.shape_cast %get3A_431 : vector<1x16xf32> to vector<16xf32>
      %add3A_433 = arith.constant 104 : i32
      %add3A_434 = arith.addi %add3A_433, %scan3A_304 : i32
      %get3A_435 = arith.index_cast %add3A_434 : i32 to index
      %get3A_436 = arith.constant 80 : index
      %get3A_437 = tpu.vector_load %arg15[%get3A_435, %get3A_436] {strides = array<i32>} : memref<200x128xf32, #tpu.memory_space<vmem>>, vector<1x16xf32>,
      %get3A_438 = vector.shape_cast %get3A_437 : vector<1x16xf32> to vector<16xf32>
      %add3A_439 = arith.addf %get3A_432, %get3A_438 : vector<16xf32>
      %add3A_440 = arith.addf %add3A_439, %get3A_78 : vector<16xf32>
      %swap3A_441 = arith.index_cast %scan3A_304 : i32 to index
      %swap3A_442 = arith.constant 80 : index
      %swap3A_443 = tpu.vector_load %arg10[%swap3A_441, %swap3A_442] {strides = array<i32>} : memref<192x128xf32, #tpu.memory_space<vmem>>, vector<1x16xf32>,
      %swap3A_444 = vector.shape_cast %swap3A_443 : vector<1x16xf32> to vector<16xf32>
      %swap3A_445 = vector.shape_cast %add3A_440 : vector<16xf32> to vector<1x16xf32>
      tpu.vector_store %arg10[%swap3A_441, %swap3A_442], %swap3A_445 {strides = array<i32>} : memref<192x128xf32, #tpu.memory_space<vmem>>, vector<1x16xf32>,
      %add3A_446 = arith.addf %add3A_440, %sub3A_123 : vector<16xf32>
      %add3A_447 = arith.constant 96 : i32
      %add3A_448 = arith.addi %add3A_447, %scan3A_304 : i32
      %swap3A_449 = arith.index_cast %add3A_448 : i32 to index
      %swap3A_450 = arith.constant 80 : index
      %swap3A_451 = tpu.vector_load %arg10[%swap3A_449, %swap3A_450] {strides = array<i32>} : memref<192x128xf32, #tpu.memory_space<vmem>>, vector<1x16xf32>,
      %swap3A_452 = vector.shape_cast %swap3A_451 : vector<1x16xf32> to vector<16xf32>
      %swap3A_453 = vector.shape_cast %add3A_446 : vector<16xf32> to vector<1x16xf32>
      tpu.vector_store %arg10[%swap3A_449, %swap3A_450], %swap3A_453 {strides = array<i32>} : memref<192x128xf32, #tpu.memory_space<vmem>>, vector<1x16xf32>,
      %get3A_454 = arith.index_cast %scan3A_304 : i32 to index
      %get3A_455 = arith.constant 96 : index
      %get3A_456 = tpu.vector_load %arg10[%get3A_454, %get3A_455] {strides = array<i32>} : memref<192x128xf32, #tpu.memory_space<vmem>>, vector<1x16xf32>,
      %get3A_457 = vector.shape_cast %get3A_456 : vector<1x16xf32> to vector<16xf32>
      %add3A_458 = arith.constant 104 : i32
      %add3A_459 = arith.addi %add3A_458, %scan3A_304 : i32
      %get3A_460 = arith.index_cast %add3A_459 : i32 to index
      %get3A_461 = arith.constant 96 : index
      %get3A_462 = tpu.vector_load %arg15[%get3A_460, %get3A_461] {strides = array<i32>} : memref<200x128xf32, #tpu.memory_space<vmem>>, vector<1x16xf32>,
      %get3A_463 = vector.shape_cast %get3A_462 : vector<1x16xf32> to vector<16xf32>
      %add3A_464 = arith.addf %get3A_457, %get3A_463 : vector<16xf32>
      %add3A_465 = arith.addf %add3A_464, %get3A_83 : vector<16xf32>
      %swap3A_466 = arith.index_cast %scan3A_304 : i32 to index
      %swap3A_467 = arith.constant 96 : index
      %swap3A_468 = tpu.vector_load %arg10[%swap3A_466, %swap3A_467] {strides = array<i32>} : memref<192x128xf32, #tpu.memory_space<vmem>>, vector<1x16xf32>,
      %swap3A_469 = vector.shape_cast %swap3A_468 : vector<1x16xf32> to vector<16xf32>
      %swap3A_470 = vector.shape_cast %add3A_465 : vector<16xf32> to vector<1x16xf32>
      tpu.vector_store %arg10[%swap3A_466, %swap3A_467], %swap3A_470 {strides = array<i32>} : memref<192x128xf32, #tpu.memory_space<vmem>>, vector<1x16xf32>,
      %add3A_471 = arith.addf %add3A_465, %sub3A_129 : vector<16xf32>
      %add3A_472 = arith.constant 96 : i32
      %add3A_473 = arith.addi %add3A_472, %scan3A_304 : i32
      %swap3A_474 = arith.index_cast %add3A_473 : i32 to index
      %swap3A_475 = arith.constant 96 : index
      %swap3A_476 = tpu.vector_load %arg10[%swap3A_474, %swap3A_475] {strides = array<i32>} : memref<192x128xf32, #tpu.memory_space<vmem>>, vector<1x16xf32>,
      %swap3A_477 = vector.shape_cast %swap3A_476 : vector<1x16xf32> to vector<16xf32>
      %swap3A_478 = vector.shape_cast %add3A_471 : vector<16xf32> to vector<1x16xf32>
      tpu.vector_store %arg10[%swap3A_474, %swap3A_475], %swap3A_478 {strides = array<i32>} : memref<192x128xf32, #tpu.memory_space<vmem>>, vector<1x16xf32>,
      %get3A_479 = arith.index_cast %scan3A_304 : i32 to index
      %get3A_480 = arith.constant 112 : index
      %get3A_481 = tpu.vector_load %arg10[%get3A_479, %get3A_480] {strides = array<i32>} : memref<192x128xf32, #tpu.memory_space<vmem>>, vector<1x16xf32>,
      %get3A_482 = vector.shape_cast %get3A_481 : vector<1x16xf32> to vector<16xf32>
      %add3A_483 = arith.constant 104 : i32
      %add3A_484 = arith.addi %add3A_483, %scan3A_304 : i32
      %get3A_485 = arith.index_cast %add3A_484 : i32 to index
      %get3A_486 = arith.constant 112 : index
      %get3A_487 = tpu.vector_load %arg15[%get3A_485, %get3A_486] {strides = array<i32>} : memref<200x128xf32, #tpu.memory_space<vmem>>, vector<1x16xf32>,
      %get3A_488 = vector.shape_cast %get3A_487 : vector<1x16xf32> to vector<16xf32>
      %add3A_489 = arith.addf %get3A_482, %get3A_488 : vector<16xf32>
      %add3A_490 = arith.addf %add3A_489, %get3A_88 : vector<16xf32>
      %swap3A_491 = arith.index_cast %scan3A_304 : i32 to index
      %swap3A_492 = arith.constant 112 : index
      %swap3A_493 = tpu.vector_load %arg10[%swap3A_491, %swap3A_492] {strides = array<i32>} : memref<192x128xf32, #tpu.memory_space<vmem>>, vector<1x16xf32>,
      %swap3A_494 = vector.shape_cast %swap3A_493 : vector<1x16xf32> to vector<16xf32>
      %swap3A_495 = vector.shape_cast %add3A_490 : vector<16xf32> to vector<1x16xf32>
      tpu.vector_store %arg10[%swap3A_491, %swap3A_492], %swap3A_495 {strides = array<i32>} : memref<192x128xf32, #tpu.memory_space<vmem>>, vector<1x16xf32>,
      %add3A_496 = arith.addf %add3A_490, %sub3A_135 : vector<16xf32>
      %add3A_497 = arith.constant 96 : i32
      %add3A_498 = arith.addi %add3A_497, %scan3A_304 : i32
      %swap3A_499 = arith.index_cast %add3A_498 : i32 to index
      %swap3A_500 = arith.constant 112 : index
      %swap3A_501 = tpu.vector_load %arg10[%swap3A_499, %swap3A_500] {strides = array<i32>} : memref<192x128xf32, #tpu.memory_space<vmem>>, vector<1x16xf32>,
      %swap3A_502 = vector.shape_cast %swap3A_501 : vector<1x16xf32> to vector<16xf32>
      %swap3A_503 = vector.shape_cast %add3A_496 : vector<16xf32> to vector<1x16xf32>
      tpu.vector_store %arg10[%swap3A_499, %swap3A_500], %swap3A_503 {strides = array<i32>} : memref<192x128xf32, #tpu.memory_space<vmem>>, vector<1x16xf32>,
    }
    %scan3A_162 = arith.constant 96 : i32
    %add3A_163 = arith.constant 992 : i32
    %add3A_164 = arith.addi %add3A_163, %add3A : i32
    %mul3A_165 = arith.constant 400 : i32
    %mul3A_166 = arith.muli %add3A_164, %mul3A_165 : i32
    %add3A_167 = arith.constant 104 : i32
    %add3A_168 = arith.addi %mul3A_166, %add3A_167 : i32
    %multiple_of3A = tpu.assume_multiple %add3A_168, 8 : i32
    %dma_start3A_169 = arith.constant 0 : i32
    %dma_start3A_170 = arith.constant 0 : i32
    %dma_start3A_171 = tpu.memref_slice %arg10[%dma_start3A_169, %dma_start3A_170] : memref<192x128xf32, #tpu.memory_space<vmem>> -> memref<96x128xf32, #tpu.memory_space<vmem>>
    %dma_start3A_172 = arith.constant 0 : i32
    %dma_start3A_173 = tpu.memref_slice %arg6[%multiple_of3A, %dma_start3A_172] : memref<409600x128xf32, #tpu.memory_space<hbm>> -> memref<96x128xf32, #tpu.memory_space<hbm>>
    %dma_start3A_174 = arith.constant 0 : i32
    %dma_start3A_175 = tpu.memref_slice %arg6[%multiple_of3A, %dma_start3A_174] : memref<409600x128xf32, #tpu.memory_space<hbm>> -> memref<96x128xf32, #tpu.memory_space<hbm>>
    %dma_start3A_176 = arith.constant 0 : i32
    %dma_start3A_177 = arith.constant 0 : i32
    %dma_start3A_178 = tpu.memref_slice %arg10[%dma_start3A_176, %dma_start3A_177] : memref<192x128xf32, #tpu.memory_space<vmem>> -> memref<96x128xf32, #tpu.memory_space<vmem>>
    tpu.enqueue_dma source(%dma_start3A_178 : memref<96x128xf32, #tpu.memory_space<vmem>>) target(%dma_start3A_175 : memref<96x128xf32, #tpu.memory_space<hbm>>) target_semaphore(%arg24 : memref<!tpu.dma_semaphore, #tpu.memory_space<semaphore_mem>>)
    %add3A_179 = arith.constant 200 : i32
    %add3A_180 = arith.addi %add3A_168, %add3A_179 : i32
    %multiple_of3A_181 = tpu.assume_multiple %add3A_180, 8 : i32
    %dma_start3A_182 = arith.constant 96 : i32
    %dma_start3A_183 = arith.constant 0 : i32
    %dma_start3A_184 = tpu.memref_slice %arg10[%dma_start3A_182, %dma_start3A_183] : memref<192x128xf32, #tpu.memory_space<vmem>> -> memref<96x128xf32, #tpu.memory_space<vmem>>
    %dma_start3A_185 = arith.constant 0 : i32
    %dma_start3A_186 = tpu.memref_slice %arg6[%multiple_of3A_181, %dma_start3A_185] : memref<409600x128xf32, #tpu.memory_space<hbm>> -> memref<96x128xf32, #tpu.memory_space<hbm>>
    %dma_start3A_187 = arith.constant 0 : i32
    %dma_start3A_188 = tpu.memref_slice %arg6[%multiple_of3A_181, %dma_start3A_187] : memref<409600x128xf32, #tpu.memory_space<hbm>> -> memref<96x128xf32, #tpu.memory_space<hbm>>
    %dma_start3A_189 = arith.constant 96 : i32
    %dma_start3A_190 = arith.constant 0 : i32
    %dma_start3A_191 = tpu.memref_slice %arg10[%dma_start3A_189, %dma_start3A_190] : memref<192x128xf32, #tpu.memory_space<vmem>> -> memref<96x128xf32, #tpu.memory_space<vmem>>
    tpu.enqueue_dma source(%dma_start3A_191 : memref<96x128xf32, #tpu.memory_space<vmem>>) target(%dma_start3A_188 : memref<96x128xf32, #tpu.memory_space<hbm>>) target_semaphore(%arg24 : memref<!tpu.dma_semaphore, #tpu.memory_space<semaphore_mem>>)
    %dma_wait3A_192 = arith.constant 0 : i32
    %dma_wait3A_193 = arith.constant 0 : i32
    %dma_wait3A_194 = tpu.memref_slice %arg7[%dma_wait3A_192, %dma_wait3A_193] : memref<208x128xf32, #tpu.memory_space<vmem>> -> memref<104x128xf32, #tpu.memory_space<vmem>>
    %dma_wait3A_195 = arith.constant 0 : i32
    %dma_wait3A_196 = arith.constant 0 : i32
    %dma_wait3A_197 = tpu.memref_slice %arg6[%dma_wait3A_195, %dma_wait3A_196] : memref<409600x128xf32, #tpu.memory_space<hbm>> -> memref<104x128xf32, #tpu.memory_space<hbm>>
    %dma_wait3A_198 = arith.constant 0 : i32
    %dma_wait3A_199 = arith.constant 0 : i32
    %dma_wait3A_200 = tpu.memref_slice %arg6[%dma_wait3A_198, %dma_wait3A_199] : memref<409600x128xf32, #tpu.memory_space<hbm>> -> memref<104x128xf32, #tpu.memory_space<hbm>>
    %dma_wait3A_201 = arith.constant 0 : i32
    %dma_wait3A_202 = arith.constant 0 : i32
    %dma_wait3A_203 = tpu.memref_slice %arg7[%dma_wait3A_201, %dma_wait3A_202] : memref<208x128xf32, #tpu.memory_space<vmem>> -> memref<104x128xf32, #tpu.memory_space<vmem>>
    tpu.wait_dma2 semaphore(%arg21 : memref<!tpu.dma_semaphore, #tpu.memory_space<semaphore_mem>>) src(%dma_wait3A_203 : memref<104x128xf32, #tpu.memory_space<vmem>>) dst(%dma_wait3A_200 : memref<104x128xf32, #tpu.memory_space<hbm>>)
    %dma_wait3A_204 = arith.constant 104 : i32
    %dma_wait3A_205 = arith.constant 0 : i32
    %dma_wait3A_206 = tpu.memref_slice %arg7[%dma_wait3A_204, %dma_wait3A_205] : memref<208x128xf32, #tpu.memory_space<vmem>> -> memref<104x128xf32, #tpu.memory_space<vmem>>
    %dma_wait3A_207 = arith.constant 0 : i32
    %dma_wait3A_208 = arith.constant 0 : i32
    %dma_wait3A_209 = tpu.memref_slice %arg6[%dma_wait3A_207, %dma_wait3A_208] : memref<409600x128xf32, #tpu.memory_space<hbm>> -> memref<104x128xf32, #tpu.memory_space<hbm>>
    %dma_wait3A_210 = arith.constant 0 : i32
    %dma_wait3A_211 = arith.constant 0 : i32
    %dma_wait3A_212 = tpu.memref_slice %arg6[%dma_wait3A_210, %dma_wait3A_211] : memref<409600x128xf32, #tpu.memory_space<hbm>> -> memref<104x128xf32, #tpu.memory_space<hbm>>
    %dma_wait3A_213 = arith.constant 104 : i32
    %dma_wait3A_214 = arith.constant 0 : i32
    %dma_wait3A_215 = tpu.memref_slice %arg7[%dma_wait3A_213, %dma_wait3A_214] : memref<208x128xf32, #tpu.memory_space<vmem>> -> memref<104x128xf32, #tpu.memory_space<vmem>>
    tpu.wait_dma2 semaphore(%arg21 : memref<!tpu.dma_semaphore, #tpu.memory_space<semaphore_mem>>) src(%dma_wait3A_215 : memref<104x128xf32, #tpu.memory_space<vmem>>) dst(%dma_wait3A_212 : memref<104x128xf32, #tpu.memory_space<hbm>>)
    %dma_wait3A_216 = arith.constant 0 : i32
    %dma_wait3A_217 = tpu.memref_slice %arg2[%dma_wait3A_216] : memref<204800xi32, #tpu.memory_space<hbm>> -> memref<104xi32, #tpu.memory_space<hbm>>
    %dma_wait3A_218 = arith.constant 0 : i32
    %dma_wait3A_219 = tpu.memref_slice %arg2[%dma_wait3A_218] : memref<204800xi32, #tpu.memory_space<hbm>> -> memref<104xi32, #tpu.memory_space<hbm>>
    tpu.wait_dma2 semaphore(%arg25 : memref<!tpu.dma_semaphore, #tpu.memory_space<semaphore_mem>>) src(%dma_wait3A_219 : memref<104xi32, #tpu.memory_space<hbm>>) dst(%arg11 : memref<104xi32, #tpu.memory_space<vmem>>)
    %dma_wait3A_220 = arith.constant 0 : i32
    %dma_wait3A_221 = arith.constant 0 : i32
    %dma_wait3A_222 = tpu.memref_slice %arg8[%dma_wait3A_220, %dma_wait3A_221] : memref<192x128xf32, #tpu.memory_space<vmem>> -> memref<96x128xf32, #tpu.memory_space<vmem>>
    %dma_wait3A_223 = arith.constant 0 : i32
    %dma_wait3A_224 = arith.constant 0 : i32
    %dma_wait3A_225 = tpu.memref_slice %arg6[%dma_wait3A_223, %dma_wait3A_224] : memref<409600x128xf32, #tpu.memory_space<hbm>> -> memref<96x128xf32, #tpu.memory_space<hbm>>
    %dma_wait3A_226 = arith.constant 0 : i32
    %dma_wait3A_227 = arith.constant 0 : i32
    %dma_wait3A_228 = tpu.memref_slice %arg6[%dma_wait3A_226, %dma_wait3A_227] : memref<409600x128xf32, #tpu.memory_space<hbm>> -> memref<96x128xf32, #tpu.memory_space<hbm>>
    %dma_wait3A_229 = arith.constant 0 : i32
    %dma_wait3A_230 = arith.constant 0 : i32
    %dma_wait3A_231 = tpu.memref_slice %arg8[%dma_wait3A_229, %dma_wait3A_230] : memref<192x128xf32, #tpu.memory_space<vmem>> -> memref<96x128xf32, #tpu.memory_space<vmem>>
    tpu.wait_dma2 semaphore(%arg22 : memref<!tpu.dma_semaphore, #tpu.memory_space<semaphore_mem>>) src(%dma_wait3A_231 : memref<96x128xf32, #tpu.memory_space<vmem>>) dst(%dma_wait3A_228 : memref<96x128xf32, #tpu.memory_space<hbm>>)
    %dma_wait3A_232 = arith.constant 96 : i32
    %dma_wait3A_233 = arith.constant 0 : i32
    %dma_wait3A_234 = tpu.memref_slice %arg8[%dma_wait3A_232, %dma_wait3A_233] : memref<192x128xf32, #tpu.memory_space<vmem>> -> memref<96x128xf32, #tpu.memory_space<vmem>>
    %dma_wait3A_235 = arith.constant 0 : i32
    %dma_wait3A_236 = arith.constant 0 : i32
    %dma_wait3A_237 = tpu.memref_slice %arg6[%dma_wait3A_235, %dma_wait3A_236] : memref<409600x128xf32, #tpu.memory_space<hbm>> -> memref<96x128xf32, #tpu.memory_space<hbm>>
    %dma_wait3A_238 = arith.constant 0 : i32
    %dma_wait3A_239 = arith.constant 0 : i32
    %dma_wait3A_240 = tpu.memref_slice %arg6[%dma_wait3A_238, %dma_wait3A_239] : memref<409600x128xf32, #tpu.memory_space<hbm>> -> memref<96x128xf32, #tpu.memory_space<hbm>>
    %dma_wait3A_241 = arith.constant 96 : i32
    %dma_wait3A_242 = arith.constant 0 : i32
    %dma_wait3A_243 = tpu.memref_slice %arg8[%dma_wait3A_241, %dma_wait3A_242] : memref<192x128xf32, #tpu.memory_space<vmem>> -> memref<96x128xf32, #tpu.memory_space<vmem>>
    tpu.wait_dma2 semaphore(%arg22 : memref<!tpu.dma_semaphore, #tpu.memory_space<semaphore_mem>>) src(%dma_wait3A_243 : memref<96x128xf32, #tpu.memory_space<vmem>>) dst(%dma_wait3A_240 : memref<96x128xf32, #tpu.memory_space<hbm>>)
    %dma_wait3A_244 = arith.constant 0 : i32
    %dma_wait3A_245 = tpu.memref_slice %arg2[%dma_wait3A_244] : memref<204800xi32, #tpu.memory_space<hbm>> -> memref<96xi32, #tpu.memory_space<hbm>>
    %dma_wait3A_246 = arith.constant 0 : i32
    %dma_wait3A_247 = tpu.memref_slice %arg2[%dma_wait3A_246] : memref<204800xi32, #tpu.memory_space<hbm>> -> memref<96xi32, #tpu.memory_space<hbm>>
    tpu.wait_dma2 semaphore(%arg26 : memref<!tpu.dma_semaphore, #tpu.memory_space<semaphore_mem>>) src(%dma_wait3A_247 : memref<96xi32, #tpu.memory_space<hbm>>) dst(%arg12 : memref<96xi32, #tpu.memory_space<vmem>>)
    %dma_wait3A_248 = arith.constant 0 : i32
    %dma_wait3A_249 = arith.constant 0 : i32
    %dma_wait3A_250 = tpu.memref_slice %arg9[%dma_wait3A_248, %dma_wait3A_249] : memref<208x128xf32, #tpu.memory_space<vmem>> -> memref<104x128xf32, #tpu.memory_space<vmem>>
    %dma_wait3A_251 = arith.constant 0 : i32
    %dma_wait3A_252 = arith.constant 0 : i32
    %dma_wait3A_253 = tpu.memref_slice %arg6[%dma_wait3A_251, %dma_wait3A_252] : memref<409600x128xf32, #tpu.memory_space<hbm>> -> memref<104x128xf32, #tpu.memory_space<hbm>>
    %dma_wait3A_254 = arith.constant 0 : i32
    %dma_wait3A_255 = arith.constant 0 : i32
    %dma_wait3A_256 = tpu.memref_slice %arg6[%dma_wait3A_254, %dma_wait3A_255] : memref<409600x128xf32, #tpu.memory_space<hbm>> -> memref<104x128xf32, #tpu.memory_space<hbm>>
    %dma_wait3A_257 = arith.constant 0 : i32
    %dma_wait3A_258 = arith.constant 0 : i32
    %dma_wait3A_259 = tpu.memref_slice %arg9[%dma_wait3A_257, %dma_wait3A_258] : memref<208x128xf32, #tpu.memory_space<vmem>> -> memref<104x128xf32, #tpu.memory_space<vmem>>
    tpu.wait_dma2 semaphore(%arg23 : memref<!tpu.dma_semaphore, #tpu.memory_space<semaphore_mem>>) src(%dma_wait3A_259 : memref<104x128xf32, #tpu.memory_space<vmem>>) dst(%dma_wait3A_256 : memref<104x128xf32, #tpu.memory_space<hbm>>)
    %dma_wait3A_260 = arith.constant 104 : i32
    %dma_wait3A_261 = arith.constant 0 : i32
    %dma_wait3A_262 = tpu.memref_slice %arg9[%dma_wait3A_260, %dma_wait3A_261] : memref<208x128xf32, #tpu.memory_space<vmem>> -> memref<104x128xf32, #tpu.memory_space<vmem>>
    %dma_wait3A_263 = arith.constant 0 : i32
    %dma_wait3A_264 = arith.constant 0 : i32
    %dma_wait3A_265 = tpu.memref_slice %arg6[%dma_wait3A_263, %dma_wait3A_264] : memref<409600x128xf32, #tpu.memory_space<hbm>> -> memref<104x128xf32, #tpu.memory_space<hbm>>
    %dma_wait3A_266 = arith.constant 0 : i32
    %dma_wait3A_267 = arith.constant 0 : i32
    %dma_wait3A_268 = tpu.memref_slice %arg6[%dma_wait3A_266, %dma_wait3A_267] : memref<409600x128xf32, #tpu.memory_space<hbm>> -> memref<104x128xf32, #tpu.memory_space<hbm>>
    %dma_wait3A_269 = arith.constant 104 : i32
    %dma_wait3A_270 = arith.constant 0 : i32
    %dma_wait3A_271 = tpu.memref_slice %arg9[%dma_wait3A_269, %dma_wait3A_270] : memref<208x128xf32, #tpu.memory_space<vmem>> -> memref<104x128xf32, #tpu.memory_space<vmem>>
    tpu.wait_dma2 semaphore(%arg23 : memref<!tpu.dma_semaphore, #tpu.memory_space<semaphore_mem>>) src(%dma_wait3A_271 : memref<104x128xf32, #tpu.memory_space<vmem>>) dst(%dma_wait3A_268 : memref<104x128xf32, #tpu.memory_space<hbm>>)
    %dma_wait3A_272 = arith.constant 0 : i32
    %dma_wait3A_273 = tpu.memref_slice %arg2[%dma_wait3A_272] : memref<204800xi32, #tpu.memory_space<hbm>> -> memref<104xi32, #tpu.memory_space<hbm>>
    %dma_wait3A_274 = arith.constant 0 : i32
    %dma_wait3A_275 = tpu.memref_slice %arg2[%dma_wait3A_274] : memref<204800xi32, #tpu.memory_space<hbm>> -> memref<104xi32, #tpu.memory_space<hbm>>
    tpu.wait_dma2 semaphore(%arg27 : memref<!tpu.dma_semaphore, #tpu.memory_space<semaphore_mem>>) src(%dma_wait3A_275 : memref<104xi32, #tpu.memory_space<hbm>>) dst(%arg13 : memref<104xi32, #tpu.memory_space<vmem>>)
    %dma_wait3A_276 = arith.constant 0 : i32
    %dma_wait3A_277 = arith.constant 0 : i32
    %dma_wait3A_278 = tpu.memref_slice %arg10[%dma_wait3A_276, %dma_wait3A_277] : memref<192x128xf32, #tpu.memory_space<vmem>> -> memref<96x128xf32, #tpu.memory_space<vmem>>
    %dma_wait3A_279 = arith.constant 0 : i32
    %dma_wait3A_280 = arith.constant 0 : i32
    %dma_wait3A_281 = tpu.memref_slice %arg6[%dma_wait3A_279, %dma_wait3A_280] : memref<409600x128xf32, #tpu.memory_space<hbm>> -> memref<96x128xf32, #tpu.memory_space<hbm>>
    %dma_wait3A_282 = arith.constant 0 : i32
    %dma_wait3A_283 = arith.constant 0 : i32
    %dma_wait3A_284 = tpu.memref_slice %arg6[%dma_wait3A_282, %dma_wait3A_283] : memref<409600x128xf32, #tpu.memory_space<hbm>> -> memref<96x128xf32, #tpu.memory_space<hbm>>
    %dma_wait3A_285 = arith.constant 0 : i32
    %dma_wait3A_286 = arith.constant 0 : i32
    %dma_wait3A_287 = tpu.memref_slice %arg10[%dma_wait3A_285, %dma_wait3A_286] : memref<192x128xf32, #tpu.memory_space<vmem>> -> memref<96x128xf32, #tpu.memory_space<vmem>>
    tpu.wait_dma2 semaphore(%arg24 : memref<!tpu.dma_semaphore, #tpu.memory_space<semaphore_mem>>) src(%dma_wait3A_287 : memref<96x128xf32, #tpu.memory_space<vmem>>) dst(%dma_wait3A_284 : memref<96x128xf32, #tpu.memory_space<hbm>>)
    %dma_wait3A_288 = arith.constant 96 : i32
    %dma_wait3A_289 = arith.constant 0 : i32
    %dma_wait3A_290 = tpu.memref_slice %arg10[%dma_wait3A_288, %dma_wait3A_289] : memref<192x128xf32, #tpu.memory_space<vmem>> -> memref<96x128xf32, #tpu.memory_space<vmem>>
    %dma_wait3A_291 = arith.constant 0 : i32
    %dma_wait3A_292 = arith.constant 0 : i32
    %dma_wait3A_293 = tpu.memref_slice %arg6[%dma_wait3A_291, %dma_wait3A_292] : memref<409600x128xf32, #tpu.memory_space<hbm>> -> memref<96x128xf32, #tpu.memory_space<hbm>>
    %dma_wait3A_294 = arith.constant 0 : i32
    %dma_wait3A_295 = arith.constant 0 : i32
    %dma_wait3A_296 = tpu.memref_slice %arg6[%dma_wait3A_294, %dma_wait3A_295] : memref<409600x128xf32, #tpu.memory_space<hbm>> -> memref<96x128xf32, #tpu.memory_space<hbm>>
    %dma_wait3A_297 = arith.constant 96 : i32
    %dma_wait3A_298 = arith.constant 0 : i32
    %dma_wait3A_299 = tpu.memref_slice %arg10[%dma_wait3A_297, %dma_wait3A_298] : memref<192x128xf32, #tpu.memory_space<vmem>> -> memref<96x128xf32, #tpu.memory_space<vmem>>
    tpu.wait_dma2 semaphore(%arg24 : memref<!tpu.dma_semaphore, #tpu.memory_space<semaphore_mem>>) src(%dma_wait3A_299 : memref<96x128xf32, #tpu.memory_space<vmem>>) dst(%dma_wait3A_296 : memref<96x128xf32, #tpu.memory_space<hbm>>)
    %dma_wait3A_300 = arith.constant 0 : i32
    %dma_wait3A_301 = tpu.memref_slice %arg2[%dma_wait3A_300] : memref<204800xi32, #tpu.memory_space<hbm>> -> memref<96xi32, #tpu.memory_space<hbm>>
    %dma_wait3A_302 = arith.constant 0 : i32
    %dma_wait3A_303 = tpu.memref_slice %arg2[%dma_wait3A_302] : memref<204800xi32, #tpu.memory_space<hbm>> -> memref<96xi32, #tpu.memory_space<hbm>>
    tpu.wait_dma2 semaphore(%arg28 : memref<!tpu.dma_semaphore, #tpu.memory_space<semaphore_mem>>) src(%dma_wait3A_303 : memref<96xi32, #tpu.memory_space<hbm>>) dst(%arg14 : memref<96xi32, #tpu.memory_space<vmem>>)
    return
  }
}

</mosaic_0001>

<sc_bundles>
// kernel: kernel.3.cloned.1.call-start
scs
__scs_entry_jumppad:
0x0: {  	(pc) =	sbr.rel $0x88, $3  }
0x1: {  	(tag) =	ssettag $0x0;
	lr =	simm.s32 $0x1  }
0x2: {  	[smem:$0x3F9D] =	sst lr;
	_ =	strace $0xD0000000  }
0x3: {  	_ = 	snop  }
0x4: {  	_ = 	snop  }
0x5: {  	_ = 	snop  }
0x6: {  	_ = 	snop  }
0x7: {  	_ = 	snop  }
__scs_overlays_trampoline_lowered:
0x8: {  	[smem:$0x3FAC] =	sst s0  }
0x9: {  	[smem:$0x3FAD] =	sst s1  }
0xa: {  	[smem:$0x3FAE] =	sst s2  }
0xb: {  	[smem:$0x3FAF] =	sst s3  }
0xc: {  	[smem:$0x3FB0] =	sst s4  }
0xd: {  	[smem:$0x3FB1] =	sst s5  }
0xe: {  	[smem:$0x3FB2] =	sst s6  }
0xf: {  	[smem:$0x3FB3] =	sst s7  }
0x10: {  	[smem:$0x3FB4] =	sst s8  }
0x11: {  	[smem:$0x3FB5] =	sst s9;
	s0 =	simm.s32 @!p0 $0x0  }
0x12: {  	s1 =	sld [smem:$0x3F9B];
	s0 =	simm.s32 @p0 $0x1  }
0x13: {  	[smem:$0x3FB6] =	sst s0;
	s0 =	simm.s32 @!p1 $0x0  }
0x14: {  	s2 =	sld [smem:$0x3F9A];
	s0 =	simm.s32 @p1 $0x1  }
0x15: {  	[smem:$0x3FB7] =	sst s0;
	s0 =	simm.s32 @!p2 $0x0  }
0x16: {  	s3 =	sld [smem:$0x3FDB];
	s0 =	simm.s32 @p2 $0x1  }
0x17: {  	s4 =	simm.s32 $0x1BF5;
	[smem:$0x3FB9] =	sst s0  }
0x18: {  	s0 =	sld [smem:$0x3F9C];
	_ =	swait.ge [sflag:s4], $0x0  }
0x19: {  	s7 =	sld [smem:$0x3F9D]  }
0x1a: {  	s8 =	sadd.s32 $0xFFFFE003, lr  }
0x1b: {  	s9 =	sadd.s32 $0xFFFFFEF7, lr;
	s5 =	simm.s32 $0xFFFFFFFF;
	p2 =	slt.u32 s8, $0xFFFFF086  }
0x1c: {  	p1 =	slt.u32 s9, $0xF7A;
	s5 =	simm.s32 @!p2 $0x0  }
0x1d: {  	s5 =	simm.s32 @p1 $0x1;
	p0 =	seq.s32 s7, s2  }
0x1e: {  	s7 =	smul.u32 @!p0 $0xF7A, s2;
	p2 =	seq.s32 @!p0 s5, $0x0  }
0x1f: {  	s9 =	smul.u32 $0xF7A, s1;
	s8 =	simm.s32 @!p0 $0x1BF5;
	p2 =	por !p2, p0  }
0x20: {  	[sflag:s8] =	ssyncset.s32 @!p0 $0xFFFFF086;
	s6 =	sadd.s32 @!p0 s3, s7;
	s7 =	simm.s32 @!p0 $0x108  }
0x21: {  	s3 =	sadd.s32 s3, s9;
	s6 =	sadd.s32 @!p0 $0x88, s6;
	s7 =	simm.s32 @p2 $0x1082  }
0x22: {  	[simem:s7], [sflag:s8] =	dma.local @!p0 [hbm:s6], $0xF7A  }
0x23: {  	s9 =	sor.u32 $0xD0000000, s2;
	s6 =	simm.s32 $0x108;
	_ =	swait.ge @!p0 [sflag:s8], $0x0  }
0x24: {  	s3 =	sadd.s32 $0x88, s3;
	s6 =	simm.s32 @!p1 $0x1082;
	[sflag:s4] =	ssyncset.s32 $0xFFFFF086  }
0x25: {  	[simem:s6], [sflag:s4] =	dma.local [hbm:s3], $0xF7A  }
0x26: {  	[smem:$0x3F9D] =	sst s1;
	(tag) =	ssettag s2;
	_ =	strace s9  }
0x27: {  	s1 =	sld [smem:$0x3FAD]  }
0x28: {  	s2 =	sld [smem:$0x3FAE]  }
0x29: {  	s4 =	sld [smem:$0x3FB0]  }
0x2a: {  	p0 =	seq.s32 s5, $0x0;
	s5 =	sld [smem:$0x3FB1]  }
0x2b: {  	s6 =	sld [smem:$0x3FB2]  }
0x2c: {  	s7 =	sld [smem:$0x3FB3]  }
0x2d: {  	s3 =	simm.s32 $0x108;
	s8 =	sld [smem:$0x3FB4]  }
0x2e: {  	s3 =	simm.s32 @!p0 $0x1082;
	s9 =	sld [smem:$0x3FB5]  }
0x2f: {  	lr =	sadd.s32 s0, s3;
	s0 =	sld [smem:$0x3FAC]  }
0x30: {  	s3 =	sld [smem:$0x3FAF]  }
0x31: {  	[smem:$0x3FB8] =	sst s10  }
0x32: {  	s10 =	sld [smem:$0x3FB6];
	_ =	sdelay $0x3  }
0x33: {  	p0 =	seq.s32 s10, $0x1;
	s10 =	sld [smem:$0x3FB8];
	_ =	sdelay $0x3  }
0x34: {  	[smem:$0x3FB8] =	sst s10  }
0x35: {  	s10 =	sld [smem:$0x3FB7];
	_ =	sdelay $0x3  }
0x36: {  	p1 =	seq.s32 s10, $0x1;
	s10 =	sld [smem:$0x3FB8];
	_ =	sdelay $0x3  }
0x37: {  	[smem:$0x3FB8] =	sst s10  }
0x38: {  	s10 =	sld [smem:$0x3FB9]  }
0x39: {  	_ = 	snop;
	(pc) =	sbr.ind lr, $3  }
0x3a: {  	_ = 	snop  }
0x3b: {  	_ = 	snop  }
0x3c: {  	p2 =	seq.s32 s10, $0x1;
	s10 =	sld [smem:$0x3FB8]  }
0x3d: {  	_ =	shalt  }
0x3e: {  	_ =	shalt  }
0x3f: {  	_ =	shalt  }
0x40: {  	_ =	shalt  }
0x41: {  	_ =	shalt  }
0x42: {  	_ =	shalt  }
0x43: {  	_ =	shalt  }
0x44: {  	_ =	shalt  }
0x45: {  	_ =	shalt  }
0x46: {  	_ =	shalt  }
0x47: {  	_ =	shalt  }
0x48: {  	_ =	shalt  }
0x49: {  	_ =	shalt  }
0x4a: {  	_ =	shalt  }
0x4b: {  	_ =	shalt  }
0x4c: {  	_ =	shalt  }
0x4d: {  	_ =	shalt  }
0x4e: {  	_ =	shalt  }
0x4f: {  	_ =	shalt  }
0x50: {  	_ =	shalt  }
0x51: {  	_ =	shalt  }
0x52: {  	_ =	shalt  }
0x53: {  	_ =	shalt  }
0x54: {  	_ =	shalt  }
0x55: {  	_ =	shalt  }
0x56: {  	_ =	shalt  }
0x57: {  	_ =	shalt  }
0x58: {  	_ =	shalt  }
0x59: {  	_ =	shalt  }
0x5a: {  	_ =	shalt  }
0x5b: {  	_ =	shalt  }
0x5c: {  	_ =	shalt  }
0x5d: {  	_ =	shalt  }
0x5e: {  	_ =	shalt  }
0x5f: {  	_ =	shalt  }
0x60: {  	_ =	shalt  }
0x61: {  	_ =	shalt  }
0x62: {  	_ =	shalt  }
0x63: {  	_ =	shalt  }
0x64: {  	_ =	shalt  }
0x65: {  	_ =	shalt  }
0x66: {  	_ =	shalt  }
0x67: {  	_ =	shalt  }
0x68: {  	_ =	shalt  }
0x69: {  	_ =	shalt  }
0x6a: {  	_ =	shalt  }
0x6b: {  	_ =	shalt  }
0x6c: {  	_ =	shalt  }
0x6d: {  	_ =	shalt  }
0x6e: {  	_ =	shalt  }
0x6f: {  	_ =	shalt  }
0x70: {  	_ =	shalt  }
0x71: {  	_ =	shalt  }
0x72: {  	_ =	shalt  }
0x73: {  	_ =	shalt  }
0x74: {  	_ =	shalt  }
0x75: {  	_ =	shalt  }
0x76: {  	_ =	shalt  }
0x77: {  	_ =	shalt  }
0x78: {  	_ =	shalt  }
0x79: {  	_ =	shalt  }
0x7a: {  	_ =	shalt  }
0x7b: {  	_ =	shalt  }
0x7c: {  	_ =	shalt  }
0x7d: {  	_ =	shalt  }
0x7e: {  	_ =	shalt  }
0x7f: {  	_ =	shalt  }
0x80: {  	_ =	shalt  }
0x81: {  	_ =	shalt  }
0x82: {  	_ =	shalt  }
0x83: {  	_ =	shalt  }
0x84: {  	_ =	shalt  }
0x85: {  	_ =	shalt  }
0x86: {  	_ =	shalt  }
0x87: {  	_ =	shalt  }
.Lfunc_end0:
.L_simem_size_0:
called_computation_lowered:
.L_overlay_start_0:
0x88: {  	s2 =	sld [smem:$0x3FD9]  }
0x89: {  	s3 =	sld [smem:$0x3FFE];
	_ =	sdelay $0x1  }
0x8a: {  	s1 =	srdreg.scid  }
0x8b: {  	s0 =	sand.u32 $0x1, s1  }
0x8c: {  	s17 =	sshll.u32 s0, $0xA;
	s2 =	sadd.s32 s3, s2  }
0x8d: {  	s2 =	sadd.s32 s2, s17  }
0x8e: {  	[smem:$0x3FC4] =	sst s2  }
0x8f: {  	_ = 	snop  }
0x90: {  	s2 =	sld [smem:$0x3FC8]  }
0x91: {  	s18 =	sld [smem:$0x3FC7]  }
0x92: {  	s4 =	sld [smem:$0x3FC6]  }
0x93: {  	s5 =	sld [smem:$0x3FD0];
	(tm) =	ssettm $0x1  }
0x94: {  	s6 =	sld [smem:$0x3FFB];
	_ =	sdelay $0x3  }
0x95: {  	_ =	strace s6  }
0x96: {  	s6 =	sld [smem:$0x3FFC];
	_ =	sdelay $0x3  }
0x97: {  	_ =	strace s6  }
0x98: {  	s6 =	sld [smem:$0x3FFD];
	_ =	sdelay $0x3  }
0x99: {  	_ =	strace s6  }
0x9a: {  	_ =	strace $0x8FFFFFFF  }
0x9b: {  	s19 =	sld [smem:$0x3FDB];
	_ =	sdelay $0x1  }
0x9c: {  	s7 =	simm.s32 $_scs_section_size  }
0x9d: {  	s8 =	simm.s32 $_size__tile_overlayer_lowered;
	s9 =	simm.s32 $_tile_overlayer_lowered  }
0x9e: {  	s22 =	simm.s32 $0x1BFF;
	s21 =	sshll.u32 s9, $0x1;
	s6 =	sadd.s32 s7, s19  }
0x9f: {  	s10 =	simm.s32 $0x0;
	s20 =	sshll.u32 s8, $0x1;
	s8 =	sadd.s32 s21, s6  }
0xa0: {  	[timem:s10], [sflag:s22] =	dma.local [hbm:s8], s20  }
0xa1: {  	_ =	swait.ge [sflag:s22], s20  }
0xa2: {  	s7 =	ssub.s32 $0x0, s20;
	[sflag:s22] =	ssyncset.done $0x0  }
0xa3: {  	[sflag:s22] =	ssyncadd.s32 s7;
	_ =	sdelay $0x1  }
0xa4: {  	s23 =	simm.s32 $0x1B8B  }
0xa5: {  	_ =	swait.ge [sflag:s23], $0x1  }
0xa6: {  	[sflag:s23] =	ssyncset.done $0x0  }
0xa7: {  	s25 =	simm.s32 $0x1B8E;
	s24 =	sld [smem:$0x3FFE];
	[sflag:s23] =	ssyncadd.s32 $0xFFFFFFFF  }
0xa8: {  	s26 =	simm.s32 $execute0_lowered;
	[smem:$0x3FD2] =	sst s25  }
0xa9: {  	s8 =	sshll.u32 s26, $0x1;
	_ =	strace $0x80000046;
	[dreg:$0x1] =	wrdreg $0xFFFFFFFF  }
0xaa: {  	s28 =	simm.s32 $_size_execute0_lowered;
	s6 =	sadd.s32 s6, s8;
	[dreg:$0x0] =	wrdreg $0x0  }
0xab: {  	s8 =	sshll.u32 s28, $0x1;
	[dreg:$0x2] =	wrdreg s6  }
0xac: {  	[dreg:$0x3] =	wrdreg s8  }
0xad: {  	[dreg:$0x4] =	wrdreg $0xC0  }
0xae: {  	_ =	task [dreg:s10], $0x5FFFF  }
0xaf: {  	[dreg:$0x1] =	wrdreg $0xFFFFFFFF  }
0xb0: {  	[dreg:$0x0] =	wrdreg $0x60  }
0xb1: {  	[dreg:$0x2] =	wrdreg s24  }
0xb2: {  	[dreg:$0x3] =	wrdreg s2  }
0xb3: {  	[dreg:$0x4] =	wrdreg s18  }
0xb4: {  	[dreg:$0x5] =	wrdreg s4  }
0xb5: {  	[dreg:$0x6] =	wrdreg s5  }
0xb6: {  	[dreg:$0x7] =	wrdreg $0x9  }
0xb7: {  	_ =	task.clear_ibuf [dreg:s10], $0x8FFFF;
	_ =	strace $0x90000046  }
0xb8: {  	s29 =	simm.s32 $0x9;
	_ =	strace $0x80000048  }
0xb9: {  	_ =	swait.ge [sflag:s29], $0x1  }
0xba: {  	[sflag:s29] =	ssyncadd.s32 $0xFFFFFFFF  }
0xbb: {  	_ =	strace $0x90000048  }
0xbc: {  	_ =	sfence  }
0xbd: {  	s30 =	sld [smem:$0x0];
	_ =	sdelay $0x2  }
0xbe: {  	s31 =	sshll.u32 s1, $0xD;
	s1 =	sshrl.u32 s1, $0x2  }
0xbf: {  	s3 =	sand.u32 $0x4000, s31;
	s1 =	sadd.s32 s1, s30  }
0xc0: {  	s0 =	sor.u32 s3, s0;
	s1 =	sshll.u32 s1, $0x11  }
0xc1: {  	s0 =	sor.u32 s1, s0  }
0xc2: {  	s0 =	sadd.s32 $0x8F2B, s0  }
0xc3: {  	[sflag:s0] =	ssyncadd.remote.s32 $0x1  }
0xc4: {  	_ =	sfence.sel $0xFFFF  }
0xc5: {  	[dreg:$0x0] =	wrdreg $0xFFFFFFFF;
	(pc) =	sbr.abs _section_cstart, $3  }
0xc6: {  	[dreg:$0x1] =	wrdreg $0xFFFFFFFF  }
0xc7: {  	_ =	task.clear_ibuf [dreg:s10], $0x2FFFF;
	_ =	strace $0x9FFFFFFF  }
0xc8: {  	(tm) =	ssettm $0x7FFFFFFF  }
0xc9: {  	_ =	shalt  }
tec
execute0_lowered:
.L_overlay_start_1:
0x0: {  	(tag) =	ssettag $0x1  }
0x1: {  	s0 =	rddreg [dreg:$0x0]  }
0x2: {  	s1 =	rddreg [dreg:$0x1];
	s2 =	srdreg.scid  }
0x3: {  	s3 =	stileid.u32;
	s5 =	rddreg [dreg:$0x4];
	s6 =	simm.s32 $0x0  }
0x4: {  	s28 =	simm.s32 $0x9;
	s29 =	simm.s32 $0x68;
	s30 =	simm.s32 $0xA  }
0x5: {  	s31 =	simm.s32 $0x60;
	s11 =	simm.s32 $0xC;
	s15 =	simm.s32 $0x3  }
0x6: {  	s18 =	simm.s32 $0x4;
	s2 =	sand.u32 $0x1, s2;
	s3 =	sshll.u32 s3, $0x1  }
0x7: {  	[smem:$0x7FF] =	sst s6;
	s8 =	sadd.s32 $0x400, s0;
	s0 =	sadd.s32 $0x67F4, s0  }
0x8: {  	s7 =	sor.u32 s2, s3;
	_ =	strace $0x80000047;
	s2 =	ssub.s32 $0x2, s2  }
0x9: {  	[dreg:$0xc] =	wrdreg s0;
	s3 =	smul.u32 $0xC8, s7;
	s4 =	sshrl.u32 s2, $0x1  }
0xa: {  	s20 =	smul.u32 $0xC800, s7;
	s22 =	sor.u32 $0xFFFFFFE0, s7;
	s24 =	sor.u32 $0x40, s7  }
0xb: {  	s16 =	sor.u32 $0x60, s7;
	s2 =	ssub.s32 s2, s4;
	[dreg:$0xa] =	wrdreg s22  }
0xc: {  	[dreg:$0xb] =	wrdreg s24;
	s22 =	simm.s32 $0x19000;
	s24 =	simm.s32 $0x19100  }
0xd: {  	s9 =	sshrl.u32 s3, $0x3;
	s19 =	sadd.s32 $0x68, s3;
	s3 =	sadd.s32 $0x1968, s3  }
0xe: {  	s23 =	sshrl.u32 s20, $0x3;
	s26 =	smax.u32 s2, $0x1;
	s20 =	simm.s32 $0xC800  }
0xf: {  	s10 =	sadd.s32 s8, s9;
	s4 =	sshrl.u32 s19, $0x3;
	s3 =	sshrl.u32 s3, $0x3  }
0x10: {  	s25 =	sadd.s32 s5, s23;
	[dreg:$0xf] =	wrdreg s26;
	s23 =	simm.s32 $0x19080  }
0x11: {  	s9 =	simm.s32 $0x5;
	s4 =	sadd.s32 s8, s4;
	[dreg:$0x6] =	wrdreg s10  }
0x12: {  	s26 =	simm.s32 $0x6;
	s21 =	sadd.s32 $0x320, s10;
	[dreg:$0x7] =	wrdreg s4  }
0x13: {  	s3 =	sadd.s32 s8, s3;
	s0 =	sadd.s32 $0x60F300, s25;
	[dreg:$0x8] =	wrdreg s21  }
0x14: {  	s10 =	simm.s32 $0x0;
	[dreg:$0x9] =	wrdreg s3;
	s3 =	sadd.s32 $0x60E680, s25  }
0x15: {  	[dreg:$0xe] =	wrdreg s0;
	s0 =	simm.s32 $0x1;
	s4 =	simm.s32 $0xB  }
0x16: {  	s21 =	simm.s32 $0x2;
	[dreg:$0xd] =	wrdreg s3;
	s3 =	simm.s32 $0x6800  }
.LBB2_1:
0x17: {  	[dreg:$0x10] =	wrdreg s10  }
0x18: {  	s2 =	rddreg [dreg:$0x2];
	s17 =	simm.s32 $0x19200  }
0x19: {  	[tilespmem:s17], [sflag:$0xD] =	stream.linear.gather [hbm4b:s2+s6], $0x6400, $0x38;
	[tilespmem:$0x1F700] =	vst v63  }
0x1a: {  	s19 =	rddreg [dreg:$0x3];
	s25 =	simm.s32 $0x1F600  }
0x1b: {  	[tilespmem:s25], [sflag:$0xD] =	stream.linear.gather [hbm4b:s19+s6], $0x100, $0x38;
	[tilespmem:$0x1F700] =	vst v63  }
0x1c: {  	s12 =	rddreg [dreg:$0x6]  }
0x1d: {  	[tilespmem:s22], [sflag:$0x9] =	stream.linear.gather [hbm4b:s12+s6], $0x68, $0x38;
	[tilespmem:$0x1F700] =	vst v63  }
0x1e: {  	s13 =	rddreg [dreg:$0x7]  }
0x1f: {  	[tilespmem:s23], [sflag:$0xA] =	stream.linear.gather [hbm4b:s13+s6], $0x60, $0x38;
	[tilespmem:$0x1F700] =	vst v63  }
0x20: {  	s14 =	rddreg [dreg:$0x8]  }
0x21: {  	[tilespmem:s24], [sflag:$0xB] =	stream.linear.gather [hbm4b:s14+s6], $0x68, $0x38;
	[tilespmem:$0x1F700] =	vst v63  }
0x22: {  	s17 =	rddreg [dreg:$0x9];
	s19 =	simm.s32 $0x19180;
	s25 =	simm.s32 $0xD  }
0x23: {  	[tilespmem:s19], [sflag:$0xC] =	stream.linear.gather [hbm4b:s17+s6], $0x60, $0x38;
	[tilespmem:$0x1F700] =	vst v63  }
0x24: {  	_ =	swait.ge [sflag:s25], $0x6400  }
0x25: {  	[sflag:s25] =	ssyncset.done $0x0  }
0x26: {  	[sflag:s25] =	ssyncadd.s32 $0xFFFF9C00  }
0x27: {  	_ =	swait.ge [sflag:s25], $0x100  }
0x28: {  	[sflag:s25] =	ssyncset.done $0x0  }
0x29: {  	[sflag:s25] =	ssyncadd.s32 $0xFFFFFF00  }
0x2a: {  	v15 =	vld [tilespmem:$0x1F600]  }
0x2b: {  	v14 =	vld [tilespmem:$0x1F610]  }
0x2c: {  	v13 =	vld [tilespmem:$0x1F620]  }
0x2d: {  	v10 =	vld [tilespmem:$0x1F630]  }
0x2e: {  	v7 =	vld [tilespmem:$0x1F640]  }
0x2f: {  	v4 =	vld [tilespmem:$0x1F650]  }
0x30: {  	v1 =	vld [tilespmem:$0x1F660]  }
0x31: {  	v0 =	vld [tilespmem:$0x1F670]  }
0x32: {  	v2 =	vld [tilespmem:$0x1F680]  }
0x33: {  	v3 =	vld [tilespmem:$0x1F690]  }
0x34: {  	v5 =	vld [tilespmem:$0x1F6A0]  }
0x35: {  	v6 =	vld [tilespmem:$0x1F6B0]  }
0x36: {  	v16 =	vld [tilespmem:$0x1F6C0]  }
0x37: {  	v17 =	vld [tilespmem:$0x1F6D0]  }
0x38: {  	v18 =	vld [tilespmem:$0x1F6E0]  }
0x39: {  	v19 =	vld [tilespmem:$0x1F6F0];
	_ =	sdelay $0x1  }
0x3a: {  	v12 =	vsub.f32 v2, v15;
	v11 =	vsub.f32 v3, v14  }
0x3b: {  	v9 =	vsub.f32 v5, v13;
	v8 =	vsub.f32 v6, v10  }
0x3c: {  	v6 =	vsub.f32 v16, v7;
	v5 =	vsub.f32 v17, v4  }
0x3d: {  	s19 =	simm.s32 $0x0;
	v3 =	vsub.f32 v18, v1;
	v2 =	vsub.f32 v19, v0  }
.LBB2_2:
0x3e: {  	p0 =	sne.s32 s19, $0x0  }
.Ltmp0:
0x3f: {  	_ = 	snop;
	(pc) =	sbr.rel @!p0 .LBB2_3-.Ltmp0, $1  }
0x40: {  	_ =	sdelay $0x3  }
0x41: {  	_ =	swait.ge [sflag:s9], $0x3400  }
0x42: {  	[sflag:s9] =	ssyncset.done $0x0  }
0x43: {  	[sflag:s9] =	ssyncadd.s32 $0xFFFFCC00  }
0x44: {  	_ =	swait.ge [sflag:s9], $0x3400  }
0x45: {  	[sflag:s9] =	ssyncset.done $0x0  }
0x46: {  	[sflag:s9] =	ssyncadd.s32 $0xFFFFCC00  }
0x47: {  	s2 =	sshll.u32 s19, $0x6;
	_ =	swait.ge [sflag:s28], $0x68  }
0x48: {  	s10 =	sor.u32 s7, s2;
	[sflag:s28] =	ssyncset.done $0x0  }
0x49: {  	s10 =	smul.u32 $0xC8, s10;
	[sflag:s28] =	ssyncadd.s32 $0xFFFFFF98  }
0x4a: {  	[tilespmem:s6], [sflag:$0x1] =	stream.indirect.gather [hbm4b:s1+s29], $0x80, s22, s29, $0xb8;
	[tilespmem:$0x1F700] =	vst v63  }
0x4b: {  	s10 =	sadd.s32 $0x1968, s10;
	_ =	swait.ge [sflag:s18], $0x3000  }
0x4c: {  	s12 =	simm.s32 $0x19180;
	s10 =	sshrl.u32 s10, $0x3;
	[sflag:s18] =	ssyncset.done $0x0  }
0x4d: {  	s13 =	simm.s32 $0xFFFFD000;
	s10 =	sadd.s32 s8, s10;
	[sflag:s18] =	ssyncadd.s32 $0xFFFFD000  }
0x4e: {  	[tilespmem:s12], [sflag:$0xC] =	stream.linear.gather [hbm4b:s10+s6], $0x60, $0x38;
	[tilespmem:$0x1F700] =	vst v63  }
0x4f: {  	v16 =	vld [tilespmem:s13+$0x1F600]  }
0x50: {  	v17 =	vld [tilespmem:s13+$0x1F610]  }
0x51: {  	v18 =	vld [tilespmem:s13+$0x1F620]  }
0x52: {  	v19 =	vld [tilespmem:s13+$0x1F630]  }
0x53: {  	v23 =	vld [tilespmem:s13+$0x1F640]  }
0x54: {  	v24 =	vld [tilespmem:s13+$0x1F650]  }
0x55: {  	v25 =	vld [tilespmem:s13+$0x1F660]  }
0x56: {  	v26 =	vld [tilespmem:s13+$0x1F670]  }
0x57: {  	v20 =	vld [tilespmem:s13+$0x16000]  }
0x58: {  	v21 =	vld [tilespmem:s13+$0x16010]  }
0x59: {  	v22 =	vld [tilespmem:s13+$0x16020]  }
0x5a: {  	v27 =	vld [tilespmem:s13+$0x16030]  }
0x5b: {  	v28 =	vld [tilespmem:s13+$0x16040]  }
0x5c: {  	v29 =	vld [tilespmem:s13+$0x16050];
	v16 =	vadd.f32 v16, v20  }
0x5d: {  	v30 =	vld [tilespmem:s13+$0x16060];
	v21 =	vadd.f32 v17, v21  }
0x5e: {  	s10 =	simm.s32 $0xFFFFD080;
	v31 =	vld [tilespmem:s13+$0x16070];
	v32 =	vadd.f32 v16, v15;
	v16 =	vadd.f32 v18, v22  }
0x5f: {  	v17 =	vld [tilespmem:s10+$0x1F600];
	v33 =	vadd.f32 v21, v14;
	v18 =	vadd.f32 v19, v27  }
0x60: {  	v20 =	vld [tilespmem:s10+$0x1F610];
	v19 =	vadd.f32 v23, v28;
	[tilespmem:s13+$0x16000] =	vst v32;
	v34 =	vadd.f32 v16, v13  }
0x61: {  	v23 =	vadd.f32 v24, v29;
	v35 =	vadd.f32 v18, v10;
	v21 =	vld [tilespmem:s10+$0x1F620];
	[tilespmem:s13+$0x16010] =	vst v33  }
0x62: {  	v25 =	vadd.f32 v25, v30;
	v24 =	vadd.f32 v19, v7;
	v22 =	vld [tilespmem:s10+$0x1F630];
	[tilespmem:s13+$0x16020] =	vst v34  }
0x63: {  	v26 =	vadd.f32 v26, v31;
	v30 =	vadd.f32 v23, v4;
	v16 =	vld [tilespmem:s10+$0x1F640];
	[tilespmem:s13+$0x16030] =	vst v35  }
0x64: {  	v36 =	vadd.f32 v25, v1;
	v18 =	vld [tilespmem:s10+$0x1F650];
	[tilespmem:s13+$0x16040] =	vst v24  }
0x65: {  	v26 =	vadd.f32 v26, v0;
	v19 =	vld [tilespmem:s10+$0x1F660];
	[tilespmem:s13+$0x16050] =	vst v30  }
0x66: {  	v25 =	vadd.f32 v32, v12;
	v23 =	vld [tilespmem:s10+$0x1F670];
	[tilespmem:s13+$0x16060] =	vst v36  }
0x67: {  	v31 =	vadd.f32 v33, v11;
	v27 =	vld [tilespmem:s10+$0x16000];
	[tilespmem:s13+$0x16070] =	vst v26  }
0x68: {  	v62 =	vadd.f32 v34, v9;
	v29 =	vld [tilespmem:s10+$0x16010];
	[tilespmem:s13+$0x19000] =	vst v25  }
0x69: {  	v63 =	vadd.f32 v35, v8;
	v28 =	vld [tilespmem:s10+$0x16020];
	[tilespmem:s13+$0x19010] =	vst v31  }
0x6a: {  	v32 =	vadd.f32 v24, v6;
	v26 =	vadd.f32 v26, v2;
	v25 =	vld [tilespmem:s10+$0x16030];
	[tilespmem:s13+$0x19020] =	vst v62  }
0x6b: {  	s12 =	simm.s32 $0xFFFF4400;
	v31 =	vadd.f32 v30, v5;
	v30 =	vadd.f32 v36, v3;
	v24 =	vld [tilespmem:s10+$0x16040];
	[tilespmem:s13+$0x19030] =	vst v63  }
.LBB2_5:
0x6c: {  	p0 =	sne.s32 s12, $0xFFFFFE00;
	v17 =	vadd.f32 v17, v27;
	v27 =	vld [tilespmem:s10+$0x16050];
	[tilespmem:s13+$0x19040] =	vst v32  }
0x6d: {  	v20 =	vadd.f32 v20, v29;
	v29 =	vld [tilespmem:s10+$0x16060];
	[tilespmem:s13+$0x19050] =	vst v31  }
0x6e: {  	s17 =	sshra.s32 s12, $0x2;
	v31 =	vadd.f32 v17, v15;
	v21 =	vadd.f32 v21, v28;
	v28 =	vld [tilespmem:s10+$0x16070];
	[tilespmem:s13+$0x19060] =	vst v30  }
0x6f: {  	v17 =	vld [tilespmem:s17+$0x1F600];
	v30 =	vadd.f32 v20, v14;
	v22 =	vadd.f32 v22, v25;
	[tilespmem:s13+$0x19070] =	vst v26;
	s13 =	smov.u32 s10;
	s10 =	smov.u32 s17  }
0x70: {  	v20 =	vld [tilespmem:s10+$0x1F610];
	[tilespmem:s13+$0x16000] =	vst v31;
	v25 =	vadd.f32 v21, v13;
	v16 =	vadd.f32 v16, v24  }
0x71: {  	v21 =	vld [tilespmem:s10+$0x1F620];
	[tilespmem:s13+$0x16010] =	vst v30;
	v24 =	vadd.f32 v22, v10;
	v18 =	vadd.f32 v18, v27  }
0x72: {  	v22 =	vld [tilespmem:s10+$0x1F630];
	[tilespmem:s13+$0x16020] =	vst v25;
	v26 =	vadd.f32 v16, v7;
	v19 =	vadd.f32 v19, v29  }
0x73: {  	v16 =	vld [tilespmem:s10+$0x1F640];
	[tilespmem:s13+$0x16030] =	vst v24;
	v29 =	vadd.f32 v18, v4;
	v23 =	vadd.f32 v23, v28  }
0x74: {  	v28 =	vadd.f32 v31, v12;
	v18 =	vld [tilespmem:s10+$0x1F650];
	[tilespmem:s13+$0x16040] =	vst v26;
	v33 =	vadd.f32 v19, v1  }
0x75: {  	v34 =	vadd.f32 v30, v11;
	v19 =	vld [tilespmem:s10+$0x1F660];
	[tilespmem:s13+$0x16050] =	vst v29;
	v35 =	vadd.f32 v23, v0  }
0x76: {  	v36 =	vadd.f32 v25, v9;
	v37 =	vadd.f32 v24, v8;
	v23 =	vld [tilespmem:s10+$0x1F670];
	[tilespmem:s13+$0x16060] =	vst v33  }
.Ltmp1:
0x77: {  	v32 =	vadd.f32 v26, v6;
	v31 =	vadd.f32 v29, v5;
	v27 =	vld [tilespmem:s10+$0x16000];
	[tilespmem:s13+$0x16070] =	vst v35;
	(pc) =	sbr.rel @p0 .LBB2_5-.Ltmp1, $4  }
0x78: {  	v30 =	vadd.f32 v33, v3;
	v26 =	vadd.f32 v35, v2;
	v29 =	vld [tilespmem:s10+$0x16010];
	[tilespmem:s13+$0x19000] =	vst v28  }
0x79: {  	v28 =	vld [tilespmem:s10+$0x16020];
	[tilespmem:s13+$0x19010] =	vst v34  }
0x7a: {  	v25 =	vld [tilespmem:s10+$0x16030];
	[tilespmem:s13+$0x19020] =	vst v36  }
0x7b: {  	s12 =	sadd.s32 $0x200, s12;
	v24 =	vld [tilespmem:s10+$0x16040];
	[tilespmem:s13+$0x19030] =	vst v37  }
0x7c: {  	v33 =	vld [tilespmem:s10+$0x16050];
	[tilespmem:s13+$0x19040] =	vst v32;
	v17 =	vadd.f32 v17, v27  }
0x7d: {  	v32 =	vld [tilespmem:s10+$0x16060];
	[tilespmem:s13+$0x19050] =	vst v31;
	v20 =	vadd.f32 v20, v29  }
0x7e: {  	v63 =	vld [tilespmem:s10+$0x16070];
	v17 =	vadd.f32 v17, v15;
	v21 =	vadd.f32 v21, v28;
	[tilespmem:s13+$0x19060] =	vst v30  }
0x7f: {  	[tilespmem:s13+$0x19070] =	vst v26;
	v20 =	vadd.f32 v20, v14  }
0x80: {  	v22 =	vadd.f32 v22, v25;
	[tilespmem:s10+$0x16000] =	vst v17;
	v21 =	vadd.f32 v21, v13  }
0x81: {  	v17 =	vadd.f32 v17, v12;
	[tilespmem:s10+$0x16010] =	vst v20  }
0x82: {  	v16 =	vadd.f32 v16, v24;
	v22 =	vadd.f32 v22, v10;
	[tilespmem:s10+$0x16020] =	vst v21  }
0x83: {  	v20 =	vadd.f32 v20, v11;
	[tilespmem:s10+$0x19000] =	vst v17  }
0x84: {  	v18 =	vadd.f32 v18, v33;
	v16 =	vadd.f32 v16, v7;
	[tilespmem:s10+$0x16030] =	vst v22  }
0x85: {  	v21 =	vadd.f32 v21, v9;
	[tilespmem:s10+$0x19010] =	vst v20  }
0x86: {  	v19 =	vadd.f32 v19, v32;
	v18 =	vadd.f32 v18, v4;
	[tilespmem:s10+$0x16040] =	vst v16  }
0x87: {  	v17 =	vadd.f32 v22, v8;
	[tilespmem:s10+$0x19020] =	vst v21  }
0x88: {  	v23 =	vadd.f32 v23, v63;
	v19 =	vadd.f32 v19, v1;
	[tilespmem:s10+$0x16050] =	vst v18  }
0x89: {  	s12 =	rddreg [dreg:$0xa];
	v16 =	vadd.f32 v16, v6;
	[tilespmem:s10+$0x19030] =	vst v17  }
0x8a: {  	s12 =	sadd.s32 s12, s2;
	v23 =	vadd.f32 v23, v0;
	[tilespmem:s10+$0x16060] =	vst v19  }
0x8b: {  	s12 =	smul.u32 $0xC800, s12;
	v18 =	vadd.f32 v18, v5;
	[tilespmem:s10+$0x19040] =	vst v16  }
0x8c: {  	v17 =	vadd.f32 v19, v3;
	[tilespmem:s10+$0x16070] =	vst v23  }
0x8d: {  	s12 =	sshrl.u32 s12, $0x3;
	v16 =	vadd.f32 v23, v2;
	[tilespmem:s10+$0x19050] =	vst v18  }
0x8e: {  	s12 =	sadd.s32 s5, s12;
	[tilespmem:s10+$0x19060] =	vst v17  }
0x8f: {  	s14 =	simm.s32 $0x13000;
	s13 =	sadd.s32 $0x680, s12;
	[tilespmem:s10+$0x19070] =	vst v16  }
0x90: {  	[hbm4b:s13+s6] =	stream.linear.scatter [tilespmem:s14], [sflag:$0x8], $0x3000, $0x38;
	[tilespmem:$0x1F700] =	vst v63  }
0x91: {  	s25 =	simm.s32 $0x16000;
	s17 =	sadd.s32 $0x1300, s12  }
0x92: {  	[hbm4b:s17+s6] =	stream.linear.scatter [tilespmem:s25], [sflag:$0x8], $0x3000, $0x38;
	[tilespmem:$0x1F700] =	vst v63  }
0x93: {  	_ =	swait.ge [sflag:s26], $0x3000  }
.Ltmp2:
0x94: {  	[sflag:s26] =	ssyncset.done $0x0;
	(pc) =	sbr.rel .LBB2_7-.Ltmp2, $4  }
0x95: {  	[sflag:s26] =	ssyncadd.s32 $0xFFFFD000  }
0x96: {  	_ =	swait.ge [sflag:s26], $0x3000  }
0x97: {  	[sflag:s26] =	ssyncset.done $0x0  }
0x98: {  	[sflag:s26] =	ssyncadd.s32 $0xFFFFD000  }
.LBB2_3:
0x99: {  	_ =	swait.ge [sflag:s28], $0x68  }
0x9a: {  	[sflag:s28] =	ssyncset.done $0x0  }
0x9b: {  	s2 =	simm.s32 $0x0;
	[sflag:s28] =	ssyncadd.s32 $0xFFFFFF98  }
0x9c: {  	[tilespmem:s2], [sflag:$0x1] =	stream.indirect.gather [hbm4b:s1+s29], $0x80, s22, s29, $0xb8;
	[tilespmem:$0x1F700] =	vst v63  }
.LBB2_7:
0x9d: {  	_ =	swait.ge [sflag:s30], $0x60  }
0x9e: {  	[sflag:s30] =	ssyncset.done $0x0;
	s10 =	rddreg [dreg:$0xb]  }
0x9f: {  	[sflag:s30] =	ssyncadd.s32 $0xFFFFFFA0;
	s10 =	sadd.s32 s10, s2  }
0xa0: {  	[tilespmem:s3], [sflag:$0x2] =	stream.indirect.gather [hbm4b:s1+s31], $0x80, s23, s31, $0xb8;
	[tilespmem:$0x1F700] =	vst v63  }
0xa1: {  	s10 =	smin.u32 s10, $0x3FF  }
0xa2: {  	s17 =	smul.u32 $0xC8, s10  }
0xa3: {  	_ =	swait.ge [sflag:s0], $0x3400  }
0xa4: {  	[sflag:s0] =	ssyncset.done $0x0;
	s10 =	sshrl.u32 s17, $0x3  }
0xa5: {  	[sflag:s0] =	ssyncadd.s32 $0xFFFFCC00;
	s10 =	sadd.s32 s8, s10  }
0xa6: {  	[tilespmem:s22], [sflag:$0x9] =	stream.linear.gather [hbm4b:s10+s6], $0x68, $0x38;
	[tilespmem:$0x1F700] =	vst v63  }
0xa7: {  	s10 =	simm.s32 $0xFFFFCC00  }
0xa8: {  	v16 =	vld [tilespmem:s10+$0x1C600]  }
0xa9: {  	v17 =	vld [tilespmem:s10+$0x1C610]  }
0xaa: {  	v18 =	vld [tilespmem:s10+$0x1C620]  }
0xab: {  	v19 =	vld [tilespmem:s10+$0x1C630]  }
0xac: {  	v23 =	vld [tilespmem:s10+$0x1C640]  }
0xad: {  	v24 =	vld [tilespmem:s10+$0x1C650]  }
0xae: {  	v25 =	vld [tilespmem:s10+$0x1C660]  }
0xaf: {  	v26 =	vld [tilespmem:s10+$0x1C670]  }
0xb0: {  	v20 =	vld [tilespmem:s10+$0x3400]  }
0xb1: {  	v21 =	vld [tilespmem:s10+$0x3410]  }
0xb2: {  	v22 =	vld [tilespmem:s10+$0x3420]  }
0xb3: {  	v27 =	vld [tilespmem:s10+$0x3430]  }
0xb4: {  	v28 =	vld [tilespmem:s10+$0x3440]  }
0xb5: {  	v29 =	vld [tilespmem:s10+$0x3450];
	v16 =	vadd.f32 v16, v20  }
0xb6: {  	v30 =	vld [tilespmem:s10+$0x3460];
	v21 =	vadd.f32 v17, v21  }
0xb7: {  	s13 =	simm.s32 $0xFFFFCC80;
	v31 =	vld [tilespmem:s10+$0x3470];
	v32 =	vadd.f32 v16, v15;
	v16 =	vadd.f32 v18, v22  }
0xb8: {  	v17 =	vld [tilespmem:s13+$0x1C600];
	v33 =	vadd.f32 v21, v14;
	v18 =	vadd.f32 v19, v27  }
0xb9: {  	v20 =	vld [tilespmem:s13+$0x1C610];
	v19 =	vadd.f32 v23, v28;
	[tilespmem:s10+$0x3400] =	vst v32;
	v34 =	vadd.f32 v16, v13  }
0xba: {  	v23 =	vadd.f32 v24, v29;
	v35 =	vadd.f32 v18, v10;
	v21 =	vld [tilespmem:s13+$0x1C620];
	[tilespmem:s10+$0x3410] =	vst v33  }
0xbb: {  	v25 =	vadd.f32 v25, v30;
	v24 =	vadd.f32 v19, v7;
	v22 =	vld [tilespmem:s13+$0x1C630];
	[tilespmem:s10+$0x3420] =	vst v34  }
0xbc: {  	v26 =	vadd.f32 v26, v31;
	v30 =	vadd.f32 v23, v4;
	v16 =	vld [tilespmem:s13+$0x1C640];
	[tilespmem:s10+$0x3430] =	vst v35  }
0xbd: {  	v36 =	vadd.f32 v25, v1;
	v18 =	vld [tilespmem:s13+$0x1C650];
	[tilespmem:s10+$0x3440] =	vst v24  }
0xbe: {  	v26 =	vadd.f32 v26, v0;
	v19 =	vld [tilespmem:s13+$0x1C660];
	[tilespmem:s10+$0x3450] =	vst v30  }
0xbf: {  	v25 =	vadd.f32 v32, v12;
	v23 =	vld [tilespmem:s13+$0x1C670];
	[tilespmem:s10+$0x3460] =	vst v36  }
0xc0: {  	v31 =	vadd.f32 v33, v11;
	v27 =	vld [tilespmem:s13+$0x3400];
	[tilespmem:s10+$0x3470] =	vst v26  }
0xc1: {  	v62 =	vadd.f32 v34, v9;
	v29 =	vld [tilespmem:s13+$0x3410];
	[tilespmem:s10+$0x6800] =	vst v25  }
0xc2: {  	v63 =	vadd.f32 v35, v8;
	v28 =	vld [tilespmem:s13+$0x3420];
	[tilespmem:s10+$0x6810] =	vst v31  }
0xc3: {  	v32 =	vadd.f32 v24, v6;
	v26 =	vadd.f32 v26, v2;
	v25 =	vld [tilespmem:s13+$0x3430];
	[tilespmem:s10+$0x6820] =	vst v62  }
0xc4: {  	s12 =	simm.s32 $0xFFFF3400;
	v31 =	vadd.f32 v30, v5;
	v30 =	vadd.f32 v36, v3;
	v24 =	vld [tilespmem:s13+$0x3440];
	[tilespmem:s10+$0x6830] =	vst v63  }
.LBB2_8:
0xc5: {  	p0 =	sne.s32 s12, $0xFFFFFE00;
	v17 =	vadd.f32 v17, v27;
	v27 =	vld [tilespmem:s13+$0x3450];
	[tilespmem:s10+$0x6840] =	vst v32  }
0xc6: {  	v20 =	vadd.f32 v20, v29;
	v29 =	vld [tilespmem:s13+$0x3460];
	[tilespmem:s10+$0x6850] =	vst v31  }
0xc7: {  	s25 =	sshra.s32 s12, $0x2;
	v31 =	vadd.f32 v17, v15;
	v21 =	vadd.f32 v21, v28;
	v28 =	vld [tilespmem:s13+$0x3470];
	[tilespmem:s10+$0x6860] =	vst v30  }
0xc8: {  	v17 =	vld [tilespmem:s25+$0x1C600];
	v30 =	vadd.f32 v20, v14;
	v22 =	vadd.f32 v22, v25;
	[tilespmem:s10+$0x6870] =	vst v26;
	s10 =	smov.u32 s13;
	s13 =	smov.u32 s25  }
0xc9: {  	v20 =	vld [tilespmem:s13+$0x1C610];
	[tilespmem:s10+$0x3400] =	vst v31;
	v25 =	vadd.f32 v21, v13;
	v16 =	vadd.f32 v16, v24  }
0xca: {  	v21 =	vld [tilespmem:s13+$0x1C620];
	[tilespmem:s10+$0x3410] =	vst v30;
	v24 =	vadd.f32 v22, v10;
	v18 =	vadd.f32 v18, v27  }
0xcb: {  	v22 =	vld [tilespmem:s13+$0x1C630];
	[tilespmem:s10+$0x3420] =	vst v25;
	v26 =	vadd.f32 v16, v7;
	v19 =	vadd.f32 v19, v29  }
0xcc: {  	v16 =	vld [tilespmem:s13+$0x1C640];
	[tilespmem:s10+$0x3430] =	vst v24;
	v29 =	vadd.f32 v18, v4;
	v23 =	vadd.f32 v23, v28  }
0xcd: {  	v28 =	vadd.f32 v31, v12;
	v18 =	vld [tilespmem:s13+$0x1C650];
	[tilespmem:s10+$0x3440] =	vst v26;
	v33 =	vadd.f32 v19, v1  }
0xce: {  	v34 =	vadd.f32 v30, v11;
	v19 =	vld [tilespmem:s13+$0x1C660];
	[tilespmem:s10+$0x3450] =	vst v29;
	v35 =	vadd.f32 v23, v0  }
0xcf: {  	v36 =	vadd.f32 v25, v9;
	v37 =	vadd.f32 v24, v8;
	v23 =	vld [tilespmem:s13+$0x1C670];
	[tilespmem:s10+$0x3460] =	vst v33  }
.Ltmp3:
0xd0: {  	v32 =	vadd.f32 v26, v6;
	v31 =	vadd.f32 v29, v5;
	v27 =	vld [tilespmem:s13+$0x3400];
	[tilespmem:s10+$0x3470] =	vst v35;
	(pc) =	sbr.rel @p0 .LBB2_8-.Ltmp3, $4  }
0xd1: {  	v30 =	vadd.f32 v33, v3;
	v26 =	vadd.f32 v35, v2;
	v29 =	vld [tilespmem:s13+$0x3410];
	[tilespmem:s10+$0x6800] =	vst v28  }
0xd2: {  	v28 =	vld [tilespmem:s13+$0x3420];
	[tilespmem:s10+$0x6810] =	vst v34  }
0xd3: {  	v25 =	vld [tilespmem:s13+$0x3430];
	[tilespmem:s10+$0x6820] =	vst v36  }
0xd4: {  	s12 =	sadd.s32 $0x200, s12;
	v24 =	vld [tilespmem:s13+$0x3440];
	[tilespmem:s10+$0x6830] =	vst v37  }
0xd5: {  	v33 =	vld [tilespmem:s13+$0x3450];
	[tilespmem:s10+$0x6840] =	vst v32;
	v17 =	vadd.f32 v17, v27  }
0xd6: {  	v32 =	vld [tilespmem:s13+$0x3460];
	[tilespmem:s10+$0x6850] =	vst v31;
	v20 =	vadd.f32 v20, v29  }
0xd7: {  	v27 =	vld [tilespmem:s13+$0x3470];
	v17 =	vadd.f32 v17, v15;
	v21 =	vadd.f32 v21, v28;
	[tilespmem:s10+$0x6860] =	vst v30  }
0xd8: {  	[tilespmem:s10+$0x6870] =	vst v26;
	v20 =	vadd.f32 v20, v14  }
0xd9: {  	v22 =	vadd.f32 v22, v25;
	[tilespmem:s13+$0x3400] =	vst v17;
	v21 =	vadd.f32 v21, v13  }
0xda: {  	v17 =	vadd.f32 v17, v12;
	[tilespmem:s13+$0x3410] =	vst v20  }
0xdb: {  	v16 =	vadd.f32 v16, v24;
	v22 =	vadd.f32 v22, v10;
	[tilespmem:s13+$0x3420] =	vst v21  }
0xdc: {  	v20 =	vadd.f32 v20, v11;
	[tilespmem:s13+$0x6800] =	vst v17  }
0xdd: {  	v18 =	vadd.f32 v18, v33;
	v16 =	vadd.f32 v16, v7;
	[tilespmem:s13+$0x3430] =	vst v22  }
0xde: {  	v21 =	vadd.f32 v21, v9;
	[tilespmem:s13+$0x6810] =	vst v20  }
0xdf: {  	v19 =	vadd.f32 v19, v32;
	v18 =	vadd.f32 v18, v4;
	[tilespmem:s13+$0x3440] =	vst v16  }
0xe0: {  	v17 =	vadd.f32 v22, v8;
	[tilespmem:s13+$0x6820] =	vst v21  }
0xe1: {  	v23 =	vadd.f32 v23, v27;
	v19 =	vadd.f32 v19, v1;
	[tilespmem:s13+$0x3450] =	vst v18  }
0xe2: {  	v16 =	vadd.f32 v16, v6;
	[tilespmem:s13+$0x6830] =	vst v17  }
0xe3: {  	v23 =	vadd.f32 v23, v0;
	[tilespmem:s13+$0x3460] =	vst v19  }
0xe4: {  	s10 =	sor.u32 s7, s2;
	v18 =	vadd.f32 v18, v5;
	[tilespmem:s13+$0x6840] =	vst v16  }
0xe5: {  	s25 =	smul.u32 $0xC800, s10;
	v17 =	vadd.f32 v19, v3;
	[tilespmem:s13+$0x3470] =	vst v23  }
0xe6: {  	s12 =	smul.u32 $0x1900, s10;
	v16 =	vadd.f32 v23, v2;
	[tilespmem:s13+$0x6850] =	vst v18  }
0xe7: {  	s14 =	sshrl.u32 s25, $0x3;
	[tilespmem:s13+$0x6860] =	vst v17  }
0xe8: {  	s12 =	sadd.s32 s5, s12;
	[tilespmem:s13+$0x6870] =	vst v16;
	s13 =	sadd.s32 s5, s14  }
0xe9: {  	[hbm4b:s12+s6] =	stream.linear.scatter [tilespmem:s6], [sflag:$0x5], $0x3400, $0x38;
	[tilespmem:$0x1F700] =	vst v63  }
0xea: {  	p0 =	seq.s32 s19, $0x0;
	s14 =	simm.s32 $0x3400;
	s12 =	sadd.s32 $0xC80, s13  }
0xeb: {  	[hbm4b:s12+s6] =	stream.linear.scatter [tilespmem:s14], [sflag:$0x5], $0x3400, $0x38;
	[tilespmem:$0x1F700] =	vst v63  }
0xec: {  	s12 =	simm.s32 @!p0 $0x7  }
0xed: {  	_ =	swait.ge @!p0 [sflag:s12], $0x3400  }
0xee: {  	[sflag:s12] =	ssyncset.done @!p0 $0x0  }
0xef: {  	[sflag:s12] =	ssyncadd.s32 @!p0 $0xFFFFCC00  }
0xf0: {  	_ =	swait.ge @!p0 [sflag:s12], $0x3400  }
0xf1: {  	[sflag:s12] =	ssyncset.done @!p0 $0x0  }
0xf2: {  	[sflag:s12] =	ssyncadd.s32 @!p0 $0xFFFFCC00  }
0xf3: {  	_ =	swait.ge [sflag:s4], $0x68  }
0xf4: {  	[sflag:s4] =	ssyncset.done $0x0  }
0xf5: {  	[sflag:s4] =	ssyncadd.s32 $0xFFFFFF98  }
0xf6: {  	[tilespmem:s20], [sflag:$0x3] =	stream.indirect.gather [hbm4b:s1+s29], $0x80, s24, s29, $0xb8;
	[tilespmem:$0x1F700] =	vst v63  }
0xf7: {  	s25 =	sadd.s32 $0x68, s17;
	_ =	swait.ge [sflag:s21], $0x3000  }
0xf8: {  	s12 =	sshrl.u32 s25, $0x3;
	[sflag:s21] =	ssyncset.done $0x0  }
0xf9: {  	s12 =	sadd.s32 s8, s12;
	[sflag:s21] =	ssyncadd.s32 $0xFFFFD000  }
0xfa: {  	[tilespmem:s23], [sflag:$0xA] =	stream.linear.gather [hbm4b:s12+s6], $0x60, $0x38;
	[tilespmem:$0x1F700] =	vst v63  }
0xfb: {  	s12 =	simm.s32 $0xFFFFD000  }
0xfc: {  	v16 =	vld [tilespmem:s12+$0x1F600]  }
0xfd: {  	v17 =	vld [tilespmem:s12+$0x1F610]  }
0xfe: {  	v18 =	vld [tilespmem:s12+$0x1F620]  }
0xff: {  	v19 =	vld [tilespmem:s12+$0x1F630]  }
0x100: {  	v23 =	vld [tilespmem:s12+$0x1F640]  }
0x101: {  	v24 =	vld [tilespmem:s12+$0x1F650]  }
0x102: {  	v25 =	vld [tilespmem:s12+$0x1F660]  }
0x103: {  	v26 =	vld [tilespmem:s12+$0x1F670]  }
0x104: {  	v20 =	vld [tilespmem:s12+$0x9800]  }
0x105: {  	v21 =	vld [tilespmem:s12+$0x9810]  }
0x106: {  	v22 =	vld [tilespmem:s12+$0x9820]  }
0x107: {  	v27 =	vld [tilespmem:s12+$0x9830]  }
0x108: {  	v28 =	vld [tilespmem:s12+$0x9840]  }
0x109: {  	v29 =	vld [tilespmem:s12+$0x9850];
	v16 =	vadd.f32 v16, v20  }
0x10a: {  	v30 =	vld [tilespmem:s12+$0x9860];
	v21 =	vadd.f32 v17, v21  }
0x10b: {  	s17 =	simm.s32 $0xFFFFD080;
	v31 =	vld [tilespmem:s12+$0x9870];
	v60 =	vadd.f32 v16, v15;
	v16 =	vadd.f32 v18, v22  }
0x10c: {  	v17 =	vld [tilespmem:s17+$0x1F600];
	v61 =	vadd.f32 v21, v14;
	v18 =	vadd.f32 v19, v27  }
0x10d: {  	v20 =	vld [tilespmem:s17+$0x1F610];
	v19 =	vadd.f32 v23, v28;
	[tilespmem:s12+$0x9800] =	vst v60;
	v34 =	vadd.f32 v16, v13  }
0x10e: {  	v23 =	vadd.f32 v24, v29;
	v35 =	vadd.f32 v18, v10;
	v21 =	vld [tilespmem:s17+$0x1F620];
	[tilespmem:s12+$0x9810] =	vst v61  }
0x10f: {  	v25 =	vadd.f32 v25, v30;
	v24 =	vadd.f32 v19, v7;
	v22 =	vld [tilespmem:s17+$0x1F630];
	[tilespmem:s12+$0x9820] =	vst v34  }
0x110: {  	v26 =	vadd.f32 v26, v31;
	v30 =	vadd.f32 v23, v4;
	v16 =	vld [tilespmem:s17+$0x1F640];
	[tilespmem:s12+$0x9830] =	vst v35  }
0x111: {  	v36 =	vadd.f32 v25, v1;
	v18 =	vld [tilespmem:s17+$0x1F650];
	[tilespmem:s12+$0x9840] =	vst v24  }
0x112: {  	v26 =	vadd.f32 v26, v0;
	v19 =	vld [tilespmem:s17+$0x1F660];
	[tilespmem:s12+$0x9850] =	vst v30  }
0x113: {  	v25 =	vadd.f32 v60, v12;
	v23 =	vld [tilespmem:s17+$0x1F670];
	[tilespmem:s12+$0x9860] =	vst v36  }
0x114: {  	v31 =	vadd.f32 v61, v11;
	v27 =	vld [tilespmem:s17+$0x9800];
	[tilespmem:s12+$0x9870] =	vst v26  }
0x115: {  	v62 =	vadd.f32 v34, v9;
	v29 =	vld [tilespmem:s17+$0x9810];
	[tilespmem:s12+$0xC800] =	vst v25  }
0x116: {  	v63 =	vadd.f32 v35, v8;
	v28 =	vld [tilespmem:s17+$0x9820];
	[tilespmem:s12+$0xC810] =	vst v31  }
0x117: {  	v32 =	vadd.f32 v24, v6;
	v26 =	vadd.f32 v26, v2;
	v25 =	vld [tilespmem:s17+$0x9830];
	[tilespmem:s12+$0xC820] =	vst v62  }
0x118: {  	s25 =	simm.s32 $0xFFFF4400;
	v31 =	vadd.f32 v30, v5;
	v30 =	vadd.f32 v36, v3;
	v24 =	vld [tilespmem:s17+$0x9840];
	[tilespmem:s12+$0xC830] =	vst v63  }
.LBB2_10:
0x119: {  	p1 =	sne.s32 s25, $0xFFFFFE00;
	v17 =	vadd.f32 v17, v27;
	v27 =	vld [tilespmem:s17+$0x9850];
	[tilespmem:s12+$0xC840] =	vst v32  }
0x11a: {  	v20 =	vadd.f32 v20, v29;
	v29 =	vld [tilespmem:s17+$0x9860];
	[tilespmem:s12+$0xC850] =	vst v31  }
0x11b: {  	s14 =	sshra.s32 s25, $0x2;
	v31 =	vadd.f32 v17, v15;
	v21 =	vadd.f32 v21, v28;
	v28 =	vld [tilespmem:s17+$0x9870];
	[tilespmem:s12+$0xC860] =	vst v30  }
0x11c: {  	v17 =	vld [tilespmem:s14+$0x1F600];
	v30 =	vadd.f32 v20, v14;
	v22 =	vadd.f32 v22, v25;
	[tilespmem:s12+$0xC870] =	vst v26;
	s12 =	smov.u32 s17;
	s17 =	smov.u32 s14  }
0x11d: {  	v20 =	vld [tilespmem:s17+$0x1F610];
	[tilespmem:s12+$0x9800] =	vst v31;
	v25 =	vadd.f32 v21, v13;
	v16 =	vadd.f32 v16, v24  }
0x11e: {  	v21 =	vld [tilespmem:s17+$0x1F620];
	[tilespmem:s12+$0x9810] =	vst v30;
	v24 =	vadd.f32 v22, v10;
	v18 =	vadd.f32 v18, v27  }
0x11f: {  	v22 =	vld [tilespmem:s17+$0x1F630];
	[tilespmem:s12+$0x9820] =	vst v25;
	v26 =	vadd.f32 v16, v7;
	v19 =	vadd.f32 v19, v29  }
0x120: {  	v16 =	vld [tilespmem:s17+$0x1F640];
	[tilespmem:s12+$0x9830] =	vst v24;
	v29 =	vadd.f32 v18, v4;
	v23 =	vadd.f32 v23, v28  }
0x121: {  	v28 =	vadd.f32 v31, v12;
	v18 =	vld [tilespmem:s17+$0x1F650];
	[tilespmem:s12+$0x9840] =	vst v26;
	v33 =	vadd.f32 v19, v1  }
0x122: {  	v34 =	vadd.f32 v30, v11;
	v19 =	vld [tilespmem:s17+$0x1F660];
	[tilespmem:s12+$0x9850] =	vst v29;
	v35 =	vadd.f32 v23, v0  }
0x123: {  	v36 =	vadd.f32 v25, v9;
	v37 =	vadd.f32 v24, v8;
	v23 =	vld [tilespmem:s17+$0x1F670];
	[tilespmem:s12+$0x9860] =	vst v33  }
.Ltmp4:
0x124: {  	v32 =	vadd.f32 v26, v6;
	v31 =	vadd.f32 v29, v5;
	v27 =	vld [tilespmem:s17+$0x9800];
	[tilespmem:s12+$0x9870] =	vst v35;
	(pc) =	sbr.rel @p1 .LBB2_10-.Ltmp4, $4  }
0x125: {  	v30 =	vadd.f32 v33, v3;
	v26 =	vadd.f32 v35, v2;
	v29 =	vld [tilespmem:s17+$0x9810];
	[tilespmem:s12+$0xC800] =	vst v28  }
0x126: {  	v28 =	vld [tilespmem:s17+$0x9820];
	[tilespmem:s12+$0xC810] =	vst v34  }
0x127: {  	v25 =	vld [tilespmem:s17+$0x9830];
	[tilespmem:s12+$0xC820] =	vst v36  }
0x128: {  	s25 =	sadd.s32 $0x200, s25;
	v24 =	vld [tilespmem:s17+$0x9840];
	[tilespmem:s12+$0xC830] =	vst v37  }
0x129: {  	v33 =	vld [tilespmem:s17+$0x9850];
	[tilespmem:s12+$0xC840] =	vst v32;
	v17 =	vadd.f32 v17, v27  }
0x12a: {  	v32 =	vld [tilespmem:s17+$0x9860];
	[tilespmem:s12+$0xC850] =	vst v31;
	v20 =	vadd.f32 v20, v29  }
0x12b: {  	v27 =	vld [tilespmem:s17+$0x9870];
	v17 =	vadd.f32 v17, v15;
	v21 =	vadd.f32 v21, v28;
	[tilespmem:s12+$0xC860] =	vst v30  }
0x12c: {  	[tilespmem:s12+$0xC870] =	vst v26;
	v20 =	vadd.f32 v20, v14  }
0x12d: {  	v22 =	vadd.f32 v22, v25;
	[tilespmem:s17+$0x9800] =	vst v17;
	v21 =	vadd.f32 v21, v13  }
0x12e: {  	v17 =	vadd.f32 v17, v12;
	[tilespmem:s17+$0x9810] =	vst v20  }
0x12f: {  	v16 =	vadd.f32 v16, v24;
	v22 =	vadd.f32 v22, v10;
	[tilespmem:s17+$0x9820] =	vst v21  }
0x130: {  	v20 =	vadd.f32 v20, v11;
	[tilespmem:s17+$0xC800] =	vst v17  }
0x131: {  	v18 =	vadd.f32 v18, v33;
	v16 =	vadd.f32 v16, v7;
	[tilespmem:s17+$0x9830] =	vst v22  }
0x132: {  	v21 =	vadd.f32 v21, v9;
	[tilespmem:s17+$0xC810] =	vst v20  }
0x133: {  	v19 =	vadd.f32 v19, v32;
	v18 =	vadd.f32 v18, v4;
	[tilespmem:s17+$0x9840] =	vst v16  }
0x134: {  	v17 =	vadd.f32 v22, v8;
	[tilespmem:s17+$0xC820] =	vst v21  }
0x135: {  	v23 =	vadd.f32 v23, v27;
	v19 =	vadd.f32 v19, v1;
	[tilespmem:s17+$0x9850] =	vst v18  }
0x136: {  	v16 =	vadd.f32 v16, v6;
	[tilespmem:s17+$0xC830] =	vst v17  }
0x137: {  	v23 =	vadd.f32 v23, v0;
	[tilespmem:s17+$0x9860] =	vst v19  }
0x138: {  	v18 =	vadd.f32 v18, v5;
	[tilespmem:s17+$0xC840] =	vst v16  }
0x139: {  	v17 =	vadd.f32 v19, v3;
	[tilespmem:s17+$0x9870] =	vst v23  }
0x13a: {  	v16 =	vadd.f32 v23, v2;
	[tilespmem:s17+$0xC850] =	vst v18  }
0x13b: {  	[tilespmem:s17+$0xC860] =	vst v17  }
0x13c: {  	s25 =	sadd.s32 $0x680, s13;
	[tilespmem:s17+$0xC870] =	vst v16  }
0x13d: {  	[hbm4b:s25+s6] =	stream.linear.scatter [tilespmem:s3], [sflag:$0x6], $0x3000, $0x38;
	[tilespmem:$0x1F700] =	vst v63  }
0x13e: {  	s13 =	sadd.s32 $0x1300, s13;
	s14 =	simm.s32 $0x9800;
	s12 =	simm.s32 @!p0 $0x8  }
0x13f: {  	[hbm4b:s13+s6] =	stream.linear.scatter [tilespmem:s14], [sflag:$0x6], $0x3000, $0x38;
	[tilespmem:$0x1F700] =	vst v63  }
0x140: {  	_ =	swait.ge @!p0 [sflag:s12], $0x3000  }
0x141: {  	[sflag:s12] =	ssyncset.done @!p0 $0x0  }
0x142: {  	[sflag:s12] =	ssyncadd.s32 @!p0 $0xFFFFD000  }
0x143: {  	_ =	swait.ge @!p0 [sflag:s12], $0x3000  }
0x144: {  	[sflag:s12] =	ssyncset.done @!p0 $0x0  }
0x145: {  	[sflag:s12] =	ssyncadd.s32 @!p0 $0xFFFFD000  }
0x146: {  	s2 =	sadd.s32 s16, s2;
	_ =	swait.ge [sflag:s11], $0x60  }
0x147: {  	s2 =	smin.u32 s2, $0x3FF;
	[sflag:s11] =	ssyncset.done $0x0  }
0x148: {  	s17 =	simm.s32 $0x19180;
	s25 =	simm.s32 $0x13000;
	[sflag:s11] =	ssyncadd.s32 $0xFFFFFFA0  }
0x149: {  	[tilespmem:s25], [sflag:$0x4] =	stream.indirect.gather [hbm4b:s1+s31], $0x80, s17, s31, $0xb8;
	[tilespmem:$0x1F700] =	vst v63  }
0x14a: {  	s2 =	smul.u32 $0x19, s2;
	_ =	swait.ge [sflag:s15], $0x3400  }
0x14b: {  	[sflag:s15] =	ssyncset.done $0x0  }
0x14c: {  	s2 =	sadd.s32 s8, s2;
	s12 =	simm.s32 $0xFFFFCC00;
	[sflag:s15] =	ssyncadd.s32 $0xFFFFCC00  }
0x14d: {  	[tilespmem:s24], [sflag:$0xB] =	stream.linear.gather [hbm4b:s2+s6], $0x68, $0x38;
	[tilespmem:$0x1F700] =	vst v63  }
0x14e: {  	v16 =	vld [tilespmem:s12+$0x1C600]  }
0x14f: {  	v17 =	vld [tilespmem:s12+$0x1C610]  }
0x150: {  	v18 =	vld [tilespmem:s12+$0x1C620]  }
0x151: {  	v19 =	vld [tilespmem:s12+$0x1C630]  }
0x152: {  	v23 =	vld [tilespmem:s12+$0x1C640]  }
0x153: {  	v24 =	vld [tilespmem:s12+$0x1C650]  }
0x154: {  	v25 =	vld [tilespmem:s12+$0x1C660]  }
0x155: {  	v26 =	vld [tilespmem:s12+$0x1C670]  }
0x156: {  	v20 =	vld [tilespmem:s12+$0xFC00]  }
0x157: {  	v21 =	vld [tilespmem:s12+$0xFC10]  }
0x158: {  	v22 =	vld [tilespmem:s12+$0xFC20]  }
0x159: {  	v27 =	vld [tilespmem:s12+$0xFC30]  }
0x15a: {  	v28 =	vld [tilespmem:s12+$0xFC40]  }
0x15b: {  	v29 =	vld [tilespmem:s12+$0xFC50];
	v16 =	vadd.f32 v16, v20  }
0x15c: {  	v30 =	vld [tilespmem:s12+$0xFC60];
	v21 =	vadd.f32 v17, v21  }
0x15d: {  	s2 =	simm.s32 $0xFFFFCC80;
	v31 =	vld [tilespmem:s12+$0xFC70];
	v60 =	vadd.f32 v16, v15;
	v16 =	vadd.f32 v18, v22  }
0x15e: {  	v17 =	vld [tilespmem:s2+$0x1C600];
	v61 =	vadd.f32 v21, v14;
	v18 =	vadd.f32 v19, v27  }
0x15f: {  	v20 =	vld [tilespmem:s2+$0x1C610];
	v19 =	vadd.f32 v23, v28;
	[tilespmem:s12+$0xFC00] =	vst v60;
	v34 =	vadd.f32 v16, v13  }
0x160: {  	v23 =	vadd.f32 v24, v29;
	v35 =	vadd.f32 v18, v10;
	v21 =	vld [tilespmem:s2+$0x1C620];
	[tilespmem:s12+$0xFC10] =	vst v61  }
0x161: {  	v25 =	vadd.f32 v25, v30;
	v24 =	vadd.f32 v19, v7;
	v22 =	vld [tilespmem:s2+$0x1C630];
	[tilespmem:s12+$0xFC20] =	vst v34  }
0x162: {  	v26 =	vadd.f32 v26, v31;
	v30 =	vadd.f32 v23, v4;
	v16 =	vld [tilespmem:s2+$0x1C640];
	[tilespmem:s12+$0xFC30] =	vst v35  }
0x163: {  	v36 =	vadd.f32 v25, v1;
	v18 =	vld [tilespmem:s2+$0x1C650];
	[tilespmem:s12+$0xFC40] =	vst v24  }
0x164: {  	v26 =	vadd.f32 v26, v0;
	v19 =	vld [tilespmem:s2+$0x1C660];
	[tilespmem:s12+$0xFC50] =	vst v30  }
0x165: {  	v25 =	vadd.f32 v60, v12;
	v23 =	vld [tilespmem:s2+$0x1C670];
	[tilespmem:s12+$0xFC60] =	vst v36  }
0x166: {  	v31 =	vadd.f32 v61, v11;
	v27 =	vld [tilespmem:s2+$0xFC00];
	[tilespmem:s12+$0xFC70] =	vst v26  }
0x167: {  	v62 =	vadd.f32 v34, v9;
	v29 =	vld [tilespmem:s2+$0xFC10];
	[tilespmem:s12+$0x13000] =	vst v25  }
0x168: {  	v63 =	vadd.f32 v35, v8;
	v28 =	vld [tilespmem:s2+$0xFC20];
	[tilespmem:s12+$0x13010] =	vst v31  }
0x169: {  	v32 =	vadd.f32 v24, v6;
	v26 =	vadd.f32 v26, v2;
	v25 =	vld [tilespmem:s2+$0xFC30];
	[tilespmem:s12+$0x13020] =	vst v62  }
0x16a: {  	s13 =	simm.s32 $0xFFFF3400;
	v31 =	vadd.f32 v30, v5;
	v30 =	vadd.f32 v36, v3;
	v24 =	vld [tilespmem:s2+$0xFC40];
	[tilespmem:s12+$0x13030] =	vst v63  }
.LBB2_12:
0x16b: {  	p0 =	sne.s32 s13, $0xFFFFFE00;
	v17 =	vadd.f32 v17, v27;
	v27 =	vld [tilespmem:s2+$0xFC50];
	[tilespmem:s12+$0x13040] =	vst v32  }
0x16c: {  	v20 =	vadd.f32 v20, v29;
	v29 =	vld [tilespmem:s2+$0xFC60];
	[tilespmem:s12+$0x13050] =	vst v31  }
0x16d: {  	s14 =	sshra.s32 s13, $0x2;
	v31 =	vadd.f32 v17, v15;
	v21 =	vadd.f32 v21, v28;
	v28 =	vld [tilespmem:s2+$0xFC70];
	[tilespmem:s12+$0x13060] =	vst v30  }
0x16e: {  	v17 =	vld [tilespmem:s14+$0x1C600];
	v30 =	vadd.f32 v20, v14;
	v22 =	vadd.f32 v22, v25;
	[tilespmem:s12+$0x13070] =	vst v26;
	s12 =	smov.u32 s2;
	s2 =	smov.u32 s14  }
0x16f: {  	v20 =	vld [tilespmem:s2+$0x1C610];
	[tilespmem:s12+$0xFC00] =	vst v31;
	v25 =	vadd.f32 v21, v13;
	v16 =	vadd.f32 v16, v24  }
0x170: {  	v21 =	vld [tilespmem:s2+$0x1C620];
	[tilespmem:s12+$0xFC10] =	vst v30;
	v24 =	vadd.f32 v22, v10;
	v18 =	vadd.f32 v18, v27  }
0x171: {  	v22 =	vld [tilespmem:s2+$0x1C630];
	[tilespmem:s12+$0xFC20] =	vst v25;
	v26 =	vadd.f32 v16, v7;
	v19 =	vadd.f32 v19, v29  }
0x172: {  	v16 =	vld [tilespmem:s2+$0x1C640];
	[tilespmem:s12+$0xFC30] =	vst v24;
	v29 =	vadd.f32 v18, v4;
	v23 =	vadd.f32 v23, v28  }
0x173: {  	v28 =	vadd.f32 v31, v12;
	v18 =	vld [tilespmem:s2+$0x1C650];
	[tilespmem:s12+$0xFC40] =	vst v26;
	v33 =	vadd.f32 v19, v1  }
0x174: {  	v34 =	vadd.f32 v30, v11;
	v19 =	vld [tilespmem:s2+$0x1C660];
	[tilespmem:s12+$0xFC50] =	vst v29;
	v35 =	vadd.f32 v23, v0  }
0x175: {  	v36 =	vadd.f32 v25, v9;
	v37 =	vadd.f32 v24, v8;
	v23 =	vld [tilespmem:s2+$0x1C670];
	[tilespmem:s12+$0xFC60] =	vst v33  }
.Ltmp5:
0x176: {  	v32 =	vadd.f32 v26, v6;
	v31 =	vadd.f32 v29, v5;
	v27 =	vld [tilespmem:s2+$0xFC00];
	[tilespmem:s12+$0xFC70] =	vst v35;
	(pc) =	sbr.rel @p0 .LBB2_12-.Ltmp5, $4  }
0x177: {  	v30 =	vadd.f32 v33, v3;
	v26 =	vadd.f32 v35, v2;
	v29 =	vld [tilespmem:s2+$0xFC10];
	[tilespmem:s12+$0x13000] =	vst v28  }
0x178: {  	v28 =	vld [tilespmem:s2+$0xFC20];
	[tilespmem:s12+$0x13010] =	vst v34  }
0x179: {  	v25 =	vld [tilespmem:s2+$0xFC30];
	[tilespmem:s12+$0x13020] =	vst v36  }
0x17a: {  	s13 =	sadd.s32 $0x200, s13;
	v24 =	vld [tilespmem:s2+$0xFC40];
	[tilespmem:s12+$0x13030] =	vst v37  }
0x17b: {  	v33 =	vld [tilespmem:s2+$0xFC50];
	[tilespmem:s12+$0x13040] =	vst v32;
	v17 =	vadd.f32 v17, v27  }
0x17c: {  	v32 =	vld [tilespmem:s2+$0xFC60];
	[tilespmem:s12+$0x13050] =	vst v31;
	v20 =	vadd.f32 v20, v29  }
0x17d: {  	v63 =	vld [tilespmem:s2+$0xFC70];
	v17 =	vadd.f32 v17, v15;
	v21 =	vadd.f32 v21, v28;
	[tilespmem:s12+$0x13060] =	vst v30  }
0x17e: {  	[tilespmem:s12+$0x13070] =	vst v26;
	v20 =	vadd.f32 v20, v14  }
0x17f: {  	v22 =	vadd.f32 v22, v25;
	[tilespmem:s2+$0xFC00] =	vst v17;
	v21 =	vadd.f32 v21, v13  }
0x180: {  	v17 =	vadd.f32 v17, v12;
	[tilespmem:s2+$0xFC10] =	vst v20  }
0x181: {  	v16 =	vadd.f32 v16, v24;
	v22 =	vadd.f32 v22, v10;
	[tilespmem:s2+$0xFC20] =	vst v21  }
0x182: {  	v20 =	vadd.f32 v20, v11;
	[tilespmem:s2+$0x13000] =	vst v17  }
0x183: {  	v18 =	vadd.f32 v18, v33;
	v16 =	vadd.f32 v16, v7;
	[tilespmem:s2+$0xFC30] =	vst v22  }
0x184: {  	v21 =	vadd.f32 v21, v9;
	[tilespmem:s2+$0x13010] =	vst v20  }
0x185: {  	v19 =	vadd.f32 v19, v32;
	v18 =	vadd.f32 v18, v4;
	[tilespmem:s2+$0xFC40] =	vst v16  }
0x186: {  	v17 =	vadd.f32 v22, v8;
	[tilespmem:s2+$0x13020] =	vst v21  }
0x187: {  	v23 =	vadd.f32 v23, v63;
	v19 =	vadd.f32 v19, v1;
	[tilespmem:s2+$0xFC50] =	vst v18  }
0x188: {  	v16 =	vadd.f32 v16, v6;
	[tilespmem:s2+$0x13030] =	vst v17  }
0x189: {  	s10 =	sor.u32 $0x20, s10;
	v23 =	vadd.f32 v23, v0;
	[tilespmem:s2+$0xFC60] =	vst v19  }
0x18a: {  	s13 =	smul.u32 $0x1900, s10;
	v18 =	vadd.f32 v18, v5;
	[tilespmem:s2+$0x13040] =	vst v16  }
0x18b: {  	s19 =	sadd.s32 $0x1, s19;
	s10 =	smul.u32 $0xC800, s10;
	v17 =	vadd.f32 v19, v3;
	[tilespmem:s2+$0xFC70] =	vst v23  }
0x18c: {  	p0 =	sne.s32 s19, $0x10;
	v16 =	vadd.f32 v23, v2;
	[tilespmem:s2+$0x13050] =	vst v18  }
.Ltmp6:
0x18d: {  	s17 =	sshrl.u32 s10, $0x3;
	[tilespmem:s2+$0x13060] =	vst v17;
	(pc) =	sbr.rel @p0 .LBB2_2-.Ltmp6, $4  }
0x18e: {  	s14 =	sadd.s32 s5, s13;
	[tilespmem:s2+$0x13070] =	vst v16;
	s2 =	sadd.s32 s5, s17  }
0x18f: {  	[hbm4b:s14+s6] =	stream.linear.scatter [tilespmem:s20], [sflag:$0x7], $0x3400, $0x38;
	[tilespmem:$0x1F700] =	vst v63  }
0x190: {  	s25 =	simm.s32 $0xFC00;
	s2 =	sadd.s32 $0xC80, s2  }
0x191: {  	[hbm4b:s2+s6] =	stream.linear.scatter [tilespmem:s25], [sflag:$0x7], $0x3400, $0x38;
	[tilespmem:$0x1F700] =	vst v63  }
0x192: {  	_ =	swait.ge [sflag:s18], $0x3000  }
0x193: {  	[sflag:s18] =	ssyncset.done $0x0  }
0x194: {  	s10 =	simm.s32 $0x19180;
	s2 =	rddreg [dreg:$0xc];
	[sflag:s18] =	ssyncadd.s32 $0xFFFFD000  }
0x195: {  	[tilespmem:s10], [sflag:$0xC] =	stream.linear.gather [hbm4b:s2+s6], $0x60, $0x38;
	[tilespmem:$0x1F700] =	vst v63  }
0x196: {  	s10 =	simm.s32 $0xFFFFD000  }
0x197: {  	v16 =	vld [tilespmem:s10+$0x1F600]  }
0x198: {  	v17 =	vld [tilespmem:s10+$0x1F610]  }
0x199: {  	v18 =	vld [tilespmem:s10+$0x1F620]  }
0x19a: {  	v19 =	vld [tilespmem:s10+$0x1F630]  }
0x19b: {  	v23 =	vld [tilespmem:s10+$0x1F640]  }
0x19c: {  	v24 =	vld [tilespmem:s10+$0x1F650]  }
0x19d: {  	v25 =	vld [tilespmem:s10+$0x1F660]  }
0x19e: {  	v26 =	vld [tilespmem:s10+$0x1F670]  }
0x19f: {  	v20 =	vld [tilespmem:s10+$0x16000]  }
0x1a0: {  	v21 =	vld [tilespmem:s10+$0x16010]  }
0x1a1: {  	v22 =	vld [tilespmem:s10+$0x16020]  }
0x1a2: {  	v27 =	vld [tilespmem:s10+$0x16030]  }
0x1a3: {  	v28 =	vld [tilespmem:s10+$0x16040]  }
0x1a4: {  	v29 =	vld [tilespmem:s10+$0x16050];
	v16 =	vadd.f32 v16, v20  }
0x1a5: {  	v30 =	vld [tilespmem:s10+$0x16060];
	v21 =	vadd.f32 v17, v21  }
0x1a6: {  	s2 =	simm.s32 $0xFFFFD080;
	v31 =	vld [tilespmem:s10+$0x16070];
	v32 =	vadd.f32 v16, v15;
	v16 =	vadd.f32 v18, v22  }
0x1a7: {  	v17 =	vld [tilespmem:s2+$0x1F600];
	v33 =	vadd.f32 v21, v14;
	v18 =	vadd.f32 v19, v27  }
0x1a8: {  	v20 =	vld [tilespmem:s2+$0x1F610];
	v19 =	vadd.f32 v23, v28;
	[tilespmem:s10+$0x16000] =	vst v32;
	v34 =	vadd.f32 v16, v13  }
0x1a9: {  	v23 =	vadd.f32 v24, v29;
	v35 =	vadd.f32 v18, v10;
	v21 =	vld [tilespmem:s2+$0x1F620];
	[tilespmem:s10+$0x16010] =	vst v33  }
0x1aa: {  	v25 =	vadd.f32 v25, v30;
	v24 =	vadd.f32 v19, v7;
	v22 =	vld [tilespmem:s2+$0x1F630];
	[tilespmem:s10+$0x16020] =	vst v34  }
0x1ab: {  	v26 =	vadd.f32 v26, v31;
	v30 =	vadd.f32 v23, v4;
	v16 =	vld [tilespmem:s2+$0x1F640];
	[tilespmem:s10+$0x16030] =	vst v35  }
0x1ac: {  	v36 =	vadd.f32 v25, v1;
	v18 =	vld [tilespmem:s2+$0x1F650];
	[tilespmem:s10+$0x16040] =	vst v24  }
0x1ad: {  	v26 =	vadd.f32 v26, v0;
	v19 =	vld [tilespmem:s2+$0x1F660];
	[tilespmem:s10+$0x16050] =	vst v30  }
0x1ae: {  	v25 =	vadd.f32 v32, v12;
	v23 =	vld [tilespmem:s2+$0x1F670];
	[tilespmem:s10+$0x16060] =	vst v36  }
0x1af: {  	v31 =	vadd.f32 v33, v11;
	v27 =	vld [tilespmem:s2+$0x16000];
	[tilespmem:s10+$0x16070] =	vst v26  }
0x1b0: {  	v62 =	vadd.f32 v34, v9;
	v29 =	vld [tilespmem:s2+$0x16010];
	[tilespmem:s10+$0x19000] =	vst v25  }
0x1b1: {  	v63 =	vadd.f32 v35, v8;
	v28 =	vld [tilespmem:s2+$0x16020];
	[tilespmem:s10+$0x19010] =	vst v31  }
0x1b2: {  	v32 =	vadd.f32 v24, v6;
	v26 =	vadd.f32 v26, v2;
	v25 =	vld [tilespmem:s2+$0x16030];
	[tilespmem:s10+$0x19020] =	vst v62  }
0x1b3: {  	s12 =	simm.s32 $0xFFFF4400;
	v31 =	vadd.f32 v30, v5;
	v30 =	vadd.f32 v36, v3;
	v24 =	vld [tilespmem:s2+$0x16040];
	[tilespmem:s10+$0x19030] =	vst v63  }
.LBB2_15:
0x1b4: {  	p0 =	sne.s32 s12, $0xFFFFFE00;
	v17 =	vadd.f32 v17, v27;
	v27 =	vld [tilespmem:s2+$0x16050];
	[tilespmem:s10+$0x19040] =	vst v32  }
0x1b5: {  	v20 =	vadd.f32 v20, v29;
	v29 =	vld [tilespmem:s2+$0x16060];
	[tilespmem:s10+$0x19050] =	vst v31  }
0x1b6: {  	s13 =	sshra.s32 s12, $0x2;
	v31 =	vadd.f32 v17, v15;
	v21 =	vadd.f32 v21, v28;
	v28 =	vld [tilespmem:s2+$0x16070];
	[tilespmem:s10+$0x19060] =	vst v30  }
0x1b7: {  	v17 =	vld [tilespmem:s13+$0x1F600];
	v30 =	vadd.f32 v20, v14;
	v22 =	vadd.f32 v22, v25;
	[tilespmem:s10+$0x19070] =	vst v26;
	s10 =	smov.u32 s2;
	s2 =	smov.u32 s13  }
0x1b8: {  	v20 =	vld [tilespmem:s2+$0x1F610];
	[tilespmem:s10+$0x16000] =	vst v31;
	v25 =	vadd.f32 v21, v13;
	v16 =	vadd.f32 v16, v24  }
0x1b9: {  	v21 =	vld [tilespmem:s2+$0x1F620];
	[tilespmem:s10+$0x16010] =	vst v30;
	v24 =	vadd.f32 v22, v10;
	v18 =	vadd.f32 v18, v27  }
0x1ba: {  	v22 =	vld [tilespmem:s2+$0x1F630];
	[tilespmem:s10+$0x16020] =	vst v25;
	v26 =	vadd.f32 v16, v7;
	v19 =	vadd.f32 v19, v29  }
0x1bb: {  	v16 =	vld [tilespmem:s2+$0x1F640];
	[tilespmem:s10+$0x16030] =	vst v24;
	v29 =	vadd.f32 v18, v4;
	v23 =	vadd.f32 v23, v28  }
0x1bc: {  	v28 =	vadd.f32 v31, v12;
	v18 =	vld [tilespmem:s2+$0x1F650];
	[tilespmem:s10+$0x16040] =	vst v26;
	v33 =	vadd.f32 v19, v1  }
0x1bd: {  	v34 =	vadd.f32 v30, v11;
	v19 =	vld [tilespmem:s2+$0x1F660];
	[tilespmem:s10+$0x16050] =	vst v29;
	v35 =	vadd.f32 v23, v0  }
0x1be: {  	v36 =	vadd.f32 v25, v9;
	v37 =	vadd.f32 v24, v8;
	v23 =	vld [tilespmem:s2+$0x1F670];
	[tilespmem:s10+$0x16060] =	vst v33  }
.Ltmp7:
0x1bf: {  	v32 =	vadd.f32 v26, v6;
	v31 =	vadd.f32 v29, v5;
	v27 =	vld [tilespmem:s2+$0x16000];
	[tilespmem:s10+$0x16070] =	vst v35;
	(pc) =	sbr.rel @p0 .LBB2_15-.Ltmp7, $4  }
0x1c0: {  	v30 =	vadd.f32 v33, v3;
	v26 =	vadd.f32 v35, v2;
	v29 =	vld [tilespmem:s2+$0x16010];
	[tilespmem:s10+$0x19000] =	vst v28  }
0x1c1: {  	v28 =	vld [tilespmem:s2+$0x16020];
	[tilespmem:s10+$0x19010] =	vst v34  }
0x1c2: {  	v25 =	vld [tilespmem:s2+$0x16030];
	[tilespmem:s10+$0x19020] =	vst v36  }
0x1c3: {  	s12 =	sadd.s32 $0x200, s12;
	v24 =	vld [tilespmem:s2+$0x16040];
	[tilespmem:s10+$0x19030] =	vst v37  }
0x1c4: {  	v33 =	vld [tilespmem:s2+$0x16050];
	[tilespmem:s10+$0x19040] =	vst v32;
	v17 =	vadd.f32 v17, v27  }
0x1c5: {  	v32 =	vld [tilespmem:s2+$0x16060];
	[tilespmem:s10+$0x19050] =	vst v31;
	v20 =	vadd.f32 v20, v29  }
0x1c6: {  	v58 =	vld [tilespmem:s2+$0x16070];
	v15 =	vadd.f32 v17, v15;
	v59 =	vadd.f32 v21, v28;
	[tilespmem:s10+$0x19060] =	vst v30  }
0x1c7: {  	[tilespmem:s10+$0x19070] =	vst v26;
	v14 =	vadd.f32 v20, v14  }
0x1c8: {  	v60 =	vadd.f32 v22, v25;
	[tilespmem:s2+$0x16000] =	vst v15;
	v13 =	vadd.f32 v59, v13  }
0x1c9: {  	v12 =	vadd.f32 v15, v12;
	[tilespmem:s2+$0x16010] =	vst v14  }
0x1ca: {  	v16 =	vadd.f32 v16, v24;
	v10 =	vadd.f32 v60, v10;
	[tilespmem:s2+$0x16020] =	vst v13  }
0x1cb: {  	v11 =	vadd.f32 v14, v11;
	[tilespmem:s2+$0x19000] =	vst v12  }
0x1cc: {  	v61 =	vadd.f32 v18, v33;
	v7 =	vadd.f32 v16, v7;
	[tilespmem:s2+$0x16030] =	vst v10  }
0x1cd: {  	v9 =	vadd.f32 v13, v9;
	[tilespmem:s2+$0x19010] =	vst v11  }
0x1ce: {  	v62 =	vadd.f32 v19, v32;
	v4 =	vadd.f32 v61, v4;
	[tilespmem:s2+$0x16040] =	vst v7  }
0x1cf: {  	v8 =	vadd.f32 v10, v8;
	[tilespmem:s2+$0x19020] =	vst v9  }
0x1d0: {  	v63 =	vadd.f32 v23, v58;
	v1 =	vadd.f32 v62, v1;
	[tilespmem:s2+$0x16050] =	vst v4  }
0x1d1: {  	v6 =	vadd.f32 v7, v6;
	[tilespmem:s2+$0x19030] =	vst v8  }
0x1d2: {  	v0 =	vadd.f32 v63, v0;
	[tilespmem:s2+$0x16060] =	vst v1  }
0x1d3: {  	v4 =	vadd.f32 v4, v5;
	[tilespmem:s2+$0x19040] =	vst v6  }
0x1d4: {  	v1 =	vadd.f32 v1, v3;
	[tilespmem:s2+$0x16070] =	vst v0  }
0x1d5: {  	v0 =	vadd.f32 v0, v2;
	[tilespmem:s2+$0x19050] =	vst v4  }
0x1d6: {  	[tilespmem:s2+$0x19060] =	vst v1  }
0x1d7: {  	s19 =	rddreg [dreg:$0xd];
	s25 =	simm.s32 $0x13000;
	[tilespmem:s2+$0x19070] =	vst v0  }
0x1d8: {  	[hbm4b:s19+s6] =	stream.linear.scatter [tilespmem:s25], [sflag:$0x8], $0x3000, $0x38;
	[tilespmem:$0x1F700] =	vst v63  }
0x1d9: {  	s12 =	rddreg [dreg:$0xe];
	s13 =	simm.s32 $0x16000  }
0x1da: {  	[hbm4b:s12+s6] =	stream.linear.scatter [tilespmem:s13], [sflag:$0x8], $0x3000, $0x38;
	[tilespmem:$0x1F700] =	vst v63  }
0x1db: {  	_ =	swait.ge [sflag:s9], $0x3400  }
0x1dc: {  	[sflag:s9] =	ssyncset.done $0x0  }
0x1dd: {  	[sflag:s9] =	ssyncadd.s32 $0xFFFFCC00  }
0x1de: {  	_ =	swait.ge [sflag:s9], $0x3400  }
0x1df: {  	[sflag:s9] =	ssyncset.done $0x0  }
0x1e0: {  	[sflag:s9] =	ssyncadd.s32 $0xFFFFCC00  }
0x1e1: {  	_ =	swait.ge [sflag:s28], $0x68  }
0x1e2: {  	[sflag:s28] =	ssyncset.done $0x0  }
0x1e3: {  	[sflag:s28] =	ssyncadd.s32 $0xFFFFFF98  }
0x1e4: {  	_ =	swait.ge [sflag:s26], $0x3000  }
0x1e5: {  	[sflag:s26] =	ssyncset.done $0x0  }
0x1e6: {  	[sflag:s26] =	ssyncadd.s32 $0xFFFFD000  }
0x1e7: {  	_ =	swait.ge [sflag:s26], $0x3000  }
0x1e8: {  	[sflag:s26] =	ssyncset.done $0x0  }
0x1e9: {  	[sflag:s26] =	ssyncadd.s32 $0xFFFFD000  }
0x1ea: {  	_ =	swait.ge [sflag:s30], $0x60  }
0x1eb: {  	[sflag:s30] =	ssyncset.done $0x0  }
0x1ec: {  	s14 =	simm.s32 $0x7;
	[sflag:s30] =	ssyncadd.s32 $0xFFFFFFA0  }
0x1ed: {  	_ =	swait.ge [sflag:s14], $0x3400  }
0x1ee: {  	[sflag:s14] =	ssyncset.done $0x0  }
0x1ef: {  	[sflag:s14] =	ssyncadd.s32 $0xFFFFCC00  }
0x1f0: {  	_ =	swait.ge [sflag:s14], $0x3400  }
0x1f1: {  	[sflag:s14] =	ssyncset.done $0x0  }
0x1f2: {  	[sflag:s14] =	ssyncadd.s32 $0xFFFFCC00  }
0x1f3: {  	_ =	swait.ge [sflag:s4], $0x68  }
0x1f4: {  	[sflag:s4] =	ssyncset.done $0x0  }
0x1f5: {  	s17 =	simm.s32 $0x8;
	[sflag:s4] =	ssyncadd.s32 $0xFFFFFF98  }
0x1f6: {  	_ =	swait.ge [sflag:s17], $0x3000  }
0x1f7: {  	[sflag:s17] =	ssyncset.done $0x0  }
0x1f8: {  	[sflag:s17] =	ssyncadd.s32 $0xFFFFD000  }
0x1f9: {  	_ =	swait.ge [sflag:s17], $0x3000  }
0x1fa: {  	[sflag:s17] =	ssyncset.done $0x0  }
0x1fb: {  	[sflag:s17] =	ssyncadd.s32 $0xFFFFD000  }
0x1fc: {  	_ =	swait.ge [sflag:s11], $0x60  }
0x1fd: {  	s19 =	rddreg [dreg:$0x10]  }
0x1fe: {  	s25 =	rddreg [dreg:$0xf];
	s10 =	sadd.s32 $0x1, s19  }
0x1ff: {  	p0 =	sne.s32 s10, s25  }
.Ltmp8:
0x200: {  	_ = 	snop;
	(pc) =	sbr.rel @p0 .LBB2_1-.Ltmp8, $3  }
0x201: {  	_ =	sdelay $0x1  }
0x202: {  	[sflag:s11] =	ssyncset.done $0x0  }
0x203: {  	[sflag:s11] =	ssyncadd.s32 $0xFFFFFFA0  }
0x204: {  	_ =	sfence.sel $0x180000  }
0x205: {  	[bflag:$0x0] =	sbarrier.arrive $0xFFFF  }
0x206: {  	_ =	strace $0x90000047  }
0x207: {  	s0 =	stileid.u32;
	[bflag:$0x2] =	sbarrier.arrive $0xFFFF  }
0x208: {  	p0 =	sne.s32 s0, $0x0;
	s0 =	rddreg [dreg:$0x5]  }
0x209: {  	s0 =	sadd.s32 @!p0 $0x100000, s0  }
0x20a: {  	[sflag:s0] =	ssyncadd.tile.s32 @!p0 $0x1;
	_ =	shalt  }
.Lfunc_end2:
_tile_overlayer_lowered:
.L_overlay_start_2:
0x20b: {  	(tag) =	ssettag $0x2  }
0x20c: {  	s0 =	rddreg [dreg:$0x0];
	s2 =	stileid.u32  }
0x20d: {  	s1 =	rddreg [dreg:$0x1];
	p0 =	sne.s32 s2, $0x0  }
0x20e: {  	s3 =	rddreg [dreg:$0x2];
	[bflag:$0x3] =	sbarrier.arrive $0xFFFF;
	s2 =	simm.s32 @!p0 $0x1C0E  }
0x20f: {  	[timem:s3], [sflag:s2] =	dma.local @!p0 [hbm:s0], s1  }
0x210: {  	s0 =	simm.s32 @!p0 $0xE  }
0x211: {  	_ =	swait.ge @!p0 [sflag:s0], s1  }
0x212: {  	s1 =	ssub.s32 @!p0 $0x0, s1;
	[sflag:s0] =	ssyncset.done @!p0 $0x0  }
0x213: {  	[sflag:s0] =	ssyncadd.s32 @!p0 s1  }
0x214: {  	[bflag:$0x3] =	sbarrier.arrive $0xFFFF  }
0x215: {  	_ =	shalt  }

</sc_bundles>
